<compile_context>
chip_gen: v7x
topology: tpu7x:2x2x1
jax: 0.10.2.dev20260603
libtpu: 0.0.44.dev20260713+nightly
codegen_flags: <defaults>
</compile_context>

<pallas_src>
import jax
import jax.numpy as jnp
from jax import lax
from jax.experimental import pallas as pl
from jax.experimental.pallas import tpu as pltpu
from jax.experimental.pallas import tpu_sc as plsc

_L = 2
_B = 80
_BN = 128
_K = 512
_NCH = 13
_SQRT_2_OVER_PI = 0.7978845608028654
_GELU_C = 0.044715


def _gelu_tc(v):
    return 0.5 * v * (1.0 + jnp.tanh(_SQRT_2_OVER_PI * (v + _GELU_C * v * v * v)))


def _edge_c_body(attr_ref, wc_ref, bc_ref, out_ref):
    a = attr_ref[...]
    for l in range(_L):
        for k in range(2):
            j = l * 2 + k
            w = wc_ref[:, j * 128:(j + 1) * 128]
            out_ref[l, k] = (
                jnp.dot(a, w, preferred_element_type=jnp.float32) + bc_ref[j])


def _edge_c(edge_attr, wc, bc, E, D):
    Be = 1000
    return pl.pallas_call(
        _edge_c_body,
        grid=(E // Be,),
        in_specs=[
            pl.BlockSpec((Be, D), lambda i: (i, 0)),
            pl.BlockSpec((D, 4 * D), lambda i: (0, 0)),
            pl.BlockSpec((4, D), lambda i: (0, 0)),
        ],
        out_specs=pl.BlockSpec((_L, 2, Be, D), lambda i: (0, 0, i, 0)),
        out_shape=jax.ShapeDtypeStruct((_L, 2, E, D), jnp.float32),
    )(edge_attr, wc, bc)


def _node_body(x_ref, w_ref, out_ref):
    xb = x_ref[...]
    for t in range(2):
        for k in range(2):
            j = t * 2 + k
            out_ref[t, k] = jnp.dot(
                xb, w_ref[:, j * 128:(j + 1) * 128],
                preferred_element_type=jnp.float32)


def _node_tables(x, wnode, N, D):
    Bn = 1000
    return pl.pallas_call(
        _node_body,
        grid=(N // Bn,),
        in_specs=[
            pl.BlockSpec((Bn, D), lambda i: (i, 0)),
            pl.BlockSpec((D, 4 * D), lambda i: (0, 0)),
        ],
        out_specs=pl.BlockSpec((2, 2, Bn, D), lambda i: (0, 0, i, 0)),
        out_shape=jax.ShapeDtypeStruct((2, 2, N, D), jnp.float32),
    )(x, wnode)


def _sc_build(E, D):
    mesh = plsc.VectorSubcoreMesh(core_axis_name="c", subcore_axis_name="s")
    n_sub = 16
    per_tile = E // n_sub
    n_chunks = per_tile // _B

    scratch = [
        pltpu.VMEM((_B,), jnp.int32),
        pltpu.VMEM((_B,), jnp.int32),
        pltpu.VMEM((_B,), jnp.int32),
        pltpu.VMEM((_B, D), jnp.float32),
        pltpu.VMEM((_B, D), jnp.float32),
        pltpu.VMEM((_B, D), jnp.float32),
        pltpu.SemaphoreType.DMA,
        pltpu.SemaphoreType.DMA,
        pltpu.SemaphoreType.DMA,
    ]

    def body(ip, iq, ic, p2, q2, c2, s_o,
             idx_p, idx_q, idx_c, rp, rq, rc, s1, s2, s3):
        c = lax.axis_index("c")
        s = lax.axis_index("s")
        base = c * E + s * per_tile

        def chunk(g, carry):
            off = base + g * _B
            pltpu.sync_copy(ip.at[pl.ds(off, _B)], idx_p)
            pltpu.sync_copy(iq.at[pl.ds(off, _B)], idx_q)
            pltpu.sync_copy(ic.at[pl.ds(off, _B)], idx_c)
            d1 = pltpu.async_copy(p2.at[idx_p], rp, s1)
            d2 = pltpu.async_copy(q2.at[idx_q], rq, s2)
            d3 = pltpu.async_copy(c2.at[idx_c], rc, s3)
            d1.wait()
            d2.wait()
            d3.wait()

            def row(r, rcarry):
                for c16 in range(D // 16):
                    sl = pl.ds(c16 * 16, 16)
                    rp[r, sl] = rp[r, sl] + rq[r, sl] + rc[r, sl]
                return rcarry
            lax.fori_loop(0, _B, row, 0)

            pltpu.sync_copy(rp, s_o.at[pl.ds(off, _B)])
            return carry
        lax.fori_loop(0, n_chunks, chunk, 0)

    return pl.kernel(
        body,
        out_type=jax.ShapeDtypeStruct((2 * E, D), jnp.float32),
        mesh=mesh,
        scratch_types=scratch)


def _agg_build(E, D, nb):
    nbp = nb + 1

    def body(starts_ref, s_any, ids_any, sums_ref, cnt_ref,
             sbuf, ibuf, sem1, sem2):
        c = pl.program_id(0)
        b = pl.program_id(1)
        k = pl.program_id(2)
        seg0 = starts_ref[c * nbp + b]
        seg1 = starts_ref[c * nbp + b + 1]

        @pl.when(k == 0)
        def _init():
            sums_ref[...] = jnp.zeros_like(sums_ref)
            cnt_ref[...] = jnp.zeros_like(cnt_ref)

        base = (seg0 // _K) * _K + k * _K

        @pl.when(base < seg1)
        def _work():
            row0 = c * E + base
            cp1 = pltpu.make_async_copy(s_any.at[pl.ds(row0, _K)], sbuf, sem1)
            cp2 = pltpu.make_async_copy(ids_any.at[pl.ds(row0, _K)], ibuf, sem2)
            cp1.start()
            cp2.start()
            cp1.wait()
            cp2.wait()
            u = _gelu_tc(sbuf[...])
            local = ibuf[...] - b * _BN
            rid = lax.broadcasted_iota(jnp.int32, (_BN, _K), 0)
            epos = lax.broadcasted_iota(jnp.int32, (_BN, _K), 1) + base
            oh = jnp.where((local[None, :] == rid) & (epos < seg1), 1.0, 0.0)
            sums_ref[0] += jnp.dot(oh, u, preferred_element_type=jnp.float32)
            cnt_ref[0] += jnp.sum(oh, axis=1, keepdims=True)

    def agg(starts, s_pad, ids_pad):
        return pl.pallas_call(
            body,
            grid_spec=pltpu.PrefetchScalarGridSpec(
                num_scalar_prefetch=1,
                grid=(2, nb, _NCH),
                in_specs=[
                    pl.BlockSpec(memory_space=pl.ANY),
                    pl.BlockSpec(memory_space=pl.ANY),
                ],
                out_specs=[
                    pl.BlockSpec((1, _BN, D), lambda c, b, k, sref: (c, b, 0)),
                    pl.BlockSpec((1, _BN, 1), lambda c, b, k, sref: (c, b, 0)),
                ],
                scratch_shapes=[
                    pltpu.VMEM((_K, D), jnp.float32),
                    pltpu.VMEM((_K,), jnp.int32),
                    pltpu.SemaphoreType.DMA,
                    pltpu.SemaphoreType.DMA,
                ],
            ),
            out_shape=[
                jax.ShapeDtypeStruct((2, nb * _BN, D), jnp.float32),
                jax.ShapeDtypeStruct((2, nb * _BN, 1), jnp.float32),
            ],
        )(starts, s_pad, ids_pad)

    return agg


def _merge_body(x_ref, sums_ref, cnt_ref, g_ref, lng_ref, lnb_ref, out_ref):
    xb = x_ref[...]
    fw = sums_ref[0] / jnp.maximum(cnt_ref[0], 1.0)
    bw = sums_ref[1] / jnp.maximum(cnt_ref[1], 1.0)
    h = (jnp.dot(xb, g_ref[0], preferred_element_type=jnp.float32)
         + jnp.dot(fw, g_ref[1], preferred_element_type=jnp.float32)
         + jnp.dot(bw, g_ref[2], preferred_element_type=jnp.float32))
    y = xb + _gelu_tc(h)
    mu = jnp.mean(y, axis=-1, keepdims=True)
    var = jnp.mean((y - mu) ** 2, axis=-1, keepdims=True)
    out_ref[...] = (y - mu) * lax.rsqrt(var + 1e-5) * lng_ref[...] + lnb_ref[...]


def _merge(x, sums, counts, g3, lng, lnb, N, D):
    Bn = 1000
    return pl.pallas_call(
        _merge_body,
        grid=(N // Bn,),
        in_specs=[
            pl.BlockSpec((Bn, D), lambda i: (i, 0)),
            pl.BlockSpec((2, Bn, D), lambda i: (0, i, 0)),
            pl.BlockSpec((2, Bn, 1), lambda i: (0, i, 0)),
            pl.BlockSpec((3, D, D), lambda i: (0, 0, 0)),
            pl.BlockSpec((1, D), lambda i: (0, 0)),
            pl.BlockSpec((1, D), lambda i: (0, 0)),
        ],
        out_specs=pl.BlockSpec((Bn, D), lambda i: (i, 0)),
        out_shape=jax.ShapeDtypeStruct((N, D), jnp.float32),
    )(x, sums, counts, g3, lng, lnb)


def kernel(x, edge_index, edge_attr, fw_Wn, fw_bn, fw_We, fw_be, fw_Wm, fw_bm,
           bw_Wn, bw_bn, bw_We, bw_be, bw_Wm, bw_bm, mg_W, ln_g, ln_b):
    N, D = x.shape
    E = edge_index.shape[1]
    nb = (N + _BN - 1) // _BN

    Wn = (fw_Wn, bw_Wn); bn = (fw_bn, bw_bn)
    We = (fw_We, bw_We); be = (fw_be, bw_be)
    Wm = (fw_Wm, bw_Wm); bm = (fw_bm, bw_bm)

    wc_cols, bc_rows, wnode = [], [], []
    for l in range(_L):
        pcols, qcols = [], []
        for k in range(2):
            m = Wm[k][l]
            wm1, wm2, wm3 = m[:D], m[D:2 * D], m[2 * D:]
            wc_cols.append(We[k][l] @ wm2)
            bc_rows.append(be[k][l] @ wm2 + bn[k][l] @ wm3 + bm[k][l])
            pcols.append(wm1)
            qcols.append(Wn[k][l] @ wm3)
        wnode.append(jnp.concatenate(pcols + qcols, axis=1))
    wc = jnp.concatenate(wc_cols, axis=1)
    bc = jnp.stack(bc_rows)

    c_all = _edge_c(edge_attr, wc, bc, E, D)

    src, dst = edge_index[0], edge_index[1]
    perm0 = jnp.argsort(dst)
    perm1 = jnp.argsort(src)
    d0 = dst[perm0]
    s1 = src[perm1]
    ip = jnp.concatenate([d0, s1 + N])
    iq = jnp.concatenate([src[perm0], dst[perm1] + N])
    ic = jnp.concatenate([perm0, perm1 + E])
    big = jnp.full((_K,), jnp.int32(1 << 30))
    ids_pad = jnp.concatenate([d0, s1, big])
    bounds = jnp.arange(nb + 1, dtype=jnp.int32) * _BN
    starts = jnp.concatenate([
        jnp.searchsorted(d0, bounds).astype(jnp.int32),
        jnp.searchsorted(s1, bounds).astype(jnp.int32),
    ])

    sc = _sc_build(E, D)
    agg = _agg_build(E, D, nb)
    zpad = jnp.zeros((_K, D), jnp.float32)
    counts = None
    for l in range(_L):
        pq = _node_tables(x, wnode[l], N, D)
        p2 = pq[0].reshape(2 * N, D)
        q2 = pq[1].reshape(2 * N, D)
        c2 = c_all[l].reshape(2 * E, D)
        s_sorted = sc(ip, iq, ic, p2, q2, c2)
        s_pad = jnp.concatenate([s_sorted, zpad])
        sums, cnt_l = agg(starts, s_pad, ids_pad)
        if l == 0:
            counts = cnt_l[:, :N]
        sums = sums[:, :N]
        g3 = mg_W[l].reshape(3, D, D)
        x = _merge(x, sums, counts, g3, ln_g[l].reshape(1, D),
                   ln_b[l].reshape(1, D), N, D)
    return x

# --- scband reference (transcript-rebuilt; emitter-appended) ---
"""Pipeline reference for scband-bgraph-conv-wrapper-75265006895802 (READ-ONLY COPY).

The authoritative reference and input builder live on the scoring server;
editing this copy changes nothing except your own understanding.
"""

import jax, jax.numpy as jnp
import numpy as np

N = 10000
E = 320000
D = 128
L = 2


def setup_inputs(seed: int = 0) -> dict:
    key = jax.random.key(seed)
    ks = jax.random.split(key, 16)
    x = jax.random.normal(ks[0], (N, D), dtype=jnp.float32)
    edge_index = jax.random.randint(ks[1], (2, E), 0, N, dtype=jnp.int32)
    edge_attr = jax.random.normal(ks[2], (E, D), dtype=jnp.float32)

    def lin(k, fan_in, shape):
        return jax.random.normal(k, shape, dtype=jnp.float32) / np.sqrt(fan_in)

    inp = {
        'x': x,
        'edge_index': edge_index,
        'edge_attr': edge_attr,
        'fw_Wn': lin(ks[3], D, (L, D, D)),
        'fw_bn': jnp.zeros((L, D), dtype=jnp.float32),
        'fw_We': lin(ks[4], D, (L, D, D)),
        'fw_be': jnp.zeros((L, D), dtype=jnp.float32),
        'fw_Wm': lin(ks[5], 3 * D, (L, 3 * D, D)),
        'fw_bm': jnp.zeros((L, D), dtype=jnp.float32),
        'bw_Wn': lin(ks[6], D, (L, D, D)),
        'bw_bn': jnp.zeros((L, D), dtype=jnp.float32),
        'bw_We': lin(ks[7], D, (L, D, D)),
        'bw_be': jnp.zeros((L, D), dtype=jnp.float32),
        'bw_Wm': lin(ks[8], 3 * D, (L, 3 * D, D)),
        'bw_bm': jnp.zeros((L, D), dtype=jnp.float32),
        'mg_W': lin(ks[9], 3 * D, (L, 3 * D, D)),
        'ln_g': jnp.ones((L, D), dtype=jnp.float32),
        'ln_b': jnp.zeros((L, D), dtype=jnp.float32),
    }
    return inp


def _conv(x, src, dst, edge_attr, Wn, bn, We, be, Wm, bm):
    # PyG MessagePassing: x_j = x[src], x_i = x[dst]; aggr='mean' at dst.
    x_i = x[dst]
    x_j = x[src]
    e = edge_attr @ We + be          # mlp_e (Dropout is identity in eval)
    n = x_j @ Wn + bn                # mlp_n
    h = jnp.concatenate([x_i, e, n], axis=-1)
    msg = jax.nn.gelu(h @ Wm + bm, approximate=False)  # merge MLP
    sums = jax.ops.segment_sum(msg, dst, num_segments=x.shape[0])
    cnt = jax.ops.segment_sum(jnp.ones((msg.shape[0], 1), msg.dtype), dst, num_segments=x.shape[0])
    return sums / jnp.maximum(cnt, 1.0)


def reference(x, edge_index, edge_attr, fw_Wn, fw_bn, fw_We, fw_be, fw_Wm, fw_bm, bw_Wn, bw_bn, bw_We, bw_be, bw_Wm, bw_bm, mg_W, ln_g, ln_b):
    src = edge_index[0]
    dst = edge_index[1]
    for l in range(L):
        fw_x = _conv(x, src, dst, edge_attr, fw_Wn[l], fw_bn[l], fw_We[l], fw_be[l], fw_Wm[l], fw_bm[l])
        # bw uses edge_index.flip(0): src/dst swapped
        bw_x = _conv(x, dst, src, edge_attr, bw_Wn[l], bw_bn[l], bw_We[l], bw_be[l], bw_Wm[l], bw_bm[l])
        h = jnp.concatenate([x, fw_x, bw_x], axis=-1)
        x = x + jax.nn.gelu(h @ mg_W[l], approximate=False)  # merge Linear has no bias
        mu = jnp.mean(x, axis=-1, keepdims=True)
        var = jnp.mean((x - mu) ** 2, axis=-1, keepdims=True)
        x = (x - mu) / jnp.sqrt(var + 1e-5) * ln_g[l] + ln_b[l]
    return x

if __name__ == "__main__":
    import jax
    _d = setup_inputs()
    print(jax.jit(kernel)(*tuple(_d.values())))

</pallas_src>

<mosaic_0001>
#map = affine_map<(d0, d1) -> (0)>
#map1 = affine_map<(d0, d1) -> (0, 0)>
module attributes {stable_mosaic.version = 14 : i64} {
  func.func @body(%arg0: i32, %arg1: i32, %arg2: memref<640000xi32, #tpu.memory_space<hbm>>, %arg3: memref<640000xi32, #tpu.memory_space<hbm>>, %arg4: memref<640000xi32, #tpu.memory_space<hbm>>, %arg5: memref<20000x128xf32, #tpu.memory_space<hbm>>, %arg6: memref<20000x128xf32, #tpu.memory_space<hbm>>, %arg7: memref<640000x128xf32, #tpu.memory_space<hbm>>, %arg8: memref<640000x128xf32, #tpu.memory_space<hbm>>, %arg9: memref<80xi32, #tpu.memory_space<vmem>>, %arg10: memref<80xi32, #tpu.memory_space<vmem>>, %arg11: memref<80xi32, #tpu.memory_space<vmem>>, %arg12: memref<80x128xf32, #tpu.memory_space<vmem>>, %arg13: memref<80x128xf32, #tpu.memory_space<vmem>>, %arg14: memref<80x128xf32, #tpu.memory_space<vmem>>, %arg15: memref<!tpu.dma_semaphore, #tpu.memory_space<semaphore_mem>>, %arg16: memref<!tpu.dma_semaphore, #tpu.memory_space<semaphore_mem>>, %arg17: memref<!tpu.dma_semaphore, #tpu.memory_space<semaphore_mem>>) attributes {dimension_semantics = [#tpu.dimension_semantics<core_parallel>, #tpu.dimension_semantics<subcore_parallel>], iteration_bounds = array<i64: 2, 16>, scalar_prefetch = 0 : i64, scratch_operands = 9 : i64, tpu.core_type = #tpu.core_type<sc_vector_subcore>, window_params = [{transform_indices = #map}, {transform_indices = #map}, {transform_indices = #map}, {transform_indices = #map1}, {transform_indices = #map1}, {transform_indices = #map1}, {transform_indices = #map1}]} {
    %mul3A = arith.constant 320000 : i32
    %mul3A_0 = arith.muli %arg0, %mul3A : i32
    %mul3A_1 = arith.constant 20000 : i32
    %mul3A_2 = arith.muli %arg1, %mul3A_1 : i32
    %add3A = arith.addi %mul3A_0, %mul3A_2 : i32
    %scan3A = arith.constant 0 : i32
    %scan3A_3 = arith.constant 0 : i32
    %scan3A_4 = arith.constant 250 : i32
    %scan3A_5 = arith.addi %scan3A_3, %scan3A_4 : i32
    %scan3A_6 = arith.constant 1 : i32
    scf.for %scan3A_8 = %scan3A_3 to %scan3A_5 step %scan3A_6  : i32 {
      %mul3A_9 = arith.constant 80 : i32
      %mul3A_10 = arith.muli %scan3A_8, %mul3A_9 : i32
      %add3A_11 = arith.addi %add3A, %mul3A_10 : i32
      "tpu.region"() ({
        %run_scoped3A = tpu.sem_alloc : memref<!tpu.dma_semaphore, #tpu.memory_space<semaphore_mem>>
        %dma_start3A_34 = tpu.memref_slice %arg2[%add3A_11] : memref<640000xi32, #tpu.memory_space<hbm>> -> memref<80xi32, #tpu.memory_space<hbm>>
        %dma_start3A_35 = tpu.memref_slice %arg2[%add3A_11] : memref<640000xi32, #tpu.memory_space<hbm>> -> memref<80xi32, #tpu.memory_space<hbm>>
        tpu.enqueue_dma source(%dma_start3A_35 : memref<80xi32, #tpu.memory_space<hbm>>) target(%arg9 : memref<80xi32, #tpu.memory_space<vmem>>) target_semaphore(%run_scoped3A : memref<!tpu.dma_semaphore, #tpu.memory_space<semaphore_mem>>)
        %dma_wait3A_36 = tpu.memref_slice %arg2[%add3A_11] : memref<640000xi32, #tpu.memory_space<hbm>> -> memref<80xi32, #tpu.memory_space<hbm>>
        %dma_wait3A_37 = tpu.memref_slice %arg2[%add3A_11] : memref<640000xi32, #tpu.memory_space<hbm>> -> memref<80xi32, #tpu.memory_space<hbm>>
        tpu.wait_dma2 semaphore(%run_scoped3A : memref<!tpu.dma_semaphore, #tpu.memory_space<semaphore_mem>>) src(%dma_wait3A_37 : memref<80xi32, #tpu.memory_space<hbm>>) dst(%arg9 : memref<80xi32, #tpu.memory_space<vmem>>)
        tpu.yield
      }) : () -> ()
      "tpu.region"() ({
        %run_scoped3A = tpu.sem_alloc : memref<!tpu.dma_semaphore, #tpu.memory_space<semaphore_mem>>
        %dma_start3A_34 = tpu.memref_slice %arg3[%add3A_11] : memref<640000xi32, #tpu.memory_space<hbm>> -> memref<80xi32, #tpu.memory_space<hbm>>
        %dma_start3A_35 = tpu.memref_slice %arg3[%add3A_11] : memref<640000xi32, #tpu.memory_space<hbm>> -> memref<80xi32, #tpu.memory_space<hbm>>
        tpu.enqueue_dma source(%dma_start3A_35 : memref<80xi32, #tpu.memory_space<hbm>>) target(%arg10 : memref<80xi32, #tpu.memory_space<vmem>>) target_semaphore(%run_scoped3A : memref<!tpu.dma_semaphore, #tpu.memory_space<semaphore_mem>>)
        %dma_wait3A_36 = tpu.memref_slice %arg3[%add3A_11] : memref<640000xi32, #tpu.memory_space<hbm>> -> memref<80xi32, #tpu.memory_space<hbm>>
        %dma_wait3A_37 = tpu.memref_slice %arg3[%add3A_11] : memref<640000xi32, #tpu.memory_space<hbm>> -> memref<80xi32, #tpu.memory_space<hbm>>
        tpu.wait_dma2 semaphore(%run_scoped3A : memref<!tpu.dma_semaphore, #tpu.memory_space<semaphore_mem>>) src(%dma_wait3A_37 : memref<80xi32, #tpu.memory_space<hbm>>) dst(%arg10 : memref<80xi32, #tpu.memory_space<vmem>>)
        tpu.yield
      }) : () -> ()
      "tpu.region"() ({
        %run_scoped3A = tpu.sem_alloc : memref<!tpu.dma_semaphore, #tpu.memory_space<semaphore_mem>>
        %dma_start3A_34 = tpu.memref_slice %arg4[%add3A_11] : memref<640000xi32, #tpu.memory_space<hbm>> -> memref<80xi32, #tpu.memory_space<hbm>>
        %dma_start3A_35 = tpu.memref_slice %arg4[%add3A_11] : memref<640000xi32, #tpu.memory_space<hbm>> -> memref<80xi32, #tpu.memory_space<hbm>>
        tpu.enqueue_dma source(%dma_start3A_35 : memref<80xi32, #tpu.memory_space<hbm>>) target(%arg11 : memref<80xi32, #tpu.memory_space<vmem>>) target_semaphore(%run_scoped3A : memref<!tpu.dma_semaphore, #tpu.memory_space<semaphore_mem>>)
        %dma_wait3A_36 = tpu.memref_slice %arg4[%add3A_11] : memref<640000xi32, #tpu.memory_space<hbm>> -> memref<80xi32, #tpu.memory_space<hbm>>
        %dma_wait3A_37 = tpu.memref_slice %arg4[%add3A_11] : memref<640000xi32, #tpu.memory_space<hbm>> -> memref<80xi32, #tpu.memory_space<hbm>>
        tpu.wait_dma2 semaphore(%run_scoped3A : memref<!tpu.dma_semaphore, #tpu.memory_space<semaphore_mem>>) src(%dma_wait3A_37 : memref<80xi32, #tpu.memory_space<hbm>>) dst(%arg11 : memref<80xi32, #tpu.memory_space<vmem>>)
        tpu.yield
      }) : () -> ()
      %dma_start3A = arith.constant 0 : i32
      %dma_start3A_12 = arith.constant 0 : i32
      %dma_start3A_13 = tpu.memref_slice %arg5[%dma_start3A, %dma_start3A_12] : memref<20000x128xf32, #tpu.memory_space<hbm>> -> memref<20000x128xf32, #tpu.memory_space<hbm>>
      tpu.enqueue_indirect_dma source(%dma_start3A_13 : memref<20000x128xf32, #tpu.memory_space<hbm>>) target(%arg12 : memref<80x128xf32, #tpu.memory_space<vmem>>) offsets(%arg9 : memref<80xi32, #tpu.memory_space<vmem>>) semaphore(%arg15 : memref<!tpu.dma_semaphore, #tpu.memory_space<semaphore_mem>>)
      %dma_start3A_14 = arith.constant 0 : i32
      %dma_start3A_15 = arith.constant 0 : i32
      %dma_start3A_16 = tpu.memref_slice %arg6[%dma_start3A_14, %dma_start3A_15] : memref<20000x128xf32, #tpu.memory_space<hbm>> -> memref<20000x128xf32, #tpu.memory_space<hbm>>
      tpu.enqueue_indirect_dma source(%dma_start3A_16 : memref<20000x128xf32, #tpu.memory_space<hbm>>) target(%arg13 : memref<80x128xf32, #tpu.memory_space<vmem>>) offsets(%arg10 : memref<80xi32, #tpu.memory_space<vmem>>) semaphore(%arg16 : memref<!tpu.dma_semaphore, #tpu.memory_space<semaphore_mem>>)
      %dma_start3A_17 = arith.constant 0 : i32
      %dma_start3A_18 = arith.constant 0 : i32
      %dma_start3A_19 = tpu.memref_slice %arg7[%dma_start3A_17, %dma_start3A_18] : memref<640000x128xf32, #tpu.memory_space<hbm>> -> memref<640000x128xf32, #tpu.memory_space<hbm>>
      tpu.enqueue_indirect_dma source(%dma_start3A_19 : memref<640000x128xf32, #tpu.memory_space<hbm>>) target(%arg14 : memref<80x128xf32, #tpu.memory_space<vmem>>) offsets(%arg11 : memref<80xi32, #tpu.memory_space<vmem>>) semaphore(%arg17 : memref<!tpu.dma_semaphore, #tpu.memory_space<semaphore_mem>>)
      %dma_wait3A = arith.constant 0 : i32
      %dma_wait3A_20 = arith.constant 0 : i32
      %dma_wait3A_21 = tpu.memref_slice %arg5[%dma_wait3A, %dma_wait3A_20] : memref<20000x128xf32, #tpu.memory_space<hbm>> -> memref<20000x128xf32, #tpu.memory_space<hbm>>
      tpu.wait_indirect_dma semaphore(%arg15 : memref<!tpu.dma_semaphore, #tpu.memory_space<semaphore_mem>>) src(%dma_wait3A_21 : memref<20000x128xf32, #tpu.memory_space<hbm>>) dst(%arg12 : memref<80x128xf32, #tpu.memory_space<vmem>>)
      %dma_wait3A_22 = arith.constant 0 : i32
      %dma_wait3A_23 = arith.constant 0 : i32
      %dma_wait3A_24 = tpu.memref_slice %arg6[%dma_wait3A_22, %dma_wait3A_23] : memref<20000x128xf32, #tpu.memory_space<hbm>> -> memref<20000x128xf32, #tpu.memory_space<hbm>>
      tpu.wait_indirect_dma semaphore(%arg16 : memref<!tpu.dma_semaphore, #tpu.memory_space<semaphore_mem>>) src(%dma_wait3A_24 : memref<20000x128xf32, #tpu.memory_space<hbm>>) dst(%arg13 : memref<80x128xf32, #tpu.memory_space<vmem>>)
      %dma_wait3A_25 = arith.constant 0 : i32
      %dma_wait3A_26 = arith.constant 0 : i32
      %dma_wait3A_27 = tpu.memref_slice %arg7[%dma_wait3A_25, %dma_wait3A_26] : memref<640000x128xf32, #tpu.memory_space<hbm>> -> memref<640000x128xf32, #tpu.memory_space<hbm>>
      tpu.wait_indirect_dma semaphore(%arg17 : memref<!tpu.dma_semaphore, #tpu.memory_space<semaphore_mem>>) src(%dma_wait3A_27 : memref<640000x128xf32, #tpu.memory_space<hbm>>) dst(%arg14 : memref<80x128xf32, #tpu.memory_space<vmem>>)
      %scan3A_28 = arith.constant 0 : i32
      %scan3A_29 = arith.constant 0 : i32
      %scan3A_30 = arith.constant 80 : i32
      %scan3A_31 = arith.addi %scan3A_29, %scan3A_30 : i32
      %scan3A_32 = arith.constant 1 : i32
      scf.for %scan3A_34 = %scan3A_29 to %scan3A_31 step %scan3A_32  : i32 {
        %get3A = arith.index_cast %scan3A_34 : i32 to index
        %get3A_35 = arith.constant 0 : index
        %get3A_36 = tpu.vector_load %arg12[%get3A, %get3A_35] {strides = array<i32>} : memref<80x128xf32, #tpu.memory_space<vmem>>, vector<1x16xf32>,
        %get3A_37 = vector.shape_cast %get3A_36 : vector<1x16xf32> to vector<16xf32>
        %get3A_38 = arith.index_cast %scan3A_34 : i32 to index
        %get3A_39 = arith.constant 0 : index
        %get3A_40 = tpu.vector_load %arg13[%get3A_38, %get3A_39] {strides = array<i32>} : memref<80x128xf32, #tpu.memory_space<vmem>>, vector<1x16xf32>,
        %get3A_41 = vector.shape_cast %get3A_40 : vector<1x16xf32> to vector<16xf32>
        %add3A_42 = arith.addf %get3A_37, %get3A_41 : vector<16xf32>
        %get3A_43 = arith.index_cast %scan3A_34 : i32 to index
        %get3A_44 = arith.constant 0 : index
        %get3A_45 = tpu.vector_load %arg14[%get3A_43, %get3A_44] {strides = array<i32>} : memref<80x128xf32, #tpu.memory_space<vmem>>, vector<1x16xf32>,
        %get3A_46 = vector.shape_cast %get3A_45 : vector<1x16xf32> to vector<16xf32>
        %add3A_47 = arith.addf %add3A_42, %get3A_46 : vector<16xf32>
        %swap3A = arith.index_cast %scan3A_34 : i32 to index
        %swap3A_48 = arith.constant 0 : index
        %swap3A_49 = tpu.vector_load %arg12[%swap3A, %swap3A_48] {strides = array<i32>} : memref<80x128xf32, #tpu.memory_space<vmem>>, vector<1x16xf32>,
        %swap3A_50 = vector.shape_cast %swap3A_49 : vector<1x16xf32> to vector<16xf32>
        %swap3A_51 = vector.shape_cast %add3A_47 : vector<16xf32> to vector<1x16xf32>
        tpu.vector_store %arg12[%swap3A, %swap3A_48], %swap3A_51 {strides = array<i32>} : memref<80x128xf32, #tpu.memory_space<vmem>>, vector<1x16xf32>,
        %get3A_52 = arith.index_cast %scan3A_34 : i32 to index
        %get3A_53 = arith.constant 16 : index
        %get3A_54 = tpu.vector_load %arg12[%get3A_52, %get3A_53] {strides = array<i32>} : memref<80x128xf32, #tpu.memory_space<vmem>>, vector<1x16xf32>,
        %get3A_55 = vector.shape_cast %get3A_54 : vector<1x16xf32> to vector<16xf32>
        %get3A_56 = arith.index_cast %scan3A_34 : i32 to index
        %get3A_57 = arith.constant 16 : index
        %get3A_58 = tpu.vector_load %arg13[%get3A_56, %get3A_57] {strides = array<i32>} : memref<80x128xf32, #tpu.memory_space<vmem>>, vector<1x16xf32>,
        %get3A_59 = vector.shape_cast %get3A_58 : vector<1x16xf32> to vector<16xf32>
        %add3A_60 = arith.addf %get3A_55, %get3A_59 : vector<16xf32>
        %get3A_61 = arith.index_cast %scan3A_34 : i32 to index
        %get3A_62 = arith.constant 16 : index
        %get3A_63 = tpu.vector_load %arg14[%get3A_61, %get3A_62] {strides = array<i32>} : memref<80x128xf32, #tpu.memory_space<vmem>>, vector<1x16xf32>,
        %get3A_64 = vector.shape_cast %get3A_63 : vector<1x16xf32> to vector<16xf32>
        %add3A_65 = arith.addf %add3A_60, %get3A_64 : vector<16xf32>
        %swap3A_66 = arith.index_cast %scan3A_34 : i32 to index
        %swap3A_67 = arith.constant 16 : index
        %swap3A_68 = tpu.vector_load %arg12[%swap3A_66, %swap3A_67] {strides = array<i32>} : memref<80x128xf32, #tpu.memory_space<vmem>>, vector<1x16xf32>,
        %swap3A_69 = vector.shape_cast %swap3A_68 : vector<1x16xf32> to vector<16xf32>
        %swap3A_70 = vector.shape_cast %add3A_65 : vector<16xf32> to vector<1x16xf32>
        tpu.vector_store %arg12[%swap3A_66, %swap3A_67], %swap3A_70 {strides = array<i32>} : memref<80x128xf32, #tpu.memory_space<vmem>>, vector<1x16xf32>,
        %get3A_71 = arith.index_cast %scan3A_34 : i32 to index
        %get3A_72 = arith.constant 32 : index
        %get3A_73 = tpu.vector_load %arg12[%get3A_71, %get3A_72] {strides = array<i32>} : memref<80x128xf32, #tpu.memory_space<vmem>>, vector<1x16xf32>,
        %get3A_74 = vector.shape_cast %get3A_73 : vector<1x16xf32> to vector<16xf32>
        %get3A_75 = arith.index_cast %scan3A_34 : i32 to index
        %get3A_76 = arith.constant 32 : index
        %get3A_77 = tpu.vector_load %arg13[%get3A_75, %get3A_76] {strides = array<i32>} : memref<80x128xf32, #tpu.memory_space<vmem>>, vector<1x16xf32>,
        %get3A_78 = vector.shape_cast %get3A_77 : vector<1x16xf32> to vector<16xf32>
        %add3A_79 = arith.addf %get3A_74, %get3A_78 : vector<16xf32>
        %get3A_80 = arith.index_cast %scan3A_34 : i32 to index
        %get3A_81 = arith.constant 32 : index
        %get3A_82 = tpu.vector_load %arg14[%get3A_80, %get3A_81] {strides = array<i32>} : memref<80x128xf32, #tpu.memory_space<vmem>>, vector<1x16xf32>,
        %get3A_83 = vector.shape_cast %get3A_82 : vector<1x16xf32> to vector<16xf32>
        %add3A_84 = arith.addf %add3A_79, %get3A_83 : vector<16xf32>
        %swap3A_85 = arith.index_cast %scan3A_34 : i32 to index
        %swap3A_86 = arith.constant 32 : index
        %swap3A_87 = tpu.vector_load %arg12[%swap3A_85, %swap3A_86] {strides = array<i32>} : memref<80x128xf32, #tpu.memory_space<vmem>>, vector<1x16xf32>,
        %swap3A_88 = vector.shape_cast %swap3A_87 : vector<1x16xf32> to vector<16xf32>
        %swap3A_89 = vector.shape_cast %add3A_84 : vector<16xf32> to vector<1x16xf32>
        tpu.vector_store %arg12[%swap3A_85, %swap3A_86], %swap3A_89 {strides = array<i32>} : memref<80x128xf32, #tpu.memory_space<vmem>>, vector<1x16xf32>,
        %get3A_90 = arith.index_cast %scan3A_34 : i32 to index
        %get3A_91 = arith.constant 48 : index
        %get3A_92 = tpu.vector_load %arg12[%get3A_90, %get3A_91] {strides = array<i32>} : memref<80x128xf32, #tpu.memory_space<vmem>>, vector<1x16xf32>,
        %get3A_93 = vector.shape_cast %get3A_92 : vector<1x16xf32> to vector<16xf32>
        %get3A_94 = arith.index_cast %scan3A_34 : i32 to index
        %get3A_95 = arith.constant 48 : index
        %get3A_96 = tpu.vector_load %arg13[%get3A_94, %get3A_95] {strides = array<i32>} : memref<80x128xf32, #tpu.memory_space<vmem>>, vector<1x16xf32>,
        %get3A_97 = vector.shape_cast %get3A_96 : vector<1x16xf32> to vector<16xf32>
        %add3A_98 = arith.addf %get3A_93, %get3A_97 : vector<16xf32>
        %get3A_99 = arith.index_cast %scan3A_34 : i32 to index
        %get3A_100 = arith.constant 48 : index
        %get3A_101 = tpu.vector_load %arg14[%get3A_99, %get3A_100] {strides = array<i32>} : memref<80x128xf32, #tpu.memory_space<vmem>>, vector<1x16xf32>,
        %get3A_102 = vector.shape_cast %get3A_101 : vector<1x16xf32> to vector<16xf32>
        %add3A_103 = arith.addf %add3A_98, %get3A_102 : vector<16xf32>
        %swap3A_104 = arith.index_cast %scan3A_34 : i32 to index
        %swap3A_105 = arith.constant 48 : index
        %swap3A_106 = tpu.vector_load %arg12[%swap3A_104, %swap3A_105] {strides = array<i32>} : memref<80x128xf32, #tpu.memory_space<vmem>>, vector<1x16xf32>,
        %swap3A_107 = vector.shape_cast %swap3A_106 : vector<1x16xf32> to vector<16xf32>
        %swap3A_108 = vector.shape_cast %add3A_103 : vector<16xf32> to vector<1x16xf32>
        tpu.vector_store %arg12[%swap3A_104, %swap3A_105], %swap3A_108 {strides = array<i32>} : memref<80x128xf32, #tpu.memory_space<vmem>>, vector<1x16xf32>,
        %get3A_109 = arith.index_cast %scan3A_34 : i32 to index
        %get3A_110 = arith.constant 64 : index
        %get3A_111 = tpu.vector_load %arg12[%get3A_109, %get3A_110] {strides = array<i32>} : memref<80x128xf32, #tpu.memory_space<vmem>>, vector<1x16xf32>,
        %get3A_112 = vector.shape_cast %get3A_111 : vector<1x16xf32> to vector<16xf32>
        %get3A_113 = arith.index_cast %scan3A_34 : i32 to index
        %get3A_114 = arith.constant 64 : index
        %get3A_115 = tpu.vector_load %arg13[%get3A_113, %get3A_114] {strides = array<i32>} : memref<80x128xf32, #tpu.memory_space<vmem>>, vector<1x16xf32>,
        %get3A_116 = vector.shape_cast %get3A_115 : vector<1x16xf32> to vector<16xf32>
        %add3A_117 = arith.addf %get3A_112, %get3A_116 : vector<16xf32>
        %get3A_118 = arith.index_cast %scan3A_34 : i32 to index
        %get3A_119 = arith.constant 64 : index
        %get3A_120 = tpu.vector_load %arg14[%get3A_118, %get3A_119] {strides = array<i32>} : memref<80x128xf32, #tpu.memory_space<vmem>>, vector<1x16xf32>,
        %get3A_121 = vector.shape_cast %get3A_120 : vector<1x16xf32> to vector<16xf32>
        %add3A_122 = arith.addf %add3A_117, %get3A_121 : vector<16xf32>
        %swap3A_123 = arith.index_cast %scan3A_34 : i32 to index
        %swap3A_124 = arith.constant 64 : index
        %swap3A_125 = tpu.vector_load %arg12[%swap3A_123, %swap3A_124] {strides = array<i32>} : memref<80x128xf32, #tpu.memory_space<vmem>>, vector<1x16xf32>,
        %swap3A_126 = vector.shape_cast %swap3A_125 : vector<1x16xf32> to vector<16xf32>
        %swap3A_127 = vector.shape_cast %add3A_122 : vector<16xf32> to vector<1x16xf32>
        tpu.vector_store %arg12[%swap3A_123, %swap3A_124], %swap3A_127 {strides = array<i32>} : memref<80x128xf32, #tpu.memory_space<vmem>>, vector<1x16xf32>,
        %get3A_128 = arith.index_cast %scan3A_34 : i32 to index
        %get3A_129 = arith.constant 80 : index
        %get3A_130 = tpu.vector_load %arg12[%get3A_128, %get3A_129] {strides = array<i32>} : memref<80x128xf32, #tpu.memory_space<vmem>>, vector<1x16xf32>,
        %get3A_131 = vector.shape_cast %get3A_130 : vector<1x16xf32> to vector<16xf32>
        %get3A_132 = arith.index_cast %scan3A_34 : i32 to index
        %get3A_133 = arith.constant 80 : index
        %get3A_134 = tpu.vector_load %arg13[%get3A_132, %get3A_133] {strides = array<i32>} : memref<80x128xf32, #tpu.memory_space<vmem>>, vector<1x16xf32>,
        %get3A_135 = vector.shape_cast %get3A_134 : vector<1x16xf32> to vector<16xf32>
        %add3A_136 = arith.addf %get3A_131, %get3A_135 : vector<16xf32>
        %get3A_137 = arith.index_cast %scan3A_34 : i32 to index
        %get3A_138 = arith.constant 80 : index
        %get3A_139 = tpu.vector_load %arg14[%get3A_137, %get3A_138] {strides = array<i32>} : memref<80x128xf32, #tpu.memory_space<vmem>>, vector<1x16xf32>,
        %get3A_140 = vector.shape_cast %get3A_139 : vector<1x16xf32> to vector<16xf32>
        %add3A_141 = arith.addf %add3A_136, %get3A_140 : vector<16xf32>
        %swap3A_142 = arith.index_cast %scan3A_34 : i32 to index
        %swap3A_143 = arith.constant 80 : index
        %swap3A_144 = tpu.vector_load %arg12[%swap3A_142, %swap3A_143] {strides = array<i32>} : memref<80x128xf32, #tpu.memory_space<vmem>>, vector<1x16xf32>,
        %swap3A_145 = vector.shape_cast %swap3A_144 : vector<1x16xf32> to vector<16xf32>
        %swap3A_146 = vector.shape_cast %add3A_141 : vector<16xf32> to vector<1x16xf32>
        tpu.vector_store %arg12[%swap3A_142, %swap3A_143], %swap3A_146 {strides = array<i32>} : memref<80x128xf32, #tpu.memory_space<vmem>>, vector<1x16xf32>,
        %get3A_147 = arith.index_cast %scan3A_34 : i32 to index
        %get3A_148 = arith.constant 96 : index
        %get3A_149 = tpu.vector_load %arg12[%get3A_147, %get3A_148] {strides = array<i32>} : memref<80x128xf32, #tpu.memory_space<vmem>>, vector<1x16xf32>,
        %get3A_150 = vector.shape_cast %get3A_149 : vector<1x16xf32> to vector<16xf32>
        %get3A_151 = arith.index_cast %scan3A_34 : i32 to index
        %get3A_152 = arith.constant 96 : index
        %get3A_153 = tpu.vector_load %arg13[%get3A_151, %get3A_152] {strides = array<i32>} : memref<80x128xf32, #tpu.memory_space<vmem>>, vector<1x16xf32>,
        %get3A_154 = vector.shape_cast %get3A_153 : vector<1x16xf32> to vector<16xf32>
        %add3A_155 = arith.addf %get3A_150, %get3A_154 : vector<16xf32>
        %get3A_156 = arith.index_cast %scan3A_34 : i32 to index
        %get3A_157 = arith.constant 96 : index
        %get3A_158 = tpu.vector_load %arg14[%get3A_156, %get3A_157] {strides = array<i32>} : memref<80x128xf32, #tpu.memory_space<vmem>>, vector<1x16xf32>,
        %get3A_159 = vector.shape_cast %get3A_158 : vector<1x16xf32> to vector<16xf32>
        %add3A_160 = arith.addf %add3A_155, %get3A_159 : vector<16xf32>
        %swap3A_161 = arith.index_cast %scan3A_34 : i32 to index
        %swap3A_162 = arith.constant 96 : index
        %swap3A_163 = tpu.vector_load %arg12[%swap3A_161, %swap3A_162] {strides = array<i32>} : memref<80x128xf32, #tpu.memory_space<vmem>>, vector<1x16xf32>,
        %swap3A_164 = vector.shape_cast %swap3A_163 : vector<1x16xf32> to vector<16xf32>
        %swap3A_165 = vector.shape_cast %add3A_160 : vector<16xf32> to vector<1x16xf32>
        tpu.vector_store %arg12[%swap3A_161, %swap3A_162], %swap3A_165 {strides = array<i32>} : memref<80x128xf32, #tpu.memory_space<vmem>>, vector<1x16xf32>,
        %get3A_166 = arith.index_cast %scan3A_34 : i32 to index
        %get3A_167 = arith.constant 112 : index
        %get3A_168 = tpu.vector_load %arg12[%get3A_166, %get3A_167] {strides = array<i32>} : memref<80x128xf32, #tpu.memory_space<vmem>>, vector<1x16xf32>,
        %get3A_169 = vector.shape_cast %get3A_168 : vector<1x16xf32> to vector<16xf32>
        %get3A_170 = arith.index_cast %scan3A_34 : i32 to index
        %get3A_171 = arith.constant 112 : index
        %get3A_172 = tpu.vector_load %arg13[%get3A_170, %get3A_171] {strides = array<i32>} : memref<80x128xf32, #tpu.memory_space<vmem>>, vector<1x16xf32>,
        %get3A_173 = vector.shape_cast %get3A_172 : vector<1x16xf32> to vector<16xf32>
        %add3A_174 = arith.addf %get3A_169, %get3A_173 : vector<16xf32>
        %get3A_175 = arith.index_cast %scan3A_34 : i32 to index
        %get3A_176 = arith.constant 112 : index
        %get3A_177 = tpu.vector_load %arg14[%get3A_175, %get3A_176] {strides = array<i32>} : memref<80x128xf32, #tpu.memory_space<vmem>>, vector<1x16xf32>,
        %get3A_178 = vector.shape_cast %get3A_177 : vector<1x16xf32> to vector<16xf32>
        %add3A_179 = arith.addf %add3A_174, %get3A_178 : vector<16xf32>
        %swap3A_180 = arith.index_cast %scan3A_34 : i32 to index
        %swap3A_181 = arith.constant 112 : index
        %swap3A_182 = tpu.vector_load %arg12[%swap3A_180, %swap3A_181] {strides = array<i32>} : memref<80x128xf32, #tpu.memory_space<vmem>>, vector<1x16xf32>,
        %swap3A_183 = vector.shape_cast %swap3A_182 : vector<1x16xf32> to vector<16xf32>
        %swap3A_184 = vector.shape_cast %add3A_179 : vector<16xf32> to vector<1x16xf32>
        tpu.vector_store %arg12[%swap3A_180, %swap3A_181], %swap3A_184 {strides = array<i32>} : memref<80x128xf32, #tpu.memory_space<vmem>>, vector<1x16xf32>,
      }
      %scan3A_33 = arith.constant 80 : i32
      "tpu.region"() ({
        %run_scoped3A = tpu.sem_alloc : memref<!tpu.dma_semaphore, #tpu.memory_space<semaphore_mem>>
        %dma_start3A_34 = arith.constant 0 : i32
        %dma_start3A_35 = tpu.memref_slice %arg8[%add3A_11, %dma_start3A_34] : memref<640000x128xf32, #tpu.memory_space<hbm>> -> memref<80x128xf32, #tpu.memory_space<hbm>>
        %dma_start3A_36 = arith.constant 0 : i32
        %dma_start3A_37 = tpu.memref_slice %arg8[%add3A_11, %dma_start3A_36] : memref<640000x128xf32, #tpu.memory_space<hbm>> -> memref<80x128xf32, #tpu.memory_space<hbm>>
        tpu.enqueue_dma source(%arg12 : memref<80x128xf32, #tpu.memory_space<vmem>>) target(%dma_start3A_37 : memref<80x128xf32, #tpu.memory_space<hbm>>) target_semaphore(%run_scoped3A : memref<!tpu.dma_semaphore, #tpu.memory_space<semaphore_mem>>)
        %dma_wait3A_38 = arith.constant 0 : i32
        %dma_wait3A_39 = tpu.memref_slice %arg8[%add3A_11, %dma_wait3A_38] : memref<640000x128xf32, #tpu.memory_space<hbm>> -> memref<80x128xf32, #tpu.memory_space<hbm>>
        %dma_wait3A_40 = arith.constant 0 : i32
        %dma_wait3A_41 = tpu.memref_slice %arg8[%add3A_11, %dma_wait3A_40] : memref<640000x128xf32, #tpu.memory_space<hbm>> -> memref<80x128xf32, #tpu.memory_space<hbm>>
        tpu.wait_dma2 semaphore(%run_scoped3A : memref<!tpu.dma_semaphore, #tpu.memory_space<semaphore_mem>>) src(%arg12 : memref<80x128xf32, #tpu.memory_space<vmem>>) dst(%dma_wait3A_41 : memref<80x128xf32, #tpu.memory_space<hbm>>)
        tpu.yield
      }) : () -> ()
    }
    %scan3A_7 = arith.constant 250 : i32
    return
  }
}

#map = affine_map<(d0, d1) -> (0)>
#map1 = affine_map<(d0, d1) -> (0, 0)>
module attributes {stable_mosaic.version = 14 : i64} {
  func.func @body(%arg0: i32, %arg1: i32, %arg2: memref<640000xi32, #tpu.memory_space<hbm>>, %arg3: memref<640000xi32, #tpu.memory_space<hbm>>, %arg4: memref<640000xi32, #tpu.memory_space<hbm>>, %arg5: memref<20000x128xf32, #tpu.memory_space<hbm>>, %arg6: memref<20000x128xf32, #tpu.memory_space<hbm>>, %arg7: memref<640000x128xf32, #tpu.memory_space<hbm>>, %arg8: memref<640000x128xf32, #tpu.memory_space<hbm>>, %arg9: memref<80xi32, #tpu.memory_space<vmem>>, %arg10: memref<80xi32, #tpu.memory_space<vmem>>, %arg11: memref<80xi32, #tpu.memory_space<vmem>>, %arg12: memref<80x128xf32, #tpu.memory_space<vmem>>, %arg13: memref<80x128xf32, #tpu.memory_space<vmem>>, %arg14: memref<80x128xf32, #tpu.memory_space<vmem>>, %arg15: memref<!tpu.dma_semaphore, #tpu.memory_space<semaphore_mem>>, %arg16: memref<!tpu.dma_semaphore, #tpu.memory_space<semaphore_mem>>, %arg17: memref<!tpu.dma_semaphore, #tpu.memory_space<semaphore_mem>>) attributes {dimension_semantics = [#tpu.dimension_semantics<core_parallel>, #tpu.dimension_semantics<subcore_parallel>], iteration_bounds = array<i64: 2, 16>, scalar_prefetch = 0 : i64, scratch_operands = 9 : i64, tpu.core_type = #tpu.core_type<sc_vector_subcore>, window_params = [{transform_indices = #map}, {transform_indices = #map}, {transform_indices = #map}, {transform_indices = #map1}, {transform_indices = #map1}, {transform_indices = #map1}, {transform_indices = #map1}]} {
    %mul3A = arith.constant 320000 : i32
    %mul3A_0 = arith.muli %arg0, %mul3A : i32
    %mul3A_1 = arith.constant 20000 : i32
    %mul3A_2 = arith.muli %arg1, %mul3A_1 : i32
    %add3A = arith.addi %mul3A_0, %mul3A_2 : i32
    %scan3A = arith.constant 0 : i32
    %scan3A_3 = arith.constant 0 : i32
    %scan3A_4 = arith.constant 250 : i32
    %scan3A_5 = arith.addi %scan3A_3, %scan3A_4 : i32
    %scan3A_6 = arith.constant 1 : i32
    scf.for %scan3A_8 = %scan3A_3 to %scan3A_5 step %scan3A_6  : i32 {
      %mul3A_9 = arith.constant 80 : i32
      %mul3A_10 = arith.muli %scan3A_8, %mul3A_9 : i32
      %add3A_11 = arith.addi %add3A, %mul3A_10 : i32
      "tpu.region"() ({
        %run_scoped3A = tpu.sem_alloc : memref<!tpu.dma_semaphore, #tpu.memory_space<semaphore_mem>>
        %dma_start3A_34 = tpu.memref_slice %arg2[%add3A_11] : memref<640000xi32, #tpu.memory_space<hbm>> -> memref<80xi32, #tpu.memory_space<hbm>>
        %dma_start3A_35 = tpu.memref_slice %arg2[%add3A_11] : memref<640000xi32, #tpu.memory_space<hbm>> -> memref<80xi32, #tpu.memory_space<hbm>>
        tpu.enqueue_dma source(%dma_start3A_35 : memref<80xi32, #tpu.memory_space<hbm>>) target(%arg9 : memref<80xi32, #tpu.memory_space<vmem>>) target_semaphore(%run_scoped3A : memref<!tpu.dma_semaphore, #tpu.memory_space<semaphore_mem>>)
        %dma_wait3A_36 = tpu.memref_slice %arg2[%add3A_11] : memref<640000xi32, #tpu.memory_space<hbm>> -> memref<80xi32, #tpu.memory_space<hbm>>
        %dma_wait3A_37 = tpu.memref_slice %arg2[%add3A_11] : memref<640000xi32, #tpu.memory_space<hbm>> -> memref<80xi32, #tpu.memory_space<hbm>>
        tpu.wait_dma2 semaphore(%run_scoped3A : memref<!tpu.dma_semaphore, #tpu.memory_space<semaphore_mem>>) src(%dma_wait3A_37 : memref<80xi32, #tpu.memory_space<hbm>>) dst(%arg9 : memref<80xi32, #tpu.memory_space<vmem>>)
        tpu.yield
      }) : () -> ()
      "tpu.region"() ({
        %run_scoped3A = tpu.sem_alloc : memref<!tpu.dma_semaphore, #tpu.memory_space<semaphore_mem>>
        %dma_start3A_34 = tpu.memref_slice %arg3[%add3A_11] : memref<640000xi32, #tpu.memory_space<hbm>> -> memref<80xi32, #tpu.memory_space<hbm>>
        %dma_start3A_35 = tpu.memref_slice %arg3[%add3A_11] : memref<640000xi32, #tpu.memory_space<hbm>> -> memref<80xi32, #tpu.memory_space<hbm>>
        tpu.enqueue_dma source(%dma_start3A_35 : memref<80xi32, #tpu.memory_space<hbm>>) target(%arg10 : memref<80xi32, #tpu.memory_space<vmem>>) target_semaphore(%run_scoped3A : memref<!tpu.dma_semaphore, #tpu.memory_space<semaphore_mem>>)
        %dma_wait3A_36 = tpu.memref_slice %arg3[%add3A_11] : memref<640000xi32, #tpu.memory_space<hbm>> -> memref<80xi32, #tpu.memory_space<hbm>>
        %dma_wait3A_37 = tpu.memref_slice %arg3[%add3A_11] : memref<640000xi32, #tpu.memory_space<hbm>> -> memref<80xi32, #tpu.memory_space<hbm>>
        tpu.wait_dma2 semaphore(%run_scoped3A : memref<!tpu.dma_semaphore, #tpu.memory_space<semaphore_mem>>) src(%dma_wait3A_37 : memref<80xi32, #tpu.memory_space<hbm>>) dst(%arg10 : memref<80xi32, #tpu.memory_space<vmem>>)
        tpu.yield
      }) : () -> ()
      "tpu.region"() ({
        %run_scoped3A = tpu.sem_alloc : memref<!tpu.dma_semaphore, #tpu.memory_space<semaphore_mem>>
        %dma_start3A_34 = tpu.memref_slice %arg4[%add3A_11] : memref<640000xi32, #tpu.memory_space<hbm>> -> memref<80xi32, #tpu.memory_space<hbm>>
        %dma_start3A_35 = tpu.memref_slice %arg4[%add3A_11] : memref<640000xi32, #tpu.memory_space<hbm>> -> memref<80xi32, #tpu.memory_space<hbm>>
        tpu.enqueue_dma source(%dma_start3A_35 : memref<80xi32, #tpu.memory_space<hbm>>) target(%arg11 : memref<80xi32, #tpu.memory_space<vmem>>) target_semaphore(%run_scoped3A : memref<!tpu.dma_semaphore, #tpu.memory_space<semaphore_mem>>)
        %dma_wait3A_36 = tpu.memref_slice %arg4[%add3A_11] : memref<640000xi32, #tpu.memory_space<hbm>> -> memref<80xi32, #tpu.memory_space<hbm>>
        %dma_wait3A_37 = tpu.memref_slice %arg4[%add3A_11] : memref<640000xi32, #tpu.memory_space<hbm>> -> memref<80xi32, #tpu.memory_space<hbm>>
        tpu.wait_dma2 semaphore(%run_scoped3A : memref<!tpu.dma_semaphore, #tpu.memory_space<semaphore_mem>>) src(%dma_wait3A_37 : memref<80xi32, #tpu.memory_space<hbm>>) dst(%arg11 : memref<80xi32, #tpu.memory_space<vmem>>)
        tpu.yield
      }) : () -> ()
      %dma_start3A = arith.constant 0 : i32
      %dma_start3A_12 = arith.constant 0 : i32
      %dma_start3A_13 = tpu.memref_slice %arg5[%dma_start3A, %dma_start3A_12] : memref<20000x128xf32, #tpu.memory_space<hbm>> -> memref<20000x128xf32, #tpu.memory_space<hbm>>
      tpu.enqueue_indirect_dma source(%dma_start3A_13 : memref<20000x128xf32, #tpu.memory_space<hbm>>) target(%arg12 : memref<80x128xf32, #tpu.memory_space<vmem>>) offsets(%arg9 : memref<80xi32, #tpu.memory_space<vmem>>) semaphore(%arg15 : memref<!tpu.dma_semaphore, #tpu.memory_space<semaphore_mem>>)
      %dma_start3A_14 = arith.constant 0 : i32
      %dma_start3A_15 = arith.constant 0 : i32
      %dma_start3A_16 = tpu.memref_slice %arg6[%dma_start3A_14, %dma_start3A_15] : memref<20000x128xf32, #tpu.memory_space<hbm>> -> memref<20000x128xf32, #tpu.memory_space<hbm>>
      tpu.enqueue_indirect_dma source(%dma_start3A_16 : memref<20000x128xf32, #tpu.memory_space<hbm>>) target(%arg13 : memref<80x128xf32, #tpu.memory_space<vmem>>) offsets(%arg10 : memref<80xi32, #tpu.memory_space<vmem>>) semaphore(%arg16 : memref<!tpu.dma_semaphore, #tpu.memory_space<semaphore_mem>>)
      %dma_start3A_17 = arith.constant 0 : i32
      %dma_start3A_18 = arith.constant 0 : i32
      %dma_start3A_19 = tpu.memref_slice %arg7[%dma_start3A_17, %dma_start3A_18] : memref<640000x128xf32, #tpu.memory_space<hbm>> -> memref<640000x128xf32, #tpu.memory_space<hbm>>
      tpu.enqueue_indirect_dma source(%dma_start3A_19 : memref<640000x128xf32, #tpu.memory_space<hbm>>) target(%arg14 : memref<80x128xf32, #tpu.memory_space<vmem>>) offsets(%arg11 : memref<80xi32, #tpu.memory_space<vmem>>) semaphore(%arg17 : memref<!tpu.dma_semaphore, #tpu.memory_space<semaphore_mem>>)
      %dma_wait3A = arith.constant 0 : i32
      %dma_wait3A_20 = arith.constant 0 : i32
      %dma_wait3A_21 = tpu.memref_slice %arg5[%dma_wait3A, %dma_wait3A_20] : memref<20000x128xf32, #tpu.memory_space<hbm>> -> memref<20000x128xf32, #tpu.memory_space<hbm>>
      tpu.wait_indirect_dma semaphore(%arg15 : memref<!tpu.dma_semaphore, #tpu.memory_space<semaphore_mem>>) src(%dma_wait3A_21 : memref<20000x128xf32, #tpu.memory_space<hbm>>) dst(%arg12 : memref<80x128xf32, #tpu.memory_space<vmem>>)
      %dma_wait3A_22 = arith.constant 0 : i32
      %dma_wait3A_23 = arith.constant 0 : i32
      %dma_wait3A_24 = tpu.memref_slice %arg6[%dma_wait3A_22, %dma_wait3A_23] : memref<20000x128xf32, #tpu.memory_space<hbm>> -> memref<20000x128xf32, #tpu.memory_space<hbm>>
      tpu.wait_indirect_dma semaphore(%arg16 : memref<!tpu.dma_semaphore, #tpu.memory_space<semaphore_mem>>) src(%dma_wait3A_24 : memref<20000x128xf32, #tpu.memory_space<hbm>>) dst(%arg13 : memref<80x128xf32, #tpu.memory_space<vmem>>)
      %dma_wait3A_25 = arith.constant 0 : i32
      %dma_wait3A_26 = arith.constant 0 : i32
      %dma_wait3A_27 = tpu.memref_slice %arg7[%dma_wait3A_25, %dma_wait3A_26] : memref<640000x128xf32, #tpu.memory_space<hbm>> -> memref<640000x128xf32, #tpu.memory_space<hbm>>
      tpu.wait_indirect_dma semaphore(%arg17 : memref<!tpu.dma_semaphore, #tpu.memory_space<semaphore_mem>>) src(%dma_wait3A_27 : memref<640000x128xf32, #tpu.memory_space<hbm>>) dst(%arg14 : memref<80x128xf32, #tpu.memory_space<vmem>>)
      %scan3A_28 = arith.constant 0 : i32
      %scan3A_29 = arith.constant 0 : i32
      %scan3A_30 = arith.constant 80 : i32
      %scan3A_31 = arith.addi %scan3A_29, %scan3A_30 : i32
      %scan3A_32 = arith.constant 1 : i32
      scf.for %scan3A_34 = %scan3A_29 to %scan3A_31 step %scan3A_32  : i32 {
        %get3A = arith.index_cast %scan3A_34 : i32 to index
        %get3A_35 = arith.constant 0 : index
        %get3A_36 = tpu.vector_load %arg12[%get3A, %get3A_35] {strides = array<i32>} : memref<80x128xf32, #tpu.memory_space<vmem>>, vector<1x16xf32>,
        %get3A_37 = vector.shape_cast %get3A_36 : vector<1x16xf32> to vector<16xf32>
        %get3A_38 = arith.index_cast %scan3A_34 : i32 to index
        %get3A_39 = arith.constant 0 : index
        %get3A_40 = tpu.vector_load %arg13[%get3A_38, %get3A_39] {strides = array<i32>} : memref<80x128xf32, #tpu.memory_space<vmem>>, vector<1x16xf32>,
        %get3A_41 = vector.shape_cast %get3A_40 : vector<1x16xf32> to vector<16xf32>
        %add3A_42 = arith.addf %get3A_37, %get3A_41 : vector<16xf32>
        %get3A_43 = arith.index_cast %scan3A_34 : i32 to index
        %get3A_44 = arith.constant 0 : index
        %get3A_45 = tpu.vector_load %arg14[%get3A_43, %get3A_44] {strides = array<i32>} : memref<80x128xf32, #tpu.memory_space<vmem>>, vector<1x16xf32>,
        %get3A_46 = vector.shape_cast %get3A_45 : vector<1x16xf32> to vector<16xf32>
        %add3A_47 = arith.addf %add3A_42, %get3A_46 : vector<16xf32>
        %swap3A = arith.index_cast %scan3A_34 : i32 to index
        %swap3A_48 = arith.constant 0 : index
        %swap3A_49 = tpu.vector_load %arg12[%swap3A, %swap3A_48] {strides = array<i32>} : memref<80x128xf32, #tpu.memory_space<vmem>>, vector<1x16xf32>,
        %swap3A_50 = vector.shape_cast %swap3A_49 : vector<1x16xf32> to vector<16xf32>
        %swap3A_51 = vector.shape_cast %add3A_47 : vector<16xf32> to vector<1x16xf32>
        tpu.vector_store %arg12[%swap3A, %swap3A_48], %swap3A_51 {strides = array<i32>} : memref<80x128xf32, #tpu.memory_space<vmem>>, vector<1x16xf32>,
        %get3A_52 = arith.index_cast %scan3A_34 : i32 to index
        %get3A_53 = arith.constant 16 : index
        %get3A_54 = tpu.vector_load %arg12[%get3A_52, %get3A_53] {strides = array<i32>} : memref<80x128xf32, #tpu.memory_space<vmem>>, vector<1x16xf32>,
        %get3A_55 = vector.shape_cast %get3A_54 : vector<1x16xf32> to vector<16xf32>
        %get3A_56 = arith.index_cast %scan3A_34 : i32 to index
        %get3A_57 = arith.constant 16 : index
        %get3A_58 = tpu.vector_load %arg13[%get3A_56, %get3A_57] {strides = array<i32>} : memref<80x128xf32, #tpu.memory_space<vmem>>, vector<1x16xf32>,
        %get3A_59 = vector.shape_cast %get3A_58 : vector<1x16xf32> to vector<16xf32>
        %add3A_60 = arith.addf %get3A_55, %get3A_59 : vector<16xf32>
        %get3A_61 = arith.index_cast %scan3A_34 : i32 to index
        %get3A_62 = arith.constant 16 : index
        %get3A_63 = tpu.vector_load %arg14[%get3A_61, %get3A_62] {strides = array<i32>} : memref<80x128xf32, #tpu.memory_space<vmem>>, vector<1x16xf32>,
        %get3A_64 = vector.shape_cast %get3A_63 : vector<1x16xf32> to vector<16xf32>
        %add3A_65 = arith.addf %add3A_60, %get3A_64 : vector<16xf32>
        %swap3A_66 = arith.index_cast %scan3A_34 : i32 to index
        %swap3A_67 = arith.constant 16 : index
        %swap3A_68 = tpu.vector_load %arg12[%swap3A_66, %swap3A_67] {strides = array<i32>} : memref<80x128xf32, #tpu.memory_space<vmem>>, vector<1x16xf32>,
        %swap3A_69 = vector.shape_cast %swap3A_68 : vector<1x16xf32> to vector<16xf32>
        %swap3A_70 = vector.shape_cast %add3A_65 : vector<16xf32> to vector<1x16xf32>
        tpu.vector_store %arg12[%swap3A_66, %swap3A_67], %swap3A_70 {strides = array<i32>} : memref<80x128xf32, #tpu.memory_space<vmem>>, vector<1x16xf32>,
        %get3A_71 = arith.index_cast %scan3A_34 : i32 to index
        %get3A_72 = arith.constant 32 : index
        %get3A_73 = tpu.vector_load %arg12[%get3A_71, %get3A_72] {strides = array<i32>} : memref<80x128xf32, #tpu.memory_space<vmem>>, vector<1x16xf32>,
        %get3A_74 = vector.shape_cast %get3A_73 : vector<1x16xf32> to vector<16xf32>
        %get3A_75 = arith.index_cast %scan3A_34 : i32 to index
        %get3A_76 = arith.constant 32 : index
        %get3A_77 = tpu.vector_load %arg13[%get3A_75, %get3A_76] {strides = array<i32>} : memref<80x128xf32, #tpu.memory_space<vmem>>, vector<1x16xf32>,
        %get3A_78 = vector.shape_cast %get3A_77 : vector<1x16xf32> to vector<16xf32>
        %add3A_79 = arith.addf %get3A_74, %get3A_78 : vector<16xf32>
        %get3A_80 = arith.index_cast %scan3A_34 : i32 to index
        %get3A_81 = arith.constant 32 : index
        %get3A_82 = tpu.vector_load %arg14[%get3A_80, %get3A_81] {strides = array<i32>} : memref<80x128xf32, #tpu.memory_space<vmem>>, vector<1x16xf32>,
        %get3A_83 = vector.shape_cast %get3A_82 : vector<1x16xf32> to vector<16xf32>
        %add3A_84 = arith.addf %add3A_79, %get3A_83 : vector<16xf32>
        %swap3A_85 = arith.index_cast %scan3A_34 : i32 to index
        %swap3A_86 = arith.constant 32 : index
        %swap3A_87 = tpu.vector_load %arg12[%swap3A_85, %swap3A_86] {strides = array<i32>} : memref<80x128xf32, #tpu.memory_space<vmem>>, vector<1x16xf32>,
        %swap3A_88 = vector.shape_cast %swap3A_87 : vector<1x16xf32> to vector<16xf32>
        %swap3A_89 = vector.shape_cast %add3A_84 : vector<16xf32> to vector<1x16xf32>
        tpu.vector_store %arg12[%swap3A_85, %swap3A_86], %swap3A_89 {strides = array<i32>} : memref<80x128xf32, #tpu.memory_space<vmem>>, vector<1x16xf32>,
        %get3A_90 = arith.index_cast %scan3A_34 : i32 to index
        %get3A_91 = arith.constant 48 : index
        %get3A_92 = tpu.vector_load %arg12[%get3A_90, %get3A_91] {strides = array<i32>} : memref<80x128xf32, #tpu.memory_space<vmem>>, vector<1x16xf32>,
        %get3A_93 = vector.shape_cast %get3A_92 : vector<1x16xf32> to vector<16xf32>
        %get3A_94 = arith.index_cast %scan3A_34 : i32 to index
        %get3A_95 = arith.constant 48 : index
        %get3A_96 = tpu.vector_load %arg13[%get3A_94, %get3A_95] {strides = array<i32>} : memref<80x128xf32, #tpu.memory_space<vmem>>, vector<1x16xf32>,
        %get3A_97 = vector.shape_cast %get3A_96 : vector<1x16xf32> to vector<16xf32>
        %add3A_98 = arith.addf %get3A_93, %get3A_97 : vector<16xf32>
        %get3A_99 = arith.index_cast %scan3A_34 : i32 to index
        %get3A_100 = arith.constant 48 : index
        %get3A_101 = tpu.vector_load %arg14[%get3A_99, %get3A_100] {strides = array<i32>} : memref<80x128xf32, #tpu.memory_space<vmem>>, vector<1x16xf32>,
        %get3A_102 = vector.shape_cast %get3A_101 : vector<1x16xf32> to vector<16xf32>
        %add3A_103 = arith.addf %add3A_98, %get3A_102 : vector<16xf32>
        %swap3A_104 = arith.index_cast %scan3A_34 : i32 to index
        %swap3A_105 = arith.constant 48 : index
        %swap3A_106 = tpu.vector_load %arg12[%swap3A_104, %swap3A_105] {strides = array<i32>} : memref<80x128xf32, #tpu.memory_space<vmem>>, vector<1x16xf32>,
        %swap3A_107 = vector.shape_cast %swap3A_106 : vector<1x16xf32> to vector<16xf32>
        %swap3A_108 = vector.shape_cast %add3A_103 : vector<16xf32> to vector<1x16xf32>
        tpu.vector_store %arg12[%swap3A_104, %swap3A_105], %swap3A_108 {strides = array<i32>} : memref<80x128xf32, #tpu.memory_space<vmem>>, vector<1x16xf32>,
        %get3A_109 = arith.index_cast %scan3A_34 : i32 to index
        %get3A_110 = arith.constant 64 : index
        %get3A_111 = tpu.vector_load %arg12[%get3A_109, %get3A_110] {strides = array<i32>} : memref<80x128xf32, #tpu.memory_space<vmem>>, vector<1x16xf32>,
        %get3A_112 = vector.shape_cast %get3A_111 : vector<1x16xf32> to vector<16xf32>
        %get3A_113 = arith.index_cast %scan3A_34 : i32 to index
        %get3A_114 = arith.constant 64 : index
        %get3A_115 = tpu.vector_load %arg13[%get3A_113, %get3A_114] {strides = array<i32>} : memref<80x128xf32, #tpu.memory_space<vmem>>, vector<1x16xf32>,
        %get3A_116 = vector.shape_cast %get3A_115 : vector<1x16xf32> to vector<16xf32>
        %add3A_117 = arith.addf %get3A_112, %get3A_116 : vector<16xf32>
        %get3A_118 = arith.index_cast %scan3A_34 : i32 to index
        %get3A_119 = arith.constant 64 : index
        %get3A_120 = tpu.vector_load %arg14[%get3A_118, %get3A_119] {strides = array<i32>} : memref<80x128xf32, #tpu.memory_space<vmem>>, vector<1x16xf32>,
        %get3A_121 = vector.shape_cast %get3A_120 : vector<1x16xf32> to vector<16xf32>
        %add3A_122 = arith.addf %add3A_117, %get3A_121 : vector<16xf32>
        %swap3A_123 = arith.index_cast %scan3A_34 : i32 to index
        %swap3A_124 = arith.constant 64 : index
        %swap3A_125 = tpu.vector_load %arg12[%swap3A_123, %swap3A_124] {strides = array<i32>} : memref<80x128xf32, #tpu.memory_space<vmem>>, vector<1x16xf32>,
        %swap3A_126 = vector.shape_cast %swap3A_125 : vector<1x16xf32> to vector<16xf32>
        %swap3A_127 = vector.shape_cast %add3A_122 : vector<16xf32> to vector<1x16xf32>
        tpu.vector_store %arg12[%swap3A_123, %swap3A_124], %swap3A_127 {strides = array<i32>} : memref<80x128xf32, #tpu.memory_space<vmem>>, vector<1x16xf32>,
        %get3A_128 = arith.index_cast %scan3A_34 : i32 to index
        %get3A_129 = arith.constant 80 : index
        %get3A_130 = tpu.vector_load %arg12[%get3A_128, %get3A_129] {strides = array<i32>} : memref<80x128xf32, #tpu.memory_space<vmem>>, vector<1x16xf32>,
        %get3A_131 = vector.shape_cast %get3A_130 : vector<1x16xf32> to vector<16xf32>
        %get3A_132 = arith.index_cast %scan3A_34 : i32 to index
        %get3A_133 = arith.constant 80 : index
        %get3A_134 = tpu.vector_load %arg13[%get3A_132, %get3A_133] {strides = array<i32>} : memref<80x128xf32, #tpu.memory_space<vmem>>, vector<1x16xf32>,
        %get3A_135 = vector.shape_cast %get3A_134 : vector<1x16xf32> to vector<16xf32>
        %add3A_136 = arith.addf %get3A_131, %get3A_135 : vector<16xf32>
        %get3A_137 = arith.index_cast %scan3A_34 : i32 to index
        %get3A_138 = arith.constant 80 : index
        %get3A_139 = tpu.vector_load %arg14[%get3A_137, %get3A_138] {strides = array<i32>} : memref<80x128xf32, #tpu.memory_space<vmem>>, vector<1x16xf32>,
        %get3A_140 = vector.shape_cast %get3A_139 : vector<1x16xf32> to vector<16xf32>
        %add3A_141 = arith.addf %add3A_136, %get3A_140 : vector<16xf32>
        %swap3A_142 = arith.index_cast %scan3A_34 : i32 to index
        %swap3A_143 = arith.constant 80 : index
        %swap3A_144 = tpu.vector_load %arg12[%swap3A_142, %swap3A_143] {strides = array<i32>} : memref<80x128xf32, #tpu.memory_space<vmem>>, vector<1x16xf32>,
        %swap3A_145 = vector.shape_cast %swap3A_144 : vector<1x16xf32> to vector<16xf32>
        %swap3A_146 = vector.shape_cast %add3A_141 : vector<16xf32> to vector<1x16xf32>
        tpu.vector_store %arg12[%swap3A_142, %swap3A_143], %swap3A_146 {strides = array<i32>} : memref<80x128xf32, #tpu.memory_space<vmem>>, vector<1x16xf32>,
        %get3A_147 = arith.index_cast %scan3A_34 : i32 to index
        %get3A_148 = arith.constant 96 : index
        %get3A_149 = tpu.vector_load %arg12[%get3A_147, %get3A_148] {strides = array<i32>} : memref<80x128xf32, #tpu.memory_space<vmem>>, vector<1x16xf32>,
        %get3A_150 = vector.shape_cast %get3A_149 : vector<1x16xf32> to vector<16xf32>
        %get3A_151 = arith.index_cast %scan3A_34 : i32 to index
        %get3A_152 = arith.constant 96 : index
        %get3A_153 = tpu.vector_load %arg13[%get3A_151, %get3A_152] {strides = array<i32>} : memref<80x128xf32, #tpu.memory_space<vmem>>, vector<1x16xf32>,
        %get3A_154 = vector.shape_cast %get3A_153 : vector<1x16xf32> to vector<16xf32>
        %add3A_155 = arith.addf %get3A_150, %get3A_154 : vector<16xf32>
        %get3A_156 = arith.index_cast %scan3A_34 : i32 to index
        %get3A_157 = arith.constant 96 : index
        %get3A_158 = tpu.vector_load %arg14[%get3A_156, %get3A_157] {strides = array<i32>} : memref<80x128xf32, #tpu.memory_space<vmem>>, vector<1x16xf32>,
        %get3A_159 = vector.shape_cast %get3A_158 : vector<1x16xf32> to vector<16xf32>
        %add3A_160 = arith.addf %add3A_155, %get3A_159 : vector<16xf32>
        %swap3A_161 = arith.index_cast %scan3A_34 : i32 to index
        %swap3A_162 = arith.constant 96 : index
        %swap3A_163 = tpu.vector_load %arg12[%swap3A_161, %swap3A_162] {strides = array<i32>} : memref<80x128xf32, #tpu.memory_space<vmem>>, vector<1x16xf32>,
        %swap3A_164 = vector.shape_cast %swap3A_163 : vector<1x16xf32> to vector<16xf32>
        %swap3A_165 = vector.shape_cast %add3A_160 : vector<16xf32> to vector<1x16xf32>
        tpu.vector_store %arg12[%swap3A_161, %swap3A_162], %swap3A_165 {strides = array<i32>} : memref<80x128xf32, #tpu.memory_space<vmem>>, vector<1x16xf32>,
        %get3A_166 = arith.index_cast %scan3A_34 : i32 to index
        %get3A_167 = arith.constant 112 : index
        %get3A_168 = tpu.vector_load %arg12[%get3A_166, %get3A_167] {strides = array<i32>} : memref<80x128xf32, #tpu.memory_space<vmem>>, vector<1x16xf32>,
        %get3A_169 = vector.shape_cast %get3A_168 : vector<1x16xf32> to vector<16xf32>
        %get3A_170 = arith.index_cast %scan3A_34 : i32 to index
        %get3A_171 = arith.constant 112 : index
        %get3A_172 = tpu.vector_load %arg13[%get3A_170, %get3A_171] {strides = array<i32>} : memref<80x128xf32, #tpu.memory_space<vmem>>, vector<1x16xf32>,
        %get3A_173 = vector.shape_cast %get3A_172 : vector<1x16xf32> to vector<16xf32>
        %add3A_174 = arith.addf %get3A_169, %get3A_173 : vector<16xf32>
        %get3A_175 = arith.index_cast %scan3A_34 : i32 to index
        %get3A_176 = arith.constant 112 : index
        %get3A_177 = tpu.vector_load %arg14[%get3A_175, %get3A_176] {strides = array<i32>} : memref<80x128xf32, #tpu.memory_space<vmem>>, vector<1x16xf32>,
        %get3A_178 = vector.shape_cast %get3A_177 : vector<1x16xf32> to vector<16xf32>
        %add3A_179 = arith.addf %add3A_174, %get3A_178 : vector<16xf32>
        %swap3A_180 = arith.index_cast %scan3A_34 : i32 to index
        %swap3A_181 = arith.constant 112 : index
        %swap3A_182 = tpu.vector_load %arg12[%swap3A_180, %swap3A_181] {strides = array<i32>} : memref<80x128xf32, #tpu.memory_space<vmem>>, vector<1x16xf32>,
        %swap3A_183 = vector.shape_cast %swap3A_182 : vector<1x16xf32> to vector<16xf32>
        %swap3A_184 = vector.shape_cast %add3A_179 : vector<16xf32> to vector<1x16xf32>
        tpu.vector_store %arg12[%swap3A_180, %swap3A_181], %swap3A_184 {strides = array<i32>} : memref<80x128xf32, #tpu.memory_space<vmem>>, vector<1x16xf32>,
      }
      %scan3A_33 = arith.constant 80 : i32
      "tpu.region"() ({
        %run_scoped3A = tpu.sem_alloc : memref<!tpu.dma_semaphore, #tpu.memory_space<semaphore_mem>>
        %dma_start3A_34 = arith.constant 0 : i32
        %dma_start3A_35 = tpu.memref_slice %arg8[%add3A_11, %dma_start3A_34] : memref<640000x128xf32, #tpu.memory_space<hbm>> -> memref<80x128xf32, #tpu.memory_space<hbm>>
        %dma_start3A_36 = arith.constant 0 : i32
        %dma_start3A_37 = tpu.memref_slice %arg8[%add3A_11, %dma_start3A_36] : memref<640000x128xf32, #tpu.memory_space<hbm>> -> memref<80x128xf32, #tpu.memory_space<hbm>>
        tpu.enqueue_dma source(%arg12 : memref<80x128xf32, #tpu.memory_space<vmem>>) target(%dma_start3A_37 : memref<80x128xf32, #tpu.memory_space<hbm>>) target_semaphore(%run_scoped3A : memref<!tpu.dma_semaphore, #tpu.memory_space<semaphore_mem>>)
        %dma_wait3A_38 = arith.constant 0 : i32
        %dma_wait3A_39 = tpu.memref_slice %arg8[%add3A_11, %dma_wait3A_38] : memref<640000x128xf32, #tpu.memory_space<hbm>> -> memref<80x128xf32, #tpu.memory_space<hbm>>
        %dma_wait3A_40 = arith.constant 0 : i32
        %dma_wait3A_41 = tpu.memref_slice %arg8[%add3A_11, %dma_wait3A_40] : memref<640000x128xf32, #tpu.memory_space<hbm>> -> memref<80x128xf32, #tpu.memory_space<hbm>>
        tpu.wait_dma2 semaphore(%run_scoped3A : memref<!tpu.dma_semaphore, #tpu.memory_space<semaphore_mem>>) src(%arg12 : memref<80x128xf32, #tpu.memory_space<vmem>>) dst(%dma_wait3A_41 : memref<80x128xf32, #tpu.memory_space<hbm>>)
        tpu.yield
      }) : () -> ()
    }
    %scan3A_7 = arith.constant 250 : i32
    return
  }
}

module attributes {stable_mosaic.version = 14 : i64} {
  func.func @_edge_c_body(%arg0: i32, %arg1: memref<1000x128xf32, #tpu.memory_space<vmem>>, %arg2: memref<128x512xf32, #tpu.memory_space<vmem>>, %arg3: memref<4x128xf32, #tpu.memory_space<vmem>>, %arg4: memref<2x2x1000x128xf32, #tpu.memory_space<vmem>>) attributes {dimension_semantics = [#tpu.dimension_semantics<arbitrary>], iteration_bounds = array<i64: 320>, scalar_prefetch = 0 : i64, scratch_operands = 0 : i64, tpu.core_type = #tpu.core_type<tc>, window_params = [{transform_indices = @transform_0, window_bounds = array<i64: 1000, 128>}, {pipeline_mode = #tpu.pipeline_mode<synchronous>, transform_indices = @transform_1, window_bounds = array<i64: 128, 512>}, {pipeline_mode = #tpu.pipeline_mode<synchronous>, transform_indices = @transform_2, window_bounds = array<i64: 4, 128>}, {transform_indices = @transform_3, window_bounds = array<i64: 2, 2, 1000, 128>}]} {
    %get3A = arith.constant 0 : index
    %get3A_0 = arith.constant 0 : index
    %get3A_1 = vector.load %arg1[%get3A, %get3A_0] : memref<1000x128xf32, #tpu.memory_space<vmem>>, vector<1000x128xf32>
    %get3A_2 = arith.constant 0 : index
    %get3A_3 = arith.constant 0 : index
    %get3A_4 = vector.load %arg2[%get3A_2, %get3A_3] : memref<128x512xf32, #tpu.memory_space<vmem>>, vector<128x128xf32>
    %dot_general3A = arith.constant dense<0.000000e+00> : vector<1000x128xf32>
    %dot_general3A_5 = tpu.matmul %get3A_1, %get3A_4, %dot_general3A {dimension_numbers = #tpu.dot_dimension_numbers<[1], [0], [0], [1], [0, 0, 1, 1], [], []>, transpose_lhs_hint = false} : vector<1000x128xf32>, vector<128x128xf32>, vector<1000x128xf32> -> vector<1000x128xf32>
    %get3A_6 = arith.constant 0 : index
    %get3A_7 = arith.constant 0 : index
    %get3A_8 = vector.load %arg3[%get3A_6, %get3A_7] : memref<4x128xf32, #tpu.memory_space<vmem>>, vector<1x128xf32>
    %get3A_9 = vector.shape_cast %get3A_8 : vector<1x128xf32> to vector<128xf32>
    %broadcast_in_dim3A = vector.shape_cast %get3A_9 : vector<128xf32> to vector<1x128xf32>
    %add3A = vector.broadcast %broadcast_in_dim3A : vector<1x128xf32> to vector<1000x128xf32>
    %add3A_10 = arith.addf %dot_general3A_5, %add3A : vector<1000x128xf32>
    %swap3A = arith.constant 0 : index
    %swap3A_11 = arith.constant 0 : index
    %swap3A_12 = arith.constant 0 : index
    %swap3A_13 = arith.constant 0 : index
    %swap3A_14 = vector.load %arg4[%swap3A, %swap3A_11, %swap3A_12, %swap3A_13] : memref<2x2x1000x128xf32, #tpu.memory_space<vmem>>, vector<1x1x1000x128xf32>
    %swap3A_15 = vector.shape_cast %swap3A_14 : vector<1x1x1000x128xf32> to vector<1000x128xf32>
    %swap3A_16 = vector.shape_cast %add3A_10 : vector<1000x128xf32> to vector<1x1x1000x128xf32>
    tpu.vector_store %arg4[%swap3A, %swap3A_11, %swap3A_12, %swap3A_13], %swap3A_16 {strides = array<i32>} : memref<2x2x1000x128xf32, #tpu.memory_space<vmem>>, vector<1x1x1000x128xf32>,
    %get3A_17 = arith.constant 0 : index
    %get3A_18 = arith.constant 128 : index
    %get3A_19 = vector.load %arg2[%get3A_17, %get3A_18] : memref<128x512xf32, #tpu.memory_space<vmem>>, vector<128x128xf32>
    %dot_general3A_20 = arith.constant dense<0.000000e+00> : vector<1000x128xf32>
    %dot_general3A_21 = tpu.matmul %get3A_1, %get3A_19, %dot_general3A_20 {dimension_numbers = #tpu.dot_dimension_numbers<[1], [0], [0], [1], [0, 0, 1, 1], [], []>, transpose_lhs_hint = false} : vector<1000x128xf32>, vector<128x128xf32>, vector<1000x128xf32> -> vector<1000x128xf32>
    %get3A_22 = arith.constant 1 : index
    %get3A_23 = arith.constant 0 : index
    %get3A_24 = vector.load %arg3[%get3A_22, %get3A_23] : memref<4x128xf32, #tpu.memory_space<vmem>>, vector<1x128xf32>
    %get3A_25 = vector.shape_cast %get3A_24 : vector<1x128xf32> to vector<128xf32>
    %broadcast_in_dim3A_26 = vector.shape_cast %get3A_25 : vector<128xf32> to vector<1x128xf32>
    %add3A_27 = vector.broadcast %broadcast_in_dim3A_26 : vector<1x128xf32> to vector<1000x128xf32>
    %add3A_28 = arith.addf %dot_general3A_21, %add3A_27 : vector<1000x128xf32>
    %swap3A_29 = arith.constant 0 : index
    %swap3A_30 = arith.constant 1 : index
    %swap3A_31 = arith.constant 0 : index
    %swap3A_32 = arith.constant 0 : index
    %swap3A_33 = vector.load %arg4[%swap3A_29, %swap3A_30, %swap3A_31, %swap3A_32] : memref<2x2x1000x128xf32, #tpu.memory_space<vmem>>, vector<1x1x1000x128xf32>
    %swap3A_34 = vector.shape_cast %swap3A_33 : vector<1x1x1000x128xf32> to vector<1000x128xf32>
    %swap3A_35 = vector.shape_cast %add3A_28 : vector<1000x128xf32> to vector<1x1x1000x128xf32>
    tpu.vector_store %arg4[%swap3A_29, %swap3A_30, %swap3A_31, %swap3A_32], %swap3A_35 {strides = array<i32>} : memref<2x2x1000x128xf32, #tpu.memory_space<vmem>>, vector<1x1x1000x128xf32>,
    %get3A_36 = arith.constant 0 : index
    %get3A_37 = arith.constant 256 : index
    %get3A_38 = vector.load %arg2[%get3A_36, %get3A_37] : memref<128x512xf32, #tpu.memory_space<vmem>>, vector<128x128xf32>
    %dot_general3A_39 = arith.constant dense<0.000000e+00> : vector<1000x128xf32>
    %dot_general3A_40 = tpu.matmul %get3A_1, %get3A_38, %dot_general3A_39 {dimension_numbers = #tpu.dot_dimension_numbers<[1], [0], [0], [1], [0, 0, 1, 1], [], []>, transpose_lhs_hint = false} : vector<1000x128xf32>, vector<128x128xf32>, vector<1000x128xf32> -> vector<1000x128xf32>
    %get3A_41 = arith.constant 2 : index
    %get3A_42 = arith.constant 0 : index
    %get3A_43 = vector.load %arg3[%get3A_41, %get3A_42] : memref<4x128xf32, #tpu.memory_space<vmem>>, vector<1x128xf32>
    %get3A_44 = vector.shape_cast %get3A_43 : vector<1x128xf32> to vector<128xf32>
    %broadcast_in_dim3A_45 = vector.shape_cast %get3A_44 : vector<128xf32> to vector<1x128xf32>
    %add3A_46 = vector.broadcast %broadcast_in_dim3A_45 : vector<1x128xf32> to vector<1000x128xf32>
    %add3A_47 = arith.addf %dot_general3A_40, %add3A_46 : vector<1000x128xf32>
    %swap3A_48 = arith.constant 1 : index
    %swap3A_49 = arith.constant 0 : index
    %swap3A_50 = arith.constant 0 : index
    %swap3A_51 = arith.constant 0 : index
    %swap3A_52 = vector.load %arg4[%swap3A_48, %swap3A_49, %swap3A_50, %swap3A_51] : memref<2x2x1000x128xf32, #tpu.memory_space<vmem>>, vector<1x1x1000x128xf32>
    %swap3A_53 = vector.shape_cast %swap3A_52 : vector<1x1x1000x128xf32> to vector<1000x128xf32>
    %swap3A_54 = vector.shape_cast %add3A_47 : vector<1000x128xf32> to vector<1x1x1000x128xf32>
    tpu.vector_store %arg4[%swap3A_48, %swap3A_49, %swap3A_50, %swap3A_51], %swap3A_54 {strides = array<i32>} : memref<2x2x1000x128xf32, #tpu.memory_space<vmem>>, vector<1x1x1000x128xf32>,
    %get3A_55 = arith.constant 0 : index
    %get3A_56 = arith.constant 384 : index
    %get3A_57 = vector.load %arg2[%get3A_55, %get3A_56] : memref<128x512xf32, #tpu.memory_space<vmem>>, vector<128x128xf32>
    %dot_general3A_58 = arith.constant dense<0.000000e+00> : vector<1000x128xf32>
    %dot_general3A_59 = tpu.matmul %get3A_1, %get3A_57, %dot_general3A_58 {dimension_numbers = #tpu.dot_dimension_numbers<[1], [0], [0], [1], [0, 0, 1, 1], [], []>, transpose_lhs_hint = false} : vector<1000x128xf32>, vector<128x128xf32>, vector<1000x128xf32> -> vector<1000x128xf32>
    %get3A_60 = arith.constant 3 : index
    %get3A_61 = arith.constant 0 : index
    %get3A_62 = vector.load %arg3[%get3A_60, %get3A_61] : memref<4x128xf32, #tpu.memory_space<vmem>>, vector<1x128xf32>
    %get3A_63 = vector.shape_cast %get3A_62 : vector<1x128xf32> to vector<128xf32>
    %broadcast_in_dim3A_64 = vector.shape_cast %get3A_63 : vector<128xf32> to vector<1x128xf32>
    %add3A_65 = vector.broadcast %broadcast_in_dim3A_64 : vector<1x128xf32> to vector<1000x128xf32>
    %add3A_66 = arith.addf %dot_general3A_59, %add3A_65 : vector<1000x128xf32>
    %swap3A_67 = arith.constant 1 : index
    %swap3A_68 = arith.constant 1 : index
    %swap3A_69 = arith.constant 0 : index
    %swap3A_70 = arith.constant 0 : index
    %swap3A_71 = vector.load %arg4[%swap3A_67, %swap3A_68, %swap3A_69, %swap3A_70] : memref<2x2x1000x128xf32, #tpu.memory_space<vmem>>, vector<1x1x1000x128xf32>
    %swap3A_72 = vector.shape_cast %swap3A_71 : vector<1x1x1000x128xf32> to vector<1000x128xf32>
    %swap3A_73 = vector.shape_cast %add3A_66 : vector<1000x128xf32> to vector<1x1x1000x128xf32>
    tpu.vector_store %arg4[%swap3A_67, %swap3A_68, %swap3A_69, %swap3A_70], %swap3A_73 {strides = array<i32>} : memref<2x2x1000x128xf32, #tpu.memory_space<vmem>>, vector<1x1x1000x128xf32>,
    return
  }
  func.func @transform_0(%arg0: i32) -> (i32, i32) {
    %c0_i32 = arith.constant 0 : i32
    %c0_i32_0 = arith.constant 0 : i32
    return %arg0, %c0_i32 : i32, i32
  }
  func.func @transform_1(%arg0: i32) -> (i32, i32) {
    %c0_i32 = arith.constant 0 : i32
    %c0_i32_0 = arith.constant 0 : i32
    %c0_i32_1 = arith.constant 0 : i32
    return %c0_i32, %c0_i32_0 : i32, i32
  }
  func.func @transform_2(%arg0: i32) -> (i32, i32) {
    %c0_i32 = arith.constant 0 : i32
    %c0_i32_0 = arith.constant 0 : i32
    %c0_i32_1 = arith.constant 0 : i32
    return %c0_i32, %c0_i32_0 : i32, i32
  }
  func.func @transform_3(%arg0: i32) -> (i32, i32, i32, i32) {
    %c0_i32 = arith.constant 0 : i32
    %c0_i32_0 = arith.constant 0 : i32
    %c0_i32_1 = arith.constant 0 : i32
    %c0_i32_2 = arith.constant 0 : i32
    return %c0_i32, %c0_i32_0, %arg0, %c0_i32_1 : i32, i32, i32, i32
  }
}

module attributes {stable_mosaic.version = 14 : i64} {
  func.func @_node_body(%arg0: i32, %arg1: memref<1000x128xf32, #tpu.memory_space<vmem>>, %arg2: memref<128x512xf32, #tpu.memory_space<vmem>>, %arg3: memref<2x2x1000x128xf32, #tpu.memory_space<vmem>>) attributes {dimension_semantics = [#tpu.dimension_semantics<arbitrary>], iteration_bounds = array<i64: 10>, scalar_prefetch = 0 : i64, scratch_operands = 0 : i64, tpu.core_type = #tpu.core_type<tc>, window_params = [{transform_indices = @transform_0, window_bounds = array<i64: 1000, 128>}, {pipeline_mode = #tpu.pipeline_mode<synchronous>, transform_indices = @transform_1, window_bounds = array<i64: 128, 512>}, {transform_indices = @transform_2, window_bounds = array<i64: 2, 2, 1000, 128>}]} {
    %get3A = arith.constant 0 : index
    %get3A_0 = arith.constant 0 : index
    %get3A_1 = vector.load %arg1[%get3A, %get3A_0] : memref<1000x128xf32, #tpu.memory_space<vmem>>, vector<1000x128xf32>
    %get3A_2 = arith.constant 0 : index
    %get3A_3 = arith.constant 0 : index
    %get3A_4 = vector.load %arg2[%get3A_2, %get3A_3] : memref<128x512xf32, #tpu.memory_space<vmem>>, vector<128x128xf32>
    %dot_general3A = arith.constant dense<0.000000e+00> : vector<1000x128xf32>
    %dot_general3A_5 = tpu.matmul %get3A_1, %get3A_4, %dot_general3A {dimension_numbers = #tpu.dot_dimension_numbers<[1], [0], [0], [1], [0, 0, 1, 1], [], []>, transpose_lhs_hint = false} : vector<1000x128xf32>, vector<128x128xf32>, vector<1000x128xf32> -> vector<1000x128xf32>
    %swap3A = arith.constant 0 : index
    %swap3A_6 = arith.constant 0 : index
    %swap3A_7 = arith.constant 0 : index
    %swap3A_8 = arith.constant 0 : index
    %swap3A_9 = vector.load %arg3[%swap3A, %swap3A_6, %swap3A_7, %swap3A_8] : memref<2x2x1000x128xf32, #tpu.memory_space<vmem>>, vector<1x1x1000x128xf32>
    %swap3A_10 = vector.shape_cast %swap3A_9 : vector<1x1x1000x128xf32> to vector<1000x128xf32>
    %swap3A_11 = vector.shape_cast %dot_general3A_5 : vector<1000x128xf32> to vector<1x1x1000x128xf32>
    tpu.vector_store %arg3[%swap3A, %swap3A_6, %swap3A_7, %swap3A_8], %swap3A_11 {strides = array<i32>} : memref<2x2x1000x128xf32, #tpu.memory_space<vmem>>, vector<1x1x1000x128xf32>,
    %get3A_12 = arith.constant 0 : index
    %get3A_13 = arith.constant 128 : index
    %get3A_14 = vector.load %arg2[%get3A_12, %get3A_13] : memref<128x512xf32, #tpu.memory_space<vmem>>, vector<128x128xf32>
    %dot_general3A_15 = arith.constant dense<0.000000e+00> : vector<1000x128xf32>
    %dot_general3A_16 = tpu.matmul %get3A_1, %get3A_14, %dot_general3A_15 {dimension_numbers = #tpu.dot_dimension_numbers<[1], [0], [0], [1], [0, 0, 1, 1], [], []>, transpose_lhs_hint = false} : vector<1000x128xf32>, vector<128x128xf32>, vector<1000x128xf32> -> vector<1000x128xf32>
    %swap3A_17 = arith.constant 0 : index
    %swap3A_18 = arith.constant 1 : index
    %swap3A_19 = arith.constant 0 : index
    %swap3A_20 = arith.constant 0 : index
    %swap3A_21 = vector.load %arg3[%swap3A_17, %swap3A_18, %swap3A_19, %swap3A_20] : memref<2x2x1000x128xf32, #tpu.memory_space<vmem>>, vector<1x1x1000x128xf32>
    %swap3A_22 = vector.shape_cast %swap3A_21 : vector<1x1x1000x128xf32> to vector<1000x128xf32>
    %swap3A_23 = vector.shape_cast %dot_general3A_16 : vector<1000x128xf32> to vector<1x1x1000x128xf32>
    tpu.vector_store %arg3[%swap3A_17, %swap3A_18, %swap3A_19, %swap3A_20], %swap3A_23 {strides = array<i32>} : memref<2x2x1000x128xf32, #tpu.memory_space<vmem>>, vector<1x1x1000x128xf32>,
    %get3A_24 = arith.constant 0 : index
    %get3A_25 = arith.constant 256 : index
    %get3A_26 = vector.load %arg2[%get3A_24, %get3A_25] : memref<128x512xf32, #tpu.memory_space<vmem>>, vector<128x128xf32>
    %dot_general3A_27 = arith.constant dense<0.000000e+00> : vector<1000x128xf32>
    %dot_general3A_28 = tpu.matmul %get3A_1, %get3A_26, %dot_general3A_27 {dimension_numbers = #tpu.dot_dimension_numbers<[1], [0], [0], [1], [0, 0, 1, 1], [], []>, transpose_lhs_hint = false} : vector<1000x128xf32>, vector<128x128xf32>, vector<1000x128xf32> -> vector<1000x128xf32>
    %swap3A_29 = arith.constant 1 : index
    %swap3A_30 = arith.constant 0 : index
    %swap3A_31 = arith.constant 0 : index
    %swap3A_32 = arith.constant 0 : index
    %swap3A_33 = vector.load %arg3[%swap3A_29, %swap3A_30, %swap3A_31, %swap3A_32] : memref<2x2x1000x128xf32, #tpu.memory_space<vmem>>, vector<1x1x1000x128xf32>
    %swap3A_34 = vector.shape_cast %swap3A_33 : vector<1x1x1000x128xf32> to vector<1000x128xf32>
    %swap3A_35 = vector.shape_cast %dot_general3A_28 : vector<1000x128xf32> to vector<1x1x1000x128xf32>
    tpu.vector_store %arg3[%swap3A_29, %swap3A_30, %swap3A_31, %swap3A_32], %swap3A_35 {strides = array<i32>} : memref<2x2x1000x128xf32, #tpu.memory_space<vmem>>, vector<1x1x1000x128xf32>,
    %get3A_36 = arith.constant 0 : index
    %get3A_37 = arith.constant 384 : index
    %get3A_38 = vector.load %arg2[%get3A_36, %get3A_37] : memref<128x512xf32, #tpu.memory_space<vmem>>, vector<128x128xf32>
    %dot_general3A_39 = arith.constant dense<0.000000e+00> : vector<1000x128xf32>
    %dot_general3A_40 = tpu.matmul %get3A_1, %get3A_38, %dot_general3A_39 {dimension_numbers = #tpu.dot_dimension_numbers<[1], [0], [0], [1], [0, 0, 1, 1], [], []>, transpose_lhs_hint = false} : vector<1000x128xf32>, vector<128x128xf32>, vector<1000x128xf32> -> vector<1000x128xf32>
    %swap3A_41 = arith.constant 1 : index
    %swap3A_42 = arith.constant 1 : index
    %swap3A_43 = arith.constant 0 : index
    %swap3A_44 = arith.constant 0 : index
    %swap3A_45 = vector.load %arg3[%swap3A_41, %swap3A_42, %swap3A_43, %swap3A_44] : memref<2x2x1000x128xf32, #tpu.memory_space<vmem>>, vector<1x1x1000x128xf32>
    %swap3A_46 = vector.shape_cast %swap3A_45 : vector<1x1x1000x128xf32> to vector<1000x128xf32>
    %swap3A_47 = vector.shape_cast %dot_general3A_40 : vector<1000x128xf32> to vector<1x1x1000x128xf32>
    tpu.vector_store %arg3[%swap3A_41, %swap3A_42, %swap3A_43, %swap3A_44], %swap3A_47 {strides = array<i32>} : memref<2x2x1000x128xf32, #tpu.memory_space<vmem>>, vector<1x1x1000x128xf32>,
    return
  }
  func.func @transform_0(%arg0: i32) -> (i32, i32) {
    %c0_i32 = arith.constant 0 : i32
    %c0_i32_0 = arith.constant 0 : i32
    return %arg0, %c0_i32 : i32, i32
  }
  func.func @transform_1(%arg0: i32) -> (i32, i32) {
    %c0_i32 = arith.constant 0 : i32
    %c0_i32_0 = arith.constant 0 : i32
    %c0_i32_1 = arith.constant 0 : i32
    return %c0_i32, %c0_i32_0 : i32, i32
  }
  func.func @transform_2(%arg0: i32) -> (i32, i32, i32, i32) {
    %c0_i32 = arith.constant 0 : i32
    %c0_i32_0 = arith.constant 0 : i32
    %c0_i32_1 = arith.constant 0 : i32
    %c0_i32_2 = arith.constant 0 : i32
    return %c0_i32, %c0_i32_0, %arg0, %c0_i32_1 : i32, i32, i32, i32
  }
}

module attributes {stable_mosaic.version = 14 : i64} {
  func.func @body(%arg0: i32, %arg1: i32, %arg2: i32, %arg3: memref<160xi32, #tpu.memory_space<smem>>, %arg4: memref<640512x128xf32, #tpu.memory_space<any>>, %arg5: memref<640512xi32, #tpu.memory_space<any>>, %arg6: memref<1x128x128xf32, #tpu.memory_space<vmem>>, %arg7: memref<1x128x1xf32, #tpu.memory_space<vmem>>, %arg8: memref<512x128xf32, #tpu.memory_space<vmem>>, %arg9: memref<512xi32, #tpu.memory_space<vmem>>, %arg10: memref<!tpu.dma_semaphore, #tpu.memory_space<semaphore_mem>>, %arg11: memref<!tpu.dma_semaphore, #tpu.memory_space<semaphore_mem>>) attributes {dimension_semantics = [#tpu.dimension_semantics<arbitrary>, #tpu.dimension_semantics<arbitrary>, #tpu.dimension_semantics<arbitrary>], iteration_bounds = array<i64: 2, 79, 13>, scalar_prefetch = 1 : i64, scratch_operands = 4 : i64, tpu.core_type = #tpu.core_type<tc>, window_params = [{}, {}, {transform_indices = @transform_2, window_bounds = array<i64: 1, 128, 128>}, {transform_indices = @transform_3, window_bounds = array<i64: 1, 128, 1>}]} {
    %mul3A = arith.constant 80 : i32
    %mul3A_0 = arith.muli %arg0, %mul3A : i32
    %add3A = arith.addi %mul3A_0, %arg1 : i32
    %get3A = arith.index_cast %add3A : i32 to index
    %get3A_1 = memref.load %arg3[%get3A] : memref<160xi32, #tpu.memory_space<smem>>
    %mul3A_2 = arith.constant 80 : i32
    %mul3A_3 = arith.muli %arg0, %mul3A_2 : i32
    %add3A_4 = arith.addi %mul3A_3, %arg1 : i32
    %add3A_5 = arith.constant 1 : i32
    %add3A_6 = arith.addi %add3A_4, %add3A_5 : i32
    %get3A_7 = arith.index_cast %add3A_6 : i32 to index
    %get3A_8 = memref.load %arg3[%get3A_7] : memref<160xi32, #tpu.memory_space<smem>>
    %eq3A = arith.constant 0 : i32
    %eq3A_9 = arith.cmpi eq, %arg2, %eq3A : i32
    %convert_element_type3A = arith.extui %eq3A_9 : i1 to i32
    %cond3A = arith.constant 0 : i32
    %cond3A_10 = arith.cmpi ne, %convert_element_type3A, %cond3A : i32
    scf.if %cond3A_10 {
      %broadcast_in_dim3A = arith.constant 0.000000e+00 : f32
      %broadcast_in_dim3A_35 = vector.broadcast %broadcast_in_dim3A : f32 to vector<1x128x128xf32>
      %swap3A = arith.constant 0 : index
      %swap3A_36 = arith.constant 0 : index
      %swap3A_37 = arith.constant 0 : index
      %swap3A_38 = vector.load %arg6[%swap3A, %swap3A_36, %swap3A_37] : memref<1x128x128xf32, #tpu.memory_space<vmem>>, vector<1x128x128xf32>
      tpu.vector_store %arg6[%swap3A, %swap3A_36, %swap3A_37], %broadcast_in_dim3A_35 {strides = array<i32>} : memref<1x128x128xf32, #tpu.memory_space<vmem>>, vector<1x128x128xf32>,
      %broadcast_in_dim3A_39 = arith.constant 0.000000e+00 : f32
      %broadcast_in_dim3A_40 = vector.broadcast %broadcast_in_dim3A_39 : f32 to vector<1x128x1xf32>
      %swap3A_41 = arith.constant 0 : index
      %swap3A_42 = arith.constant 0 : index
      %swap3A_43 = arith.constant 0 : index
      %swap3A_44 = vector.load %arg7[%swap3A_41, %swap3A_42, %swap3A_43] : memref<1x128x1xf32, #tpu.memory_space<vmem>>, vector<1x128x1xf32>
      tpu.vector_store %arg7[%swap3A_41, %swap3A_42, %swap3A_43], %broadcast_in_dim3A_40 {strides = array<i32>} : memref<1x128x1xf32, #tpu.memory_space<vmem>>, vector<1x128x1xf32>,
    } else {
    }
    %jit3A = arith.constant 512 : i32
    %div3A = arith.divsi %get3A_1, %jit3A : i32
    %sign3A = arith.constant 0 : i32
    %sign3A_11 = arith.cmpi sgt, %get3A_1, %sign3A : i32
    %sign3A_12 = arith.extui %sign3A_11 : i1 to i32
    %sign3A_13 = arith.constant 0 : i32
    %sign3A_14 = arith.cmpi slt, %get3A_1, %sign3A_13 : i32
    %sign3A_15 = arith.extui %sign3A_14 : i1 to i32
    %sign3A_16 = arith.subi %sign3A_12, %sign3A_15 : i32
    %sign3A_17 = arith.constant 0 : i32
    %sign3A_18 = arith.cmpi sgt, %jit3A, %sign3A_17 : i32
    %sign3A_19 = arith.extui %sign3A_18 : i1 to i32
    %sign3A_20 = arith.constant 0 : i32
    %sign3A_21 = arith.cmpi slt, %jit3A, %sign3A_20 : i32
    %sign3A_22 = arith.extui %sign3A_21 : i1 to i32
    %sign3A_23 = arith.subi %sign3A_19, %sign3A_22 : i32
    %ne3A = arith.cmpi ne, %sign3A_16, %sign3A_23 : i32
    %rem3A = arith.remsi %get3A_1, %jit3A : i32
    %ne3A_24 = arith.constant 0 : i32
    %ne3A_25 = arith.cmpi ne, %rem3A, %ne3A_24 : i32
    %and3A = arith.andi %ne3A, %ne3A_25 : i1
    %sub3A = arith.constant 1 : i32
    %sub3A_26 = arith.subi %div3A, %sub3A : i32
    %select_n3A = arith.select %and3A, %sub3A_26, %div3A : i32
    %mul3A_27 = arith.constant 512 : i32
    %mul3A_28 = arith.muli %select_n3A, %mul3A_27 : i32
    %mul3A_29 = arith.constant 512 : i32
    %mul3A_30 = arith.muli %arg2, %mul3A_29 : i32
    %add3A_31 = arith.addi %mul3A_28, %mul3A_30 : i32
    %lt3A = arith.cmpi slt, %add3A_31, %get3A_8 : i32
    %convert_element_type3A_32 = arith.extui %lt3A : i1 to i32
    %cond3A_33 = arith.constant 0 : i32
    %cond3A_34 = arith.cmpi ne, %convert_element_type3A_32, %cond3A_33 : i32
    scf.if %cond3A_34 {
      %mul3A_35 = arith.constant 320000 : i32
      %mul3A_36 = arith.muli %arg0, %mul3A_35 : i32
      %add3A_37 = arith.addi %mul3A_36, %add3A_31 : i32
      %dma_start3A = arith.constant 0 : i32
      %dma_start3A_38 = tpu.memref_slice %arg4[%add3A_37, %dma_start3A] : memref<640512x128xf32, #tpu.memory_space<any>> -> memref<512x128xf32, #tpu.memory_space<any>>
      tpu.enqueue_dma source(%dma_start3A_38 : memref<512x128xf32, #tpu.memory_space<any>>) target(%arg8 : memref<512x128xf32, #tpu.memory_space<vmem>>) target_semaphore(%arg10 : memref<!tpu.dma_semaphore, #tpu.memory_space<semaphore_mem>>)
      %dma_start3A_39 = tpu.memref_slice %arg5[%add3A_37] : memref<640512xi32, #tpu.memory_space<any>> -> memref<512xi32, #tpu.memory_space<any>>
      tpu.enqueue_dma source(%dma_start3A_39 : memref<512xi32, #tpu.memory_space<any>>) target(%arg9 : memref<512xi32, #tpu.memory_space<vmem>>) target_semaphore(%arg11 : memref<!tpu.dma_semaphore, #tpu.memory_space<semaphore_mem>>)
      %dma_wait3A = arith.constant 0 : i32
      %dma_wait3A_40 = tpu.memref_slice %arg4[%add3A_37, %dma_wait3A] : memref<640512x128xf32, #tpu.memory_space<any>> -> memref<512x128xf32, #tpu.memory_space<any>>
      tpu.wait_dma2 semaphore(%arg10 : memref<!tpu.dma_semaphore, #tpu.memory_space<semaphore_mem>>) src(%dma_wait3A_40 : memref<512x128xf32, #tpu.memory_space<any>>) dst(%arg8 : memref<512x128xf32, #tpu.memory_space<vmem>>)
      %dma_wait3A_41 = tpu.memref_slice %arg5[%add3A_37] : memref<640512xi32, #tpu.memory_space<any>> -> memref<512xi32, #tpu.memory_space<any>>
      tpu.wait_dma2 semaphore(%arg11 : memref<!tpu.dma_semaphore, #tpu.memory_space<semaphore_mem>>) src(%dma_wait3A_41 : memref<512xi32, #tpu.memory_space<any>>) dst(%arg9 : memref<512xi32, #tpu.memory_space<vmem>>)
      %get3A_42 = arith.constant 0 : index
      %get3A_43 = arith.constant 0 : index
      %get3A_44 = vector.load %arg8[%get3A_42, %get3A_43] : memref<512x128xf32, #tpu.memory_space<vmem>>, vector<512x128xf32>
      %mul3A_45 = arith.constant 5.000000e-01 : f32
      %mul3A_46 = vector.broadcast %mul3A_45 : f32 to vector<512x128xf32>
      %mul3A_47 = arith.mulf %mul3A_46, %get3A_44 : vector<512x128xf32>
      %mul3A_48 = arith.constant 4.471500e-02 : f32
      %mul3A_49 = vector.broadcast %mul3A_48 : f32 to vector<512x128xf32>
      %mul3A_50 = arith.mulf %mul3A_49, %get3A_44 : vector<512x128xf32>
      %mul3A_51 = arith.mulf %mul3A_50, %get3A_44 : vector<512x128xf32>
      %mul3A_52 = arith.mulf %mul3A_51, %get3A_44 : vector<512x128xf32>
      %add3A_53 = arith.addf %get3A_44, %mul3A_52 : vector<512x128xf32>
      %mul3A_54 = arith.constant 0.797884583 : f32
      %mul3A_55 = vector.broadcast %mul3A_54 : f32 to vector<512x128xf32>
      %mul3A_56 = arith.mulf %mul3A_55, %add3A_53 : vector<512x128xf32>
      %tanh3A = math.tanh %mul3A_56 : vector<512x128xf32>
      %add3A_57 = arith.constant 1.000000e+00 : f32
      %add3A_58 = vector.broadcast %add3A_57 : f32 to vector<512x128xf32>
      %add3A_59 = arith.addf %add3A_58, %tanh3A : vector<512x128xf32>
      %mul3A_60 = arith.mulf %mul3A_47, %add3A_59 : vector<512x128xf32>
      %get3A_61 = arith.constant 0 : index
      %get3A_62 = vector.load %arg9[%get3A_61] : memref<512xi32, #tpu.memory_space<vmem>>, vector<512xi32>
      %mul3A_63 = arith.constant 128 : i32
      %mul3A_64 = arith.muli %arg1, %mul3A_63 : i32
      %sub3A_65 = vector.broadcast %mul3A_64 : i32 to vector<512xi32>
      %sub3A_66 = arith.subi %get3A_62, %sub3A_65 : vector<512xi32>
      %iota3A = tpu.iota {dimensions = array<i32: 0>} : vector<128x512xi32>
      %iota3A_67 = tpu.iota {dimensions = array<i32: 1>} : vector<128x512xi32>
      %add3A_68 = vector.broadcast %add3A_31 : i32 to vector<128x512xi32>
      %add3A_69 = arith.addi %iota3A_67, %add3A_68 : vector<128x512xi32>
      %broadcast_in_dim3A = vector.shape_cast %sub3A_66 : vector<512xi32> to vector<1x512xi32>
      %eq3A_70 = vector.broadcast %broadcast_in_dim3A : vector<1x512xi32> to vector<128x512xi32>
      %eq3A_71 = arith.cmpi eq, %eq3A_70, %iota3A : vector<128x512xi32>
      %lt3A_72 = vector.broadcast %get3A_8 : i32 to vector<128x512xi32>
      %lt3A_73 = arith.cmpi slt, %add3A_69, %lt3A_72 : vector<128x512xi32>
      %and3A_74 = arith.andi %eq3A_71, %lt3A_73 : vector<128x512xi1>
      %jit3A_75 = arith.constant 1.000000e+00 : f32
      %jit3A_76 = arith.constant 0.000000e+00 : f32
      %broadcast_in_dim3A_77 = vector.broadcast %jit3A_75 : f32 to vector<128x512xf32>
      %broadcast_in_dim3A_78 = vector.broadcast %jit3A_76 : f32 to vector<128x512xf32>
      %select_n3A_79 = arith.select %and3A_74, %broadcast_in_dim3A_77, %broadcast_in_dim3A_78 : vector<128x512xi1>, vector<128x512xf32>
      %get3A_80 = arith.constant 0 : index
      %get3A_81 = arith.constant 0 : index
      %get3A_82 = arith.constant 0 : index
      %get3A_83 = vector.load %arg6[%get3A_80, %get3A_81, %get3A_82] : memref<1x128x128xf32, #tpu.memory_space<vmem>>, vector<1x128x128xf32>
      %get3A_84 = vector.shape_cast %get3A_83 : vector<1x128x128xf32> to vector<128x128xf32>
      %dot_general3A = arith.constant dense<0.000000e+00> : vector<128x128xf32>
      %dot_general3A_85 = tpu.matmul %select_n3A_79, %mul3A_60, %dot_general3A {dimension_numbers = #tpu.dot_dimension_numbers<[1], [0], [0], [1], [0, 0, 1, 1], [], []>, transpose_lhs_hint = false} : vector<128x512xf32>, vector<512x128xf32>, vector<128x128xf32> -> vector<128x128xf32>
      %add3A_86 = arith.addf %get3A_84, %dot_general3A_85 : vector<128x128xf32>
      %swap3A = arith.constant 0 : index
      %swap3A_87 = arith.constant 0 : index
      %swap3A_88 = arith.constant 0 : index
      %swap3A_89 = vector.load %arg6[%swap3A, %swap3A_87, %swap3A_88] : memref<1x128x128xf32, #tpu.memory_space<vmem>>, vector<1x128x128xf32>
      %swap3A_90 = vector.shape_cast %swap3A_89 : vector<1x128x128xf32> to vector<128x128xf32>
      %swap3A_91 = vector.shape_cast %add3A_86 : vector<128x128xf32> to vector<1x128x128xf32>
      tpu.vector_store %arg6[%swap3A, %swap3A_87, %swap3A_88], %swap3A_91 {strides = array<i32>} : memref<1x128x128xf32, #tpu.memory_space<vmem>>, vector<1x128x128xf32>,
      %get3A_92 = arith.constant 0 : index
      %get3A_93 = arith.constant 0 : index
      %get3A_94 = arith.constant 0 : index
      %get3A_95 = vector.load %arg7[%get3A_92, %get3A_93, %get3A_94] : memref<1x128x1xf32, #tpu.memory_space<vmem>>, vector<1x128x1xf32>
      %get3A_96 = vector.shape_cast %get3A_95 : vector<1x128x1xf32> to vector<128x1xf32>
      %reduce_sum3A = arith.constant dense<0.000000e+00> : vector<128xf32>
      %reduce_sum3A_97 = vector.multi_reduction <add>, %select_n3A_79, %reduce_sum3A [1] : vector<128x512xf32> to vector<128xf32>
      %broadcast_in_dim3A_98 = vector.shape_cast %reduce_sum3A_97 : vector<128xf32> to vector<128x1xf32>
      %add3A_99 = arith.addf %get3A_96, %broadcast_in_dim3A_98 : vector<128x1xf32>
      %swap3A_100 = arith.constant 0 : index
      %swap3A_101 = arith.constant 0 : index
      %swap3A_102 = arith.constant 0 : index
      %swap3A_103 = vector.load %arg7[%swap3A_100, %swap3A_101, %swap3A_102] : memref<1x128x1xf32, #tpu.memory_space<vmem>>, vector<1x128x1xf32>
      %swap3A_104 = vector.shape_cast %swap3A_103 : vector<1x128x1xf32> to vector<128x1xf32>
      %swap3A_105 = vector.shape_cast %add3A_99 : vector<128x1xf32> to vector<1x128x1xf32>
      tpu.vector_store %arg7[%swap3A_100, %swap3A_101, %swap3A_102], %swap3A_105 {strides = array<i32>} : memref<1x128x1xf32, #tpu.memory_space<vmem>>, vector<1x128x1xf32>,
    } else {
    }
    return
  }
  func.func @transform_2(%arg0: i32, %arg1: i32, %arg2: i32, %arg3: memref<160xi32, #tpu.memory_space<smem>>) -> (i32, i32, i32) {
    %c0_i32 = arith.constant 0 : i32
    %c0_i32_0 = arith.constant 0 : i32
    return %arg0, %arg1, %c0_i32 : i32, i32, i32
  }
  func.func @transform_3(%arg0: i32, %arg1: i32, %arg2: i32, %arg3: memref<160xi32, #tpu.memory_space<smem>>) -> (i32, i32, i32) {
    %c0_i32 = arith.constant 0 : i32
    %c0_i32_0 = arith.constant 0 : i32
    return %arg0, %arg1, %c0_i32 : i32, i32, i32
  }
}

module attributes {stable_mosaic.version = 14 : i64} {
  func.func @_merge_body(%arg0: i32, %arg1: memref<1000x128xf32, #tpu.memory_space<vmem>>, %arg2: memref<2x1000x128xf32, #tpu.memory_space<vmem>>, %arg3: memref<2x1000x1xf32, #tpu.memory_space<vmem>>, %arg4: memref<3x128x128xf32, #tpu.memory_space<vmem>>, %arg5: memref<1x128xf32, #tpu.memory_space<vmem>>, %arg6: memref<1x128xf32, #tpu.memory_space<vmem>>, %arg7: memref<1000x128xf32, #tpu.memory_space<vmem>>) attributes {dimension_semantics = [#tpu.dimension_semantics<arbitrary>], iteration_bounds = array<i64: 10>, scalar_prefetch = 0 : i64, scratch_operands = 0 : i64, tpu.core_type = #tpu.core_type<tc>, window_params = [{transform_indices = @transform_0, window_bounds = array<i64: 1000, 128>}, {transform_indices = @transform_1, window_bounds = array<i64: 2, 1000, 128>}, {transform_indices = @transform_2, window_bounds = array<i64: 2, 1000, 1>}, {pipeline_mode = #tpu.pipeline_mode<synchronous>, transform_indices = @transform_3, window_bounds = array<i64: 3, 128, 128>}, {pipeline_mode = #tpu.pipeline_mode<synchronous>, transform_indices = @transform_4, window_bounds = array<i64: 1, 128>}, {pipeline_mode = #tpu.pipeline_mode<synchronous>, transform_indices = @transform_5, window_bounds = array<i64: 1, 128>}, {transform_indices = @transform_6, window_bounds = array<i64: 1000, 128>}]} {
    %get3A = arith.constant 0 : index
    %get3A_0 = arith.constant 0 : index
    %get3A_1 = vector.load %arg1[%get3A, %get3A_0] : memref<1000x128xf32, #tpu.memory_space<vmem>>, vector<1000x128xf32>
    %get3A_2 = arith.constant 0 : index
    %get3A_3 = arith.constant 0 : index
    %get3A_4 = arith.constant 0 : index
    %get3A_5 = vector.load %arg2[%get3A_2, %get3A_3, %get3A_4] : memref<2x1000x128xf32, #tpu.memory_space<vmem>>, vector<1x1000x128xf32>
    %get3A_6 = vector.shape_cast %get3A_5 : vector<1x1000x128xf32> to vector<1000x128xf32>
    %get3A_7 = arith.constant 0 : index
    %get3A_8 = arith.constant 0 : index
    %get3A_9 = arith.constant 0 : index
    %get3A_10 = vector.load %arg3[%get3A_7, %get3A_8, %get3A_9] : memref<2x1000x1xf32, #tpu.memory_space<vmem>>, vector<1x1000x1xf32>
    %get3A_11 = vector.shape_cast %get3A_10 : vector<1x1000x1xf32> to vector<1000x1xf32>
    %max3A = arith.constant 1.000000e+00 : f32
    %max3A_12 = vector.broadcast %max3A : f32 to vector<1000x1xf32>
    %max3A_13 = arith.maximumf %get3A_11, %max3A_12 : vector<1000x1xf32>
    %div3A = vector.broadcast %max3A_13 : vector<1000x1xf32> to vector<1000x128xf32>
    %div3A_14 = arith.divf %get3A_6, %div3A : vector<1000x128xf32>
    %get3A_15 = arith.constant 1 : index
    %get3A_16 = arith.constant 0 : index
    %get3A_17 = arith.constant 0 : index
    %get3A_18 = vector.load %arg2[%get3A_15, %get3A_16, %get3A_17] : memref<2x1000x128xf32, #tpu.memory_space<vmem>>, vector<1x1000x128xf32>
    %get3A_19 = vector.shape_cast %get3A_18 : vector<1x1000x128xf32> to vector<1000x128xf32>
    %get3A_20 = arith.constant 1 : index
    %get3A_21 = arith.constant 0 : index
    %get3A_22 = arith.constant 0 : index
    %get3A_23 = vector.load %arg3[%get3A_20, %get3A_21, %get3A_22] : memref<2x1000x1xf32, #tpu.memory_space<vmem>>, vector<1x1000x1xf32>
    %get3A_24 = vector.shape_cast %get3A_23 : vector<1x1000x1xf32> to vector<1000x1xf32>
    %max3A_25 = arith.constant 1.000000e+00 : f32
    %max3A_26 = vector.broadcast %max3A_25 : f32 to vector<1000x1xf32>
    %max3A_27 = arith.maximumf %get3A_24, %max3A_26 : vector<1000x1xf32>
    %div3A_28 = vector.broadcast %max3A_27 : vector<1000x1xf32> to vector<1000x128xf32>
    %div3A_29 = arith.divf %get3A_19, %div3A_28 : vector<1000x128xf32>
    %get3A_30 = arith.constant 0 : index
    %get3A_31 = arith.constant 0 : index
    %get3A_32 = arith.constant 0 : index
    %get3A_33 = vector.load %arg4[%get3A_30, %get3A_31, %get3A_32] : memref<3x128x128xf32, #tpu.memory_space<vmem>>, vector<1x128x128xf32>
    %get3A_34 = vector.shape_cast %get3A_33 : vector<1x128x128xf32> to vector<128x128xf32>
    %dot_general3A = arith.constant dense<0.000000e+00> : vector<1000x128xf32>
    %dot_general3A_35 = tpu.matmul %get3A_1, %get3A_34, %dot_general3A {dimension_numbers = #tpu.dot_dimension_numbers<[1], [0], [0], [1], [0, 0, 1, 1], [], []>, transpose_lhs_hint = false} : vector<1000x128xf32>, vector<128x128xf32>, vector<1000x128xf32> -> vector<1000x128xf32>
    %get3A_36 = arith.constant 1 : index
    %get3A_37 = arith.constant 0 : index
    %get3A_38 = arith.constant 0 : index
    %get3A_39 = vector.load %arg4[%get3A_36, %get3A_37, %get3A_38] : memref<3x128x128xf32, #tpu.memory_space<vmem>>, vector<1x128x128xf32>
    %get3A_40 = vector.shape_cast %get3A_39 : vector<1x128x128xf32> to vector<128x128xf32>
    %dot_general3A_41 = arith.constant dense<0.000000e+00> : vector<1000x128xf32>
    %dot_general3A_42 = tpu.matmul %div3A_14, %get3A_40, %dot_general3A_41 {dimension_numbers = #tpu.dot_dimension_numbers<[1], [0], [0], [1], [0, 0, 1, 1], [], []>, transpose_lhs_hint = false} : vector<1000x128xf32>, vector<128x128xf32>, vector<1000x128xf32> -> vector<1000x128xf32>
    %add3A = arith.addf %dot_general3A_35, %dot_general3A_42 : vector<1000x128xf32>
    %get3A_43 = arith.constant 2 : index
    %get3A_44 = arith.constant 0 : index
    %get3A_45 = arith.constant 0 : index
    %get3A_46 = vector.load %arg4[%get3A_43, %get3A_44, %get3A_45] : memref<3x128x128xf32, #tpu.memory_space<vmem>>, vector<1x128x128xf32>
    %get3A_47 = vector.shape_cast %get3A_46 : vector<1x128x128xf32> to vector<128x128xf32>
    %dot_general3A_48 = arith.constant dense<0.000000e+00> : vector<1000x128xf32>
    %dot_general3A_49 = tpu.matmul %div3A_29, %get3A_47, %dot_general3A_48 {dimension_numbers = #tpu.dot_dimension_numbers<[1], [0], [0], [1], [0, 0, 1, 1], [], []>, transpose_lhs_hint = false} : vector<1000x128xf32>, vector<128x128xf32>, vector<1000x128xf32> -> vector<1000x128xf32>
    %add3A_50 = arith.addf %add3A, %dot_general3A_49 : vector<1000x128xf32>
    %mul3A = arith.constant 5.000000e-01 : f32
    %mul3A_51 = vector.broadcast %mul3A : f32 to vector<1000x128xf32>
    %mul3A_52 = arith.mulf %mul3A_51, %add3A_50 : vector<1000x128xf32>
    %mul3A_53 = arith.constant 4.471500e-02 : f32
    %mul3A_54 = vector.broadcast %mul3A_53 : f32 to vector<1000x128xf32>
    %mul3A_55 = arith.mulf %mul3A_54, %add3A_50 : vector<1000x128xf32>
    %mul3A_56 = arith.mulf %mul3A_55, %add3A_50 : vector<1000x128xf32>
    %mul3A_57 = arith.mulf %mul3A_56, %add3A_50 : vector<1000x128xf32>
    %add3A_58 = arith.addf %add3A_50, %mul3A_57 : vector<1000x128xf32>
    %mul3A_59 = arith.constant 0.797884583 : f32
    %mul3A_60 = vector.broadcast %mul3A_59 : f32 to vector<1000x128xf32>
    %mul3A_61 = arith.mulf %mul3A_60, %add3A_58 : vector<1000x128xf32>
    %tanh3A = math.tanh %mul3A_61 : vector<1000x128xf32>
    %add3A_62 = arith.constant 1.000000e+00 : f32
    %add3A_63 = vector.broadcast %add3A_62 : f32 to vector<1000x128xf32>
    %add3A_64 = arith.addf %add3A_63, %tanh3A : vector<1000x128xf32>
    %mul3A_65 = arith.mulf %mul3A_52, %add3A_64 : vector<1000x128xf32>
    %add3A_66 = arith.addf %get3A_1, %mul3A_65 : vector<1000x128xf32>
    %reduce_sum3A = arith.constant dense<0.000000e+00> : vector<1000xf32>
    %reduce_sum3A_67 = vector.multi_reduction <add>, %add3A_66, %reduce_sum3A [1] : vector<1000x128xf32> to vector<1000xf32>
    %broadcast_in_dim3A = vector.shape_cast %reduce_sum3A_67 : vector<1000xf32> to vector<1000x1xf32>
    %div3A_68 = arith.constant 1.280000e+02 : f32
    %div3A_69 = vector.broadcast %div3A_68 : f32 to vector<1000x1xf32>
    %div3A_70 = arith.divf %broadcast_in_dim3A, %div3A_69 : vector<1000x1xf32>
    %sub3A = vector.broadcast %div3A_70 : vector<1000x1xf32> to vector<1000x128xf32>
    %sub3A_71 = arith.subf %add3A_66, %sub3A : vector<1000x128xf32>
    %integer_pow3A = arith.mulf %sub3A_71, %sub3A_71 : vector<1000x128xf32>
    %reduce_sum3A_72 = arith.constant dense<0.000000e+00> : vector<1000xf32>
    %reduce_sum3A_73 = vector.multi_reduction <add>, %integer_pow3A, %reduce_sum3A_72 [1] : vector<1000x128xf32> to vector<1000xf32>
    %broadcast_in_dim3A_74 = vector.shape_cast %reduce_sum3A_73 : vector<1000xf32> to vector<1000x1xf32>
    %div3A_75 = arith.constant 1.280000e+02 : f32
    %div3A_76 = vector.broadcast %div3A_75 : f32 to vector<1000x1xf32>
    %div3A_77 = arith.divf %broadcast_in_dim3A_74, %div3A_76 : vector<1000x1xf32>
    %sub3A_78 = vector.broadcast %div3A_70 : vector<1000x1xf32> to vector<1000x128xf32>
    %sub3A_79 = arith.subf %add3A_66, %sub3A_78 : vector<1000x128xf32>
    %add3A_80 = arith.constant 9.99999974E-6 : f32
    %add3A_81 = vector.broadcast %add3A_80 : f32 to vector<1000x1xf32>
    %add3A_82 = arith.addf %div3A_77, %add3A_81 : vector<1000x1xf32>
    %rsqrt3A = math.rsqrt %add3A_82 : vector<1000x1xf32>
    %mul3A_83 = vector.broadcast %rsqrt3A : vector<1000x1xf32> to vector<1000x128xf32>
    %mul3A_84 = arith.mulf %sub3A_79, %mul3A_83 : vector<1000x128xf32>
    %get3A_85 = arith.constant 0 : index
    %get3A_86 = arith.constant 0 : index
    %get3A_87 = vector.load %arg5[%get3A_85, %get3A_86] : memref<1x128xf32, #tpu.memory_space<vmem>>, vector<1x128xf32>
    %mul3A_88 = vector.broadcast %get3A_87 : vector<1x128xf32> to vector<1000x128xf32>
    %mul3A_89 = arith.mulf %mul3A_84, %mul3A_88 : vector<1000x128xf32>
    %get3A_90 = arith.constant 0 : index
    %get3A_91 = arith.constant 0 : index
    %get3A_92 = vector.load %arg6[%get3A_90, %get3A_91] : memref<1x128xf32, #tpu.memory_space<vmem>>, vector<1x128xf32>
    %add3A_93 = vector.broadcast %get3A_92 : vector<1x128xf32> to vector<1000x128xf32>
    %add3A_94 = arith.addf %mul3A_89, %add3A_93 : vector<1000x128xf32>
    %swap3A = arith.constant 0 : index
    %swap3A_95 = arith.constant 0 : index
    %swap3A_96 = vector.load %arg7[%swap3A, %swap3A_95] : memref<1000x128xf32, #tpu.memory_space<vmem>>, vector<1000x128xf32>
    tpu.vector_store %arg7[%swap3A, %swap3A_95], %add3A_94 {strides = array<i32>} : memref<1000x128xf32, #tpu.memory_space<vmem>>, vector<1000x128xf32>,
    return
  }
  func.func @transform_0(%arg0: i32) -> (i32, i32) {
    %c0_i32 = arith.constant 0 : i32
    %c0_i32_0 = arith.constant 0 : i32
    return %arg0, %c0_i32 : i32, i32
  }
  func.func @transform_1(%arg0: i32) -> (i32, i32, i32) {
    %c0_i32 = arith.constant 0 : i32
    %c0_i32_0 = arith.constant 0 : i32
    %c0_i32_1 = arith.constant 0 : i32
    return %c0_i32, %arg0, %c0_i32_0 : i32, i32, i32
  }
  func.func @transform_2(%arg0: i32) -> (i32, i32, i32) {
    %c0_i32 = arith.constant 0 : i32
    %c0_i32_0 = arith.constant 0 : i32
    %c0_i32_1 = arith.constant 0 : i32
    return %c0_i32, %arg0, %c0_i32_0 : i32, i32, i32
  }
  func.func @transform_3(%arg0: i32) -> (i32, i32, i32) {
    %c0_i32 = arith.constant 0 : i32
    %c0_i32_0 = arith.constant 0 : i32
    %c0_i32_1 = arith.constant 0 : i32
    %c0_i32_2 = arith.constant 0 : i32
    return %c0_i32, %c0_i32_0, %c0_i32_1 : i32, i32, i32
  }
  func.func @transform_4(%arg0: i32) -> (i32, i32) {
    %c0_i32 = arith.constant 0 : i32
    %c0_i32_0 = arith.constant 0 : i32
    %c0_i32_1 = arith.constant 0 : i32
    return %c0_i32, %c0_i32_0 : i32, i32
  }
  func.func @transform_5(%arg0: i32) -> (i32, i32) {
    %c0_i32 = arith.constant 0 : i32
    %c0_i32_0 = arith.constant 0 : i32
    %c0_i32_1 = arith.constant 0 : i32
    return %c0_i32, %c0_i32_0 : i32, i32
  }
  func.func @transform_6(%arg0: i32) -> (i32, i32) {
    %c0_i32 = arith.constant 0 : i32
    %c0_i32_0 = arith.constant 0 : i32
    return %arg0, %c0_i32 : i32, i32
  }
}

module attributes {stable_mosaic.version = 14 : i64} {
  func.func @_merge_body(%arg0: i32, %arg1: memref<1000x128xf32, #tpu.memory_space<vmem>>, %arg2: memref<2x1000x128xf32, #tpu.memory_space<vmem>>, %arg3: memref<2x1000x1xf32, #tpu.memory_space<vmem>>, %arg4: memref<3x128x128xf32, #tpu.memory_space<vmem>>, %arg5: memref<1x128xf32, #tpu.memory_space<vmem>>, %arg6: memref<1x128xf32, #tpu.memory_space<vmem>>, %arg7: memref<1000x128xf32, #tpu.memory_space<vmem>>) attributes {dimension_semantics = [#tpu.dimension_semantics<arbitrary>], iteration_bounds = array<i64: 10>, scalar_prefetch = 0 : i64, scratch_operands = 0 : i64, tpu.core_type = #tpu.core_type<tc>, window_params = [{transform_indices = @transform_0, window_bounds = array<i64: 1000, 128>}, {transform_indices = @transform_1, window_bounds = array<i64: 2, 1000, 128>}, {transform_indices = @transform_2, window_bounds = array<i64: 2, 1000, 1>}, {pipeline_mode = #tpu.pipeline_mode<synchronous>, transform_indices = @transform_3, window_bounds = array<i64: 3, 128, 128>}, {pipeline_mode = #tpu.pipeline_mode<synchronous>, transform_indices = @transform_4, window_bounds = array<i64: 1, 128>}, {pipeline_mode = #tpu.pipeline_mode<synchronous>, transform_indices = @transform_5, window_bounds = array<i64: 1, 128>}, {transform_indices = @transform_6, window_bounds = array<i64: 1000, 128>}]} {
    %get3A = arith.constant 0 : index
    %get3A_0 = arith.constant 0 : index
    %get3A_1 = vector.load %arg1[%get3A, %get3A_0] : memref<1000x128xf32, #tpu.memory_space<vmem>>, vector<1000x128xf32>
    %get3A_2 = arith.constant 0 : index
    %get3A_3 = arith.constant 0 : index
    %get3A_4 = arith.constant 0 : index
    %get3A_5 = vector.load %arg2[%get3A_2, %get3A_3, %get3A_4] : memref<2x1000x128xf32, #tpu.memory_space<vmem>>, vector<1x1000x128xf32>
    %get3A_6 = vector.shape_cast %get3A_5 : vector<1x1000x128xf32> to vector<1000x128xf32>
    %get3A_7 = arith.constant 0 : index
    %get3A_8 = arith.constant 0 : index
    %get3A_9 = arith.constant 0 : index
    %get3A_10 = vector.load %arg3[%get3A_7, %get3A_8, %get3A_9] : memref<2x1000x1xf32, #tpu.memory_space<vmem>>, vector<1x1000x1xf32>
    %get3A_11 = vector.shape_cast %get3A_10 : vector<1x1000x1xf32> to vector<1000x1xf32>
    %max3A = arith.constant 1.000000e+00 : f32
    %max3A_12 = vector.broadcast %max3A : f32 to vector<1000x1xf32>
    %max3A_13 = arith.maximumf %get3A_11, %max3A_12 : vector<1000x1xf32>
    %div3A = vector.broadcast %max3A_13 : vector<1000x1xf32> to vector<1000x128xf32>
    %div3A_14 = arith.divf %get3A_6, %div3A : vector<1000x128xf32>
    %get3A_15 = arith.constant 1 : index
    %get3A_16 = arith.constant 0 : index
    %get3A_17 = arith.constant 0 : index
    %get3A_18 = vector.load %arg2[%get3A_15, %get3A_16, %get3A_17] : memref<2x1000x128xf32, #tpu.memory_space<vmem>>, vector<1x1000x128xf32>
    %get3A_19 = vector.shape_cast %get3A_18 : vector<1x1000x128xf32> to vector<1000x128xf32>
    %get3A_20 = arith.constant 1 : index
    %get3A_21 = arith.constant 0 : index
    %get3A_22 = arith.constant 0 : index
    %get3A_23 = vector.load %arg3[%get3A_20, %get3A_21, %get3A_22] : memref<2x1000x1xf32, #tpu.memory_space<vmem>>, vector<1x1000x1xf32>
    %get3A_24 = vector.shape_cast %get3A_23 : vector<1x1000x1xf32> to vector<1000x1xf32>
    %max3A_25 = arith.constant 1.000000e+00 : f32
    %max3A_26 = vector.broadcast %max3A_25 : f32 to vector<1000x1xf32>
    %max3A_27 = arith.maximumf %get3A_24, %max3A_26 : vector<1000x1xf32>
    %div3A_28 = vector.broadcast %max3A_27 : vector<1000x1xf32> to vector<1000x128xf32>
    %div3A_29 = arith.divf %get3A_19, %div3A_28 : vector<1000x128xf32>
    %get3A_30 = arith.constant 0 : index
    %get3A_31 = arith.constant 0 : index
    %get3A_32 = arith.constant 0 : index
    %get3A_33 = vector.load %arg4[%get3A_30, %get3A_31, %get3A_32] : memref<3x128x128xf32, #tpu.memory_space<vmem>>, vector<1x128x128xf32>
    %get3A_34 = vector.shape_cast %get3A_33 : vector<1x128x128xf32> to vector<128x128xf32>
    %dot_general3A = arith.constant dense<0.000000e+00> : vector<1000x128xf32>
    %dot_general3A_35 = tpu.matmul %get3A_1, %get3A_34, %dot_general3A {dimension_numbers = #tpu.dot_dimension_numbers<[1], [0], [0], [1], [0, 0, 1, 1], [], []>, transpose_lhs_hint = false} : vector<1000x128xf32>, vector<128x128xf32>, vector<1000x128xf32> -> vector<1000x128xf32>
    %get3A_36 = arith.constant 1 : index
    %get3A_37 = arith.constant 0 : index
    %get3A_38 = arith.constant 0 : index
    %get3A_39 = vector.load %arg4[%get3A_36, %get3A_37, %get3A_38] : memref<3x128x128xf32, #tpu.memory_space<vmem>>, vector<1x128x128xf32>
    %get3A_40 = vector.shape_cast %get3A_39 : vector<1x128x128xf32> to vector<128x128xf32>
    %dot_general3A_41 = arith.constant dense<0.000000e+00> : vector<1000x128xf32>
    %dot_general3A_42 = tpu.matmul %div3A_14, %get3A_40, %dot_general3A_41 {dimension_numbers = #tpu.dot_dimension_numbers<[1], [0], [0], [1], [0, 0, 1, 1], [], []>, transpose_lhs_hint = false} : vector<1000x128xf32>, vector<128x128xf32>, vector<1000x128xf32> -> vector<1000x128xf32>
    %add3A = arith.addf %dot_general3A_35, %dot_general3A_42 : vector<1000x128xf32>
    %get3A_43 = arith.constant 2 : index
    %get3A_44 = arith.constant 0 : index
    %get3A_45 = arith.constant 0 : index
    %get3A_46 = vector.load %arg4[%get3A_43, %get3A_44, %get3A_45] : memref<3x128x128xf32, #tpu.memory_space<vmem>>, vector<1x128x128xf32>
    %get3A_47 = vector.shape_cast %get3A_46 : vector<1x128x128xf32> to vector<128x128xf32>
    %dot_general3A_48 = arith.constant dense<0.000000e+00> : vector<1000x128xf32>
    %dot_general3A_49 = tpu.matmul %div3A_29, %get3A_47, %dot_general3A_48 {dimension_numbers = #tpu.dot_dimension_numbers<[1], [0], [0], [1], [0, 0, 1, 1], [], []>, transpose_lhs_hint = false} : vector<1000x128xf32>, vector<128x128xf32>, vector<1000x128xf32> -> vector<1000x128xf32>
    %add3A_50 = arith.addf %add3A, %dot_general3A_49 : vector<1000x128xf32>
    %mul3A = arith.constant 5.000000e-01 : f32
    %mul3A_51 = vector.broadcast %mul3A : f32 to vector<1000x128xf32>
    %mul3A_52 = arith.mulf %mul3A_51, %add3A_50 : vector<1000x128xf32>
    %mul3A_53 = arith.constant 4.471500e-02 : f32
    %mul3A_54 = vector.broadcast %mul3A_53 : f32 to vector<1000x128xf32>
    %mul3A_55 = arith.mulf %mul3A_54, %add3A_50 : vector<1000x128xf32>
    %mul3A_56 = arith.mulf %mul3A_55, %add3A_50 : vector<1000x128xf32>
    %mul3A_57 = arith.mulf %mul3A_56, %add3A_50 : vector<1000x128xf32>
    %add3A_58 = arith.addf %add3A_50, %mul3A_57 : vector<1000x128xf32>
    %mul3A_59 = arith.constant 0.797884583 : f32
    %mul3A_60 = vector.broadcast %mul3A_59 : f32 to vector<1000x128xf32>
    %mul3A_61 = arith.mulf %mul3A_60, %add3A_58 : vector<1000x128xf32>
    %tanh3A = math.tanh %mul3A_61 : vector<1000x128xf32>
    %add3A_62 = arith.constant 1.000000e+00 : f32
    %add3A_63 = vector.broadcast %add3A_62 : f32 to vector<1000x128xf32>
    %add3A_64 = arith.addf %add3A_63, %tanh3A : vector<1000x128xf32>
    %mul3A_65 = arith.mulf %mul3A_52, %add3A_64 : vector<1000x128xf32>
    %add3A_66 = arith.addf %get3A_1, %mul3A_65 : vector<1000x128xf32>
    %reduce_sum3A = arith.constant dense<0.000000e+00> : vector<1000xf32>
    %reduce_sum3A_67 = vector.multi_reduction <add>, %add3A_66, %reduce_sum3A [1] : vector<1000x128xf32> to vector<1000xf32>
    %broadcast_in_dim3A = vector.shape_cast %reduce_sum3A_67 : vector<1000xf32> to vector<1000x1xf32>
    %div3A_68 = arith.constant 1.280000e+02 : f32
    %div3A_69 = vector.broadcast %div3A_68 : f32 to vector<1000x1xf32>
    %div3A_70 = arith.divf %broadcast_in_dim3A, %div3A_69 : vector<1000x1xf32>
    %sub3A = vector.broadcast %div3A_70 : vector<1000x1xf32> to vector<1000x128xf32>
    %sub3A_71 = arith.subf %add3A_66, %sub3A : vector<1000x128xf32>
    %integer_pow3A = arith.mulf %sub3A_71, %sub3A_71 : vector<1000x128xf32>
    %reduce_sum3A_72 = arith.constant dense<0.000000e+00> : vector<1000xf32>
    %reduce_sum3A_73 = vector.multi_reduction <add>, %integer_pow3A, %reduce_sum3A_72 [1] : vector<1000x128xf32> to vector<1000xf32>
    %broadcast_in_dim3A_74 = vector.shape_cast %reduce_sum3A_73 : vector<1000xf32> to vector<1000x1xf32>
    %div3A_75 = arith.constant 1.280000e+02 : f32
    %div3A_76 = vector.broadcast %div3A_75 : f32 to vector<1000x1xf32>
    %div3A_77 = arith.divf %broadcast_in_dim3A_74, %div3A_76 : vector<1000x1xf32>
    %sub3A_78 = vector.broadcast %div3A_70 : vector<1000x1xf32> to vector<1000x128xf32>
    %sub3A_79 = arith.subf %add3A_66, %sub3A_78 : vector<1000x128xf32>
    %add3A_80 = arith.constant 9.99999974E-6 : f32
    %add3A_81 = vector.broadcast %add3A_80 : f32 to vector<1000x1xf32>
    %add3A_82 = arith.addf %div3A_77, %add3A_81 : vector<1000x1xf32>
    %rsqrt3A = math.rsqrt %add3A_82 : vector<1000x1xf32>
    %mul3A_83 = vector.broadcast %rsqrt3A : vector<1000x1xf32> to vector<1000x128xf32>
    %mul3A_84 = arith.mulf %sub3A_79, %mul3A_83 : vector<1000x128xf32>
    %get3A_85 = arith.constant 0 : index
    %get3A_86 = arith.constant 0 : index
    %get3A_87 = vector.load %arg5[%get3A_85, %get3A_86] : memref<1x128xf32, #tpu.memory_space<vmem>>, vector<1x128xf32>
    %mul3A_88 = vector.broadcast %get3A_87 : vector<1x128xf32> to vector<1000x128xf32>
    %mul3A_89 = arith.mulf %mul3A_84, %mul3A_88 : vector<1000x128xf32>
    %get3A_90 = arith.constant 0 : index
    %get3A_91 = arith.constant 0 : index
    %get3A_92 = vector.load %arg6[%get3A_90, %get3A_91] : memref<1x128xf32, #tpu.memory_space<vmem>>, vector<1x128xf32>
    %add3A_93 = vector.broadcast %get3A_92 : vector<1x128xf32> to vector<1000x128xf32>
    %add3A_94 = arith.addf %mul3A_89, %add3A_93 : vector<1000x128xf32>
    %swap3A = arith.constant 0 : index
    %swap3A_95 = arith.constant 0 : index
    %swap3A_96 = vector.load %arg7[%swap3A, %swap3A_95] : memref<1000x128xf32, #tpu.memory_space<vmem>>, vector<1000x128xf32>
    tpu.vector_store %arg7[%swap3A, %swap3A_95], %add3A_94 {strides = array<i32>} : memref<1000x128xf32, #tpu.memory_space<vmem>>, vector<1000x128xf32>,
    return
  }
  func.func @transform_0(%arg0: i32) -> (i32, i32) {
    %c0_i32 = arith.constant 0 : i32
    %c0_i32_0 = arith.constant 0 : i32
    return %arg0, %c0_i32 : i32, i32
  }
  func.func @transform_1(%arg0: i32) -> (i32, i32, i32) {
    %c0_i32 = arith.constant 0 : i32
    %c0_i32_0 = arith.constant 0 : i32
    %c0_i32_1 = arith.constant 0 : i32
    return %c0_i32, %arg0, %c0_i32_0 : i32, i32, i32
  }
  func.func @transform_2(%arg0: i32) -> (i32, i32, i32) {
    %c0_i32 = arith.constant 0 : i32
    %c0_i32_0 = arith.constant 0 : i32
    %c0_i32_1 = arith.constant 0 : i32
    return %c0_i32, %arg0, %c0_i32_0 : i32, i32, i32
  }
  func.func @transform_3(%arg0: i32) -> (i32, i32, i32) {
    %c0_i32 = arith.constant 0 : i32
    %c0_i32_0 = arith.constant 0 : i32
    %c0_i32_1 = arith.constant 0 : i32
    %c0_i32_2 = arith.constant 0 : i32
    return %c0_i32, %c0_i32_0, %c0_i32_1 : i32, i32, i32
  }
  func.func @transform_4(%arg0: i32) -> (i32, i32) {
    %c0_i32 = arith.constant 0 : i32
    %c0_i32_0 = arith.constant 0 : i32
    %c0_i32_1 = arith.constant 0 : i32
    return %c0_i32, %c0_i32_0 : i32, i32
  }
  func.func @transform_5(%arg0: i32) -> (i32, i32) {
    %c0_i32 = arith.constant 0 : i32
    %c0_i32_0 = arith.constant 0 : i32
    %c0_i32_1 = arith.constant 0 : i32
    return %c0_i32, %c0_i32_0 : i32, i32
  }
  func.func @transform_6(%arg0: i32) -> (i32, i32) {
    %c0_i32 = arith.constant 0 : i32
    %c0_i32_0 = arith.constant 0 : i32
    return %arg0, %c0_i32 : i32, i32
  }
}

</mosaic_0001>

<sc_bundles>
// kernel: gather_offload_async_start.1
scs
__scs_entry_jumppad:
0x0: {  	(pc) =	sbr.rel $0x88, $3  }
0x1: {  	(tag) =	ssettag $0x0;
	lr =	simm.s32 $0x1  }
0x2: {  	[smem:$0x3F8F] =	sst lr;
	_ =	strace $0xD0000000  }
0x3: {  	_ = 	snop  }
0x4: {  	_ = 	snop  }
0x5: {  	_ = 	snop  }
0x6: {  	_ = 	snop  }
0x7: {  	_ = 	snop  }
__scs_overlays_trampoline_lowered:
0x8: {  	[smem:$0x3F9E] =	sst s0  }
0x9: {  	[smem:$0x3F9F] =	sst s1  }
0xa: {  	[smem:$0x3FA0] =	sst s2  }
0xb: {  	[smem:$0x3FA1] =	sst s3  }
0xc: {  	[smem:$0x3FA2] =	sst s4  }
0xd: {  	[smem:$0x3FA3] =	sst s5  }
0xe: {  	[smem:$0x3FA4] =	sst s6  }
0xf: {  	[smem:$0x3FA5] =	sst s7  }
0x10: {  	[smem:$0x3FA6] =	sst s8  }
0x11: {  	[smem:$0x3FA7] =	sst s9;
	s0 =	simm.s32 @!p0 $0x0  }
0x12: {  	s1 =	sld [smem:$0x3F8D];
	s0 =	simm.s32 @p0 $0x1  }
0x13: {  	[smem:$0x3FA8] =	sst s0;
	s0 =	simm.s32 @!p1 $0x0  }
0x14: {  	s2 =	sld [smem:$0x3F8C];
	s0 =	simm.s32 @p1 $0x1  }
0x15: {  	[smem:$0x3FA9] =	sst s0;
	s0 =	simm.s32 @!p2 $0x0  }
0x16: {  	s3 =	sld [smem:$0x3FDB];
	s0 =	simm.s32 @p2 $0x1  }
0x17: {  	s4 =	simm.s32 $0x1BF5;
	[smem:$0x3FAB] =	sst s0  }
0x18: {  	s0 =	sld [smem:$0x3F8E];
	_ =	swait.ge [sflag:s4], $0x0  }
0x19: {  	s7 =	sld [smem:$0x3F8F]  }
0x1a: {  	s8 =	sadd.s32 $0xFFFFE003, lr  }
0x1b: {  	s9 =	sadd.s32 $0xFFFFFEF7, lr;
	s5 =	simm.s32 $0xFFFFFFFF;
	p2 =	slt.u32 s8, $0xFFFFF086  }
0x1c: {  	p1 =	slt.u32 s9, $0xF7A;
	s5 =	simm.s32 @!p2 $0x0  }
0x1d: {  	s5 =	simm.s32 @p1 $0x1;
	p0 =	seq.s32 s7, s2  }
0x1e: {  	s7 =	smul.u32 @!p0 $0xF7A, s2;
	p2 =	seq.s32 @!p0 s5, $0x0  }
0x1f: {  	s9 =	smul.u32 $0xF7A, s1;
	s8 =	simm.s32 @!p0 $0x1BF5;
	p2 =	por !p2, p0  }
0x20: {  	[sflag:s8] =	ssyncset.s32 @!p0 $0xFFFFF086;
	s6 =	sadd.s32 @!p0 s3, s7;
	s7 =	simm.s32 @!p0 $0x108  }
0x21: {  	s3 =	sadd.s32 s3, s9;
	s6 =	sadd.s32 @!p0 $0x88, s6;
	s7 =	simm.s32 @p2 $0x1082  }
0x22: {  	[simem:s7], [sflag:s8] =	dma.local @!p0 [hbm:s6], $0xF7A  }
0x23: {  	s9 =	sor.u32 $0xD0000000, s2;
	s6 =	simm.s32 $0x108;
	_ =	swait.ge @!p0 [sflag:s8], $0x0  }
0x24: {  	s3 =	sadd.s32 $0x88, s3;
	s6 =	simm.s32 @!p1 $0x1082;
	[sflag:s4] =	ssyncset.s32 $0xFFFFF086  }
0x25: {  	[simem:s6], [sflag:s4] =	dma.local [hbm:s3], $0xF7A  }
0x26: {  	[smem:$0x3F8F] =	sst s1;
	(tag) =	ssettag s2;
	_ =	strace s9  }
0x27: {  	s1 =	sld [smem:$0x3F9F]  }
0x28: {  	s2 =	sld [smem:$0x3FA0]  }
0x29: {  	s4 =	sld [smem:$0x3FA2]  }
0x2a: {  	p0 =	seq.s32 s5, $0x0;
	s5 =	sld [smem:$0x3FA3]  }
0x2b: {  	s6 =	sld [smem:$0x3FA4]  }
0x2c: {  	s7 =	sld [smem:$0x3FA5]  }
0x2d: {  	s3 =	simm.s32 $0x108;
	s8 =	sld [smem:$0x3FA6]  }
0x2e: {  	s3 =	simm.s32 @!p0 $0x1082;
	s9 =	sld [smem:$0x3FA7]  }
0x2f: {  	lr =	sadd.s32 s0, s3;
	s0 =	sld [smem:$0x3F9E]  }
0x30: {  	s3 =	sld [smem:$0x3FA1]  }
0x31: {  	[smem:$0x3FAA] =	sst s10  }
0x32: {  	s10 =	sld [smem:$0x3FA8];
	_ =	sdelay $0x3  }
0x33: {  	p0 =	seq.s32 s10, $0x1;
	s10 =	sld [smem:$0x3FAA];
	_ =	sdelay $0x3  }
0x34: {  	[smem:$0x3FAA] =	sst s10  }
0x35: {  	s10 =	sld [smem:$0x3FA9];
	_ =	sdelay $0x3  }
0x36: {  	p1 =	seq.s32 s10, $0x1;
	s10 =	sld [smem:$0x3FAA];
	_ =	sdelay $0x3  }
0x37: {  	[smem:$0x3FAA] =	sst s10  }
0x38: {  	s10 =	sld [smem:$0x3FAB]  }
0x39: {  	_ = 	snop;
	(pc) =	sbr.ind lr, $3  }
0x3a: {  	_ = 	snop  }
0x3b: {  	_ = 	snop  }
0x3c: {  	p2 =	seq.s32 s10, $0x1;
	s10 =	sld [smem:$0x3FAA]  }
0x3d: {  	_ =	shalt  }
0x3e: {  	_ =	shalt  }
0x3f: {  	_ =	shalt  }
0x40: {  	_ =	shalt  }
0x41: {  	_ =	shalt  }
0x42: {  	_ =	shalt  }
0x43: {  	_ =	shalt  }
0x44: {  	_ =	shalt  }
0x45: {  	_ =	shalt  }
0x46: {  	_ =	shalt  }
0x47: {  	_ =	shalt  }
0x48: {  	_ =	shalt  }
0x49: {  	_ =	shalt  }
0x4a: {  	_ =	shalt  }
0x4b: {  	_ =	shalt  }
0x4c: {  	_ =	shalt  }
0x4d: {  	_ =	shalt  }
0x4e: {  	_ =	shalt  }
0x4f: {  	_ =	shalt  }
0x50: {  	_ =	shalt  }
0x51: {  	_ =	shalt  }
0x52: {  	_ =	shalt  }
0x53: {  	_ =	shalt  }
0x54: {  	_ =	shalt  }
0x55: {  	_ =	shalt  }
0x56: {  	_ =	shalt  }
0x57: {  	_ =	shalt  }
0x58: {  	_ =	shalt  }
0x59: {  	_ =	shalt  }
0x5a: {  	_ =	shalt  }
0x5b: {  	_ =	shalt  }
0x5c: {  	_ =	shalt  }
0x5d: {  	_ =	shalt  }
0x5e: {  	_ =	shalt  }
0x5f: {  	_ =	shalt  }
0x60: {  	_ =	shalt  }
0x61: {  	_ =	shalt  }
0x62: {  	_ =	shalt  }
0x63: {  	_ =	shalt  }
0x64: {  	_ =	shalt  }
0x65: {  	_ =	shalt  }
0x66: {  	_ =	shalt  }
0x67: {  	_ =	shalt  }
0x68: {  	_ =	shalt  }
0x69: {  	_ =	shalt  }
0x6a: {  	_ =	shalt  }
0x6b: {  	_ =	shalt  }
0x6c: {  	_ =	shalt  }
0x6d: {  	_ =	shalt  }
0x6e: {  	_ =	shalt  }
0x6f: {  	_ =	shalt  }
0x70: {  	_ =	shalt  }
0x71: {  	_ =	shalt  }
0x72: {  	_ =	shalt  }
0x73: {  	_ =	shalt  }
0x74: {  	_ =	shalt  }
0x75: {  	_ =	shalt  }
0x76: {  	_ =	shalt  }
0x77: {  	_ =	shalt  }
0x78: {  	_ =	shalt  }
0x79: {  	_ =	shalt  }
0x7a: {  	_ =	shalt  }
0x7b: {  	_ =	shalt  }
0x7c: {  	_ =	shalt  }
0x7d: {  	_ =	shalt  }
0x7e: {  	_ =	shalt  }
0x7f: {  	_ =	shalt  }
0x80: {  	_ =	shalt  }
0x81: {  	_ =	shalt  }
0x82: {  	_ =	shalt  }
0x83: {  	_ =	shalt  }
0x84: {  	_ =	shalt  }
0x85: {  	_ =	shalt  }
0x86: {  	_ =	shalt  }
0x87: {  	_ =	shalt  }
.Lfunc_end0:
.L_simem_size_0:
called_computation.1_lowered:
.L_overlay_start_0:
0x88: {  	s2 =	sld [smem:$0x3FD9]  }
0x89: {  	s3 =	sld [smem:$0x3FFE];
	_ =	sdelay $0x1  }
0x8a: {  	s1 =	srdreg.scid  }
0x8b: {  	s0 =	sand.u32 $0x1, s1  }
0x8c: {  	s17 =	sshll.u32 s0, $0xA;
	s2 =	sadd.s32 s3, s2  }
0x8d: {  	s2 =	sadd.s32 s2, s17  }
0x8e: {  	[smem:$0x3FB6] =	sst s2  }
0x8f: {  	_ = 	snop  }
0x90: {  	s2 =	sld [smem:$0x3FD0];
	(tm) =	ssettm $0x1  }
0x91: {  	s18 =	sld [smem:$0x3FFB];
	_ =	sdelay $0x3  }
0x92: {  	_ =	strace s18  }
0x93: {  	s3 =	sld [smem:$0x3FFC];
	_ =	sdelay $0x3  }
0x94: {  	_ =	strace s3  }
0x95: {  	s3 =	sld [smem:$0x3FFD];
	_ =	sdelay $0x3  }
0x96: {  	_ =	strace s3  }
0x97: {  	_ =	strace $0x8FFFFFFF  }
0x98: {  	s19 =	sld [smem:$0x3FDB];
	_ =	sdelay $0x1  }
0x99: {  	s4 =	simm.s32 $_scs_section_size  }
0x9a: {  	s5 =	simm.s32 $_size__tile_overlayer_lowered;
	s6 =	simm.s32 $_tile_overlayer_lowered  }
0x9b: {  	s22 =	simm.s32 $0x1BFF;
	s21 =	sshll.u32 s6, $0x1;
	s3 =	sadd.s32 s4, s19  }
0x9c: {  	s7 =	simm.s32 $0x0;
	s20 =	sshll.u32 s5, $0x1;
	s5 =	sadd.s32 s21, s3  }
0x9d: {  	[timem:s7], [sflag:s22] =	dma.local [hbm:s5], s20  }
0x9e: {  	_ =	swait.ge [sflag:s22], s20  }
0x9f: {  	s4 =	ssub.s32 $0x0, s20;
	[sflag:s22] =	ssyncset.done $0x0  }
0xa0: {  	[sflag:s22] =	ssyncadd.s32 s4;
	_ =	sdelay $0x1  }
0xa1: {  	s23 =	simm.s32 $0x1B8B  }
0xa2: {  	_ =	swait.ge [sflag:s23], $0x1  }
0xa3: {  	[sflag:s23] =	ssyncset.done $0x0  }
0xa4: {  	s25 =	simm.s32 $0x1B8E;
	s24 =	sld [smem:$0x3FFE];
	[sflag:s23] =	ssyncadd.s32 $0xFFFFFFFF  }
0xa5: {  	s26 =	simm.s32 $execute0_lowered;
	[smem:$0x3FD2] =	sst s25  }
0xa6: {  	s5 =	sshll.u32 s26, $0x1;
	_ =	strace $0x80000046;
	[dreg:$0x1] =	wrdreg $0xFFFFFFFF  }
0xa7: {  	s28 =	simm.s32 $_size_execute0_lowered;
	s3 =	sadd.s32 s3, s5;
	[dreg:$0x0] =	wrdreg $0x0  }
0xa8: {  	s5 =	sshll.u32 s28, $0x1;
	[dreg:$0x2] =	wrdreg s3  }
0xa9: {  	[dreg:$0x3] =	wrdreg s5  }
0xaa: {  	[dreg:$0x4] =	wrdreg $0xC0  }
0xab: {  	_ =	task [dreg:s7], $0x5FFFF  }
0xac: {  	[dreg:$0x1] =	wrdreg $0xFFFFFFFF  }
0xad: {  	[dreg:$0x0] =	wrdreg $0x60  }
0xae: {  	[dreg:$0x2] =	wrdreg s2  }
0xaf: {  	[dreg:$0x3] =	wrdreg s24  }
0xb0: {  	[dreg:$0x4] =	wrdreg $0x9  }
0xb1: {  	_ =	task.clear_ibuf [dreg:s7], $0x5FFFF;
	_ =	strace $0x90000046  }
0xb2: {  	s29 =	simm.s32 $0x9;
	_ =	strace $0x80000048  }
0xb3: {  	_ =	swait.ge [sflag:s29], $0x1  }
0xb4: {  	[sflag:s29] =	ssyncadd.s32 $0xFFFFFFFF  }
0xb5: {  	_ =	strace $0x90000048  }
0xb6: {  	_ =	sfence  }
0xb7: {  	s30 =	sld [smem:$0x0];
	_ =	sdelay $0x2  }
0xb8: {  	s31 =	sshll.u32 s1, $0xD;
	s1 =	sshrl.u32 s1, $0x2  }
0xb9: {  	s3 =	sand.u32 $0x4000, s31;
	s1 =	sadd.s32 s1, s30  }
0xba: {  	s0 =	sor.u32 s3, s0;
	s1 =	sshll.u32 s1, $0x11  }
0xbb: {  	s0 =	sor.u32 s1, s0  }
0xbc: {  	s0 =	sadd.s32 $0x8F2B, s0  }
0xbd: {  	[sflag:s0] =	ssyncadd.remote.s32 $0x1  }
0xbe: {  	_ =	sfence.sel $0xFFFF  }
0xbf: {  	[dreg:$0x0] =	wrdreg $0xFFFFFFFF;
	(pc) =	sbr.abs _section_cstart, $3  }
0xc0: {  	[dreg:$0x1] =	wrdreg $0xFFFFFFFF  }
0xc1: {  	_ =	task.clear_ibuf [dreg:s7], $0x2FFFF;
	_ =	strace $0x9FFFFFFF  }
0xc2: {  	(tm) =	ssettm $0x7FFFFFFF  }
0xc3: {  	_ =	shalt  }
tec
execute0_lowered:
.L_overlay_start_1:
0x0: {  	(tag) =	ssettag $0x1  }
0x1: {  	s2 =	rddreg [dreg:$0x0]  }
0x2: {  	s8 =	rddreg [dreg:$0x1]  }
0x3: {  	s0 =	rddreg [dreg:$0x2];
	s1 =	stileid.u32  }
0x4: {  	s3 =	srdreg.scid;
	_ =	strace $0x80000047;
	s4 =	simm.s32 $0x1  }
0x5: {  	s7 =	simm.s32 $0x1;
	s9 =	simm.s32 $0x1;
	s10 =	simm.s32 $0x3  }
0x6: {  	s13 =	simm.s32 $0x0;
	s5 =	sand.u32 $0x1, s3;
	s6 =	sshll.u32 s1, $0x1  }
0x7: {  	s12 =	simm.s32 $0x0;
	s3 =	sadd.s32 $0x1F600, s8;
	s5 =	sor.u32 s6, s5  }
.Ltmp0:
0x8: {  	[sflag:s4] =	ssyncpa.u1 $0x0;
	p0 =	slt.u32 s5, $0x9;
	(pc) =	sbr.rel .LBB2_1-.Ltmp0, $4  }
0x9: {  	s6 =	simm.s32 $0x2;
	s7 =	simm.s32 @!p0 $0x0;
	p0 =	sne.s32 s5, $0x8  }
0xa: {  	[sflag:s6] =	ssyncpa.u1 $0x0;
	s5 =	smul.u32 $0x1F40, s5;
	s9 =	simm.s32 @!p0 $0x0  }
0xb: {  	s8 =	sadd.s32 $0x3D000, s8;
	[sflag:s10] =	ssyncpa.u1 $0x0;
	s7 =	sadd.s32 s9, s7  }
0xc: {  	vm0 =	vmmov $0xffff;
	s10 =	simm.s32 $0x0;
	s11 =	smov.u32 s5;
	s9 =	sadd.s32 $0x1, s7  }
.LBB2_4:
0xd: {  	v2 =	vnsel vm1, $0x0, v2  }
0xe: {  	vm1 =	vgt.s32 v0, $0x0;
	v2 =	vmin.u32 v2, $0x4E1FF  }
0xf: {  	v0 =	vnsel vm1, $0x0, v0  }
0x10: {  	v0 =	vmin.u32 v0, $0x4E1FF  }
0x11: {  	[tilespmem:s18], [sflag:$0x1] =	stream.indirect_vreg.gather [hbm4b:s2+s10], $0x1, v1, vm0, $0x4038;
	[tilespmem:$0x7D00] =	vst v63  }
0x12: {  	(ifvalue) =	ssetifvalue $0x7FFFFFFF  }
0x13: {  	[tilespmem:s15], [sflag:$0x1] =	stream.indirect_vreg.gather [hbm4b:s2+s10], $0x1, v2, vm0, $0x4038;
	[tilespmem:$0x7D00] =	vst v63  }
0x14: {  	s29 =	sadd.s32 $0x10, s15;
	(ifvalue) =	ssetifvalue $0x7FFFFFFF  }
0x15: {  	[tilespmem:s29], [sflag:$0x1] =	stream.indirect_vreg.gather [hbm4b:s2+s10], $0x1, v0, vm0, $0x4038;
	[tilespmem:$0x7D00] =	vst v63  }
0x16: {  	_ =	swait.ge [sflag:s4], $0x1F40  }
0x17: {  	s30 =	sshrl.u32 s13, $0x3;
	[sflag:s4] =	ssyncset.done $0x0  }
0x18: {  	s31 =	sand.u32 $0x7, s13;
	s15 =	sadd.s32 s8, s30;
	[sflag:s4] =	ssyncadd.s32 $0xFFFFE0C0  }
0x19: {  	[hbm4b:s15+s31] =	stream.linear.scatter [tilespmem:s14], [sflag:$0x3], $0x1F40, $0x38;
	[tilespmem:$0x7D00] =	vst v63  }
.LBB2_5:
0x1a: {  	s15 =	sadd.s32 $0x3E800, s11  }
0x1b: {  	p1 =	sgt.s32 s15, $0x4E1FF  }
0x1c: {  	s15 =	smov.u32 @p1 s5;
	p1 =	sne.s32 s12, s9  }
.Ltmp1:
0x1d: {  	p0 =	slt.u32 s12, $0x2;
	(pc) =	sbr.rel @!p1 .LBB2_6-.Ltmp1, $4  }
0x1e: {  	s14 =	simm.s32 @!p0 $0x3  }
0x1f: {  	_ =	swait.ge @!p0 [sflag:s14], $0x1F40  }
0x20: {  	s16 =	sadd.s32 $0x1, s12;
	s13 =	smov.u32 s11;
	[sflag:s14] =	ssyncset.done @!p0 $0x0  }
0x21: {  	s12 =	smov.u32 s16;
	s11 =	smov.u32 s15;
	[sflag:s14] =	ssyncadd.s32 @!p0 $0xFFFFE0C0  }
.LBB2_1:
0x22: {  	p0 =	sge.u32 s12, s7  }
0x23: {  	s14 =	sxor.u32 @!p0 $0x1, s12  }
0x24: {  	s14 =	smul.u32 @!p0 $0x7D00, s14  }
0x25: {  	s31 =	sadd.s32 $0xFFFFFFFF, s12;
	s15 =	sshrl.u32 @!p0 s11, $0x3  }
0x26: {  	s16 =	sand.u32 @!p0 $0x7, s11;
	s15 =	sadd.s32 @!p0 s3, s15;
	s14 =	sshra.s32 @!p0 s14, $0x2  }
0x27: {  	[tilespmem:s14], [sflag:$0x2] =	stream.linear.gather @!p0 [hbm4b:s15+s16], $0x1F40, $0x38;
	[tilespmem:$0x7D00] =	vst v63  }
0x28: {  	p0 =	sge.u32 s31, s7  }
.Ltmp2:
0x29: {  	_ = 	snop;
	(pc) =	sbr.rel @p0 .LBB2_5-.Ltmp2, $1  }
0x2a: {  	_ =	sdelay $0x3  }
0x2b: {  	s14 =	sand.u32 $0x1, s12  }
0x2c: {  	_ =	swait.ge [sflag:s6], $0x1F40;
	p0 =	seq.s32 s14, $0x1;
	s14 =	simm.s32 $0x1F40  }
0x2d: {  	[sflag:s6] =	ssyncset.done $0x0;
	s14 =	simm.s32 @!p0 $0x0  }
0x2e: {  	[sflag:s6] =	ssyncadd.s32 $0xFFFFE0C0;
	(ifvalue) =	ssetifvalue $0x7FFFFFFF;
	v0 =	vld.msk [tilespmem:s14+$0x0 ss:$0x1], $0xffff;
	_ =	sdelay $0x4  }
0x2f: {  	s15 =	sadd.s32 $0x10, s14;
	vm1 =	vgt.s32 v0, $0x0  }
0x30: {  	v2 =	vld.msk [tilespmem:s15+$0x0 ss:$0x1], $0xffff;
	v1 =	vnsel vm1, $0x0, v0  }
0x31: {  	v1 =	vmin.u32 v1, $0x4E1FF;
	_ =	sdelay $0x2  }
0x32: {  	s17 =	simm.s32 $0x20;
	s14 =	sadd.s32 $0x3E80, s14;
	s16 =	sadd.s32 $0x10, s15  }
0x33: {  	s15 =	sadd.s32 $0x10, s14;
	s18 =	smov.u32 s14;
	v0 =	vld.msk [tilespmem:s16+$0x0 ss:$0x1], $0xffff;
	vm1 =	vgt.s32 v2, $0x0;
	(ifvalue) =	ssetifvalue $0x7FFFFFFF  }
.LBB2_3:
0x34: {  	[tilespmem:s18], [sflag:$0x1] =	stream.indirect_vreg.gather [hbm4b:s2+s10], $0x1, v1, vm0, $0x4038;
	[tilespmem:$0x7D00] =	vst v63  }
0x35: {  	s17 =	sadd.s32 $0x10, s17  }
0x36: {  	v2 =	vnsel vm1, $0x0, v2;
	p0 =	slt.u32 s17, $0x1F30  }
.Ltmp3:
0x37: {  	s18 =	smov.u32 s15;
	v1 =	vmin.u32 v2, $0x4E1FF;
	(pc) =	sbr.rel @p0 .LBB2_3-.Ltmp3, $3  }
0x38: {  	_ =	sdelay $0x1  }
0x39: {  	s16 =	sadd.s32 $0x10, s16  }
0x3a: {  	vm1 =	vgt.s32 v0, $0x0;
	s15 =	sadd.s32 $0x10, s15;
	v2 =	vmov v0;
	(ifvalue) =	ssetifvalue $0x7FFFFFFF;
	v0 =	vld.msk [tilespmem:s16+$0x0 ss:$0x1], $0xffff  }
.Ltmp4:
0x3b: {  	_ = 	snop;
	(pc) =	sbr.rel .LBB2_4-.Ltmp4, $1  }
0x3c: {  	_ =	sdelay $0x3  }
.LBB2_6:
0x3d: {  	_ =	sfence.sel $0x180000  }
0x3e: {  	s2 =	simm.s32 $0x2;
	[bflag:$0x0] =	sbarrier.arrive $0xFFFF  }
0x3f: {  	s30 =	simm.s32 $0x3;
	[sflag:s2] =	ssyncpa.u1 $0x1  }
0x40: {  	s31 =	simm.s32 $0x1;
	[sflag:s30] =	ssyncpa.u1 $0x1  }
0x41: {  	[sflag:s31] =	ssyncpa.u1 $0x1  }
0x42: {  	p0 =	sne.s32 s1, $0x0;
	_ =	strace $0x90000047  }
0x43: {  	s0 =	sadd.s32 @!p0 $0x100000, s0;
	[bflag:$0x2] =	sbarrier.arrive $0xFFFF  }
0x44: {  	[sflag:s0] =	ssyncadd.tile.s32 @!p0 $0x1;
	_ =	shalt  }
.Lfunc_end2:
_tile_overlayer_lowered:
.L_overlay_start_2:
0x45: {  	(tag) =	ssettag $0x2  }
0x46: {  	s0 =	rddreg [dreg:$0x0];
	s2 =	stileid.u32  }
0x47: {  	s1 =	rddreg [dreg:$0x1];
	p0 =	sne.s32 s2, $0x0  }
0x48: {  	s3 =	rddreg [dreg:$0x2];
	[bflag:$0x3] =	sbarrier.arrive $0xFFFF;
	s2 =	simm.s32 @!p0 $0x1C01  }
0x49: {  	[timem:s3], [sflag:s2] =	dma.local @!p0 [hbm:s0], s1  }
0x4a: {  	s0 =	simm.s32 @!p0 $0x1  }
0x4b: {  	_ =	swait.ge @!p0 [sflag:s0], s1  }
0x4c: {  	s1 =	ssub.s32 @!p0 $0x0, s1;
	[sflag:s0] =	ssyncset.done @!p0 $0x0  }
0x4d: {  	[sflag:s0] =	ssyncadd.s32 @!p0 s1  }
0x4e: {  	[bflag:$0x3] =	sbarrier.arrive $0xFFFF  }
0x4f: {  	_ =	shalt  }

// kernel: gather_offload_async_start.2
scs
__scs_entry_jumppad:
0x0: {  	(pc) =	sbr.rel $0x88, $3  }
0x1: {  	(tag) =	ssettag $0x0;
	lr =	simm.s32 $0x1  }
0x2: {  	[smem:$0x3F8F] =	sst lr;
	_ =	strace $0xD0000000  }
0x3: {  	_ = 	snop  }
0x4: {  	_ = 	snop  }
0x5: {  	_ = 	snop  }
0x6: {  	_ = 	snop  }
0x7: {  	_ = 	snop  }
__scs_overlays_trampoline_lowered:
0x8: {  	[smem:$0x3F9E] =	sst s0  }
0x9: {  	[smem:$0x3F9F] =	sst s1  }
0xa: {  	[smem:$0x3FA0] =	sst s2  }
0xb: {  	[smem:$0x3FA1] =	sst s3  }
0xc: {  	[smem:$0x3FA2] =	sst s4  }
0xd: {  	[smem:$0x3FA3] =	sst s5  }
0xe: {  	[smem:$0x3FA4] =	sst s6  }
0xf: {  	[smem:$0x3FA5] =	sst s7  }
0x10: {  	[smem:$0x3FA6] =	sst s8  }
0x11: {  	[smem:$0x3FA7] =	sst s9;
	s0 =	simm.s32 @!p0 $0x0  }
0x12: {  	s1 =	sld [smem:$0x3F8D];
	s0 =	simm.s32 @p0 $0x1  }
0x13: {  	[smem:$0x3FA8] =	sst s0;
	s0 =	simm.s32 @!p1 $0x0  }
0x14: {  	s2 =	sld [smem:$0x3F8C];
	s0 =	simm.s32 @p1 $0x1  }
0x15: {  	[smem:$0x3FA9] =	sst s0;
	s0 =	simm.s32 @!p2 $0x0  }
0x16: {  	s3 =	sld [smem:$0x3FDB];
	s0 =	simm.s32 @p2 $0x1  }
0x17: {  	s4 =	simm.s32 $0x1BF5;
	[smem:$0x3FAB] =	sst s0  }
0x18: {  	s0 =	sld [smem:$0x3F8E];
	_ =	swait.ge [sflag:s4], $0x0  }
0x19: {  	s7 =	sld [smem:$0x3F8F]  }
0x1a: {  	s8 =	sadd.s32 $0xFFFFE003, lr  }
0x1b: {  	s9 =	sadd.s32 $0xFFFFFEF7, lr;
	s5 =	simm.s32 $0xFFFFFFFF;
	p2 =	slt.u32 s8, $0xFFFFF086  }
0x1c: {  	p1 =	slt.u32 s9, $0xF7A;
	s5 =	simm.s32 @!p2 $0x0  }
0x1d: {  	s5 =	simm.s32 @p1 $0x1;
	p0 =	seq.s32 s7, s2  }
0x1e: {  	s7 =	smul.u32 @!p0 $0xF7A, s2;
	p2 =	seq.s32 @!p0 s5, $0x0  }
0x1f: {  	s9 =	smul.u32 $0xF7A, s1;
	s8 =	simm.s32 @!p0 $0x1BF5;
	p2 =	por !p2, p0  }
0x20: {  	[sflag:s8] =	ssyncset.s32 @!p0 $0xFFFFF086;
	s6 =	sadd.s32 @!p0 s3, s7;
	s7 =	simm.s32 @!p0 $0x108  }
0x21: {  	s3 =	sadd.s32 s3, s9;
	s6 =	sadd.s32 @!p0 $0x88, s6;
	s7 =	simm.s32 @p2 $0x1082  }
0x22: {  	[simem:s7], [sflag:s8] =	dma.local @!p0 [hbm:s6], $0xF7A  }
0x23: {  	s9 =	sor.u32 $0xD0000000, s2;
	s6 =	simm.s32 $0x108;
	_ =	swait.ge @!p0 [sflag:s8], $0x0  }
0x24: {  	s3 =	sadd.s32 $0x88, s3;
	s6 =	simm.s32 @!p1 $0x1082;
	[sflag:s4] =	ssyncset.s32 $0xFFFFF086  }
0x25: {  	[simem:s6], [sflag:s4] =	dma.local [hbm:s3], $0xF7A  }
0x26: {  	[smem:$0x3F8F] =	sst s1;
	(tag) =	ssettag s2;
	_ =	strace s9  }
0x27: {  	s1 =	sld [smem:$0x3F9F]  }
0x28: {  	s2 =	sld [smem:$0x3FA0]  }
0x29: {  	s4 =	sld [smem:$0x3FA2]  }
0x2a: {  	p0 =	seq.s32 s5, $0x0;
	s5 =	sld [smem:$0x3FA3]  }
0x2b: {  	s6 =	sld [smem:$0x3FA4]  }
0x2c: {  	s7 =	sld [smem:$0x3FA5]  }
0x2d: {  	s3 =	simm.s32 $0x108;
	s8 =	sld [smem:$0x3FA6]  }
0x2e: {  	s3 =	simm.s32 @!p0 $0x1082;
	s9 =	sld [smem:$0x3FA7]  }
0x2f: {  	lr =	sadd.s32 s0, s3;
	s0 =	sld [smem:$0x3F9E]  }
0x30: {  	s3 =	sld [smem:$0x3FA1]  }
0x31: {  	[smem:$0x3FAA] =	sst s10  }
0x32: {  	s10 =	sld [smem:$0x3FA8];
	_ =	sdelay $0x3  }
0x33: {  	p0 =	seq.s32 s10, $0x1;
	s10 =	sld [smem:$0x3FAA];
	_ =	sdelay $0x3  }
0x34: {  	[smem:$0x3FAA] =	sst s10  }
0x35: {  	s10 =	sld [smem:$0x3FA9];
	_ =	sdelay $0x3  }
0x36: {  	p1 =	seq.s32 s10, $0x1;
	s10 =	sld [smem:$0x3FAA];
	_ =	sdelay $0x3  }
0x37: {  	[smem:$0x3FAA] =	sst s10  }
0x38: {  	s10 =	sld [smem:$0x3FAB]  }
0x39: {  	_ = 	snop;
	(pc) =	sbr.ind lr, $3  }
0x3a: {  	_ = 	snop  }
0x3b: {  	_ = 	snop  }
0x3c: {  	p2 =	seq.s32 s10, $0x1;
	s10 =	sld [smem:$0x3FAA]  }
0x3d: {  	_ =	shalt  }
0x3e: {  	_ =	shalt  }
0x3f: {  	_ =	shalt  }
0x40: {  	_ =	shalt  }
0x41: {  	_ =	shalt  }
0x42: {  	_ =	shalt  }
0x43: {  	_ =	shalt  }
0x44: {  	_ =	shalt  }
0x45: {  	_ =	shalt  }
0x46: {  	_ =	shalt  }
0x47: {  	_ =	shalt  }
0x48: {  	_ =	shalt  }
0x49: {  	_ =	shalt  }
0x4a: {  	_ =	shalt  }
0x4b: {  	_ =	shalt  }
0x4c: {  	_ =	shalt  }
0x4d: {  	_ =	shalt  }
0x4e: {  	_ =	shalt  }
0x4f: {  	_ =	shalt  }
0x50: {  	_ =	shalt  }
0x51: {  	_ =	shalt  }
0x52: {  	_ =	shalt  }
0x53: {  	_ =	shalt  }
0x54: {  	_ =	shalt  }
0x55: {  	_ =	shalt  }
0x56: {  	_ =	shalt  }
0x57: {  	_ =	shalt  }
0x58: {  	_ =	shalt  }
0x59: {  	_ =	shalt  }
0x5a: {  	_ =	shalt  }
0x5b: {  	_ =	shalt  }
0x5c: {  	_ =	shalt  }
0x5d: {  	_ =	shalt  }
0x5e: {  	_ =	shalt  }
0x5f: {  	_ =	shalt  }
0x60: {  	_ =	shalt  }
0x61: {  	_ =	shalt  }
0x62: {  	_ =	shalt  }
0x63: {  	_ =	shalt  }
0x64: {  	_ =	shalt  }
0x65: {  	_ =	shalt  }
0x66: {  	_ =	shalt  }
0x67: {  	_ =	shalt  }
0x68: {  	_ =	shalt  }
0x69: {  	_ =	shalt  }
0x6a: {  	_ =	shalt  }
0x6b: {  	_ =	shalt  }
0x6c: {  	_ =	shalt  }
0x6d: {  	_ =	shalt  }
0x6e: {  	_ =	shalt  }
0x6f: {  	_ =	shalt  }
0x70: {  	_ =	shalt  }
0x71: {  	_ =	shalt  }
0x72: {  	_ =	shalt  }
0x73: {  	_ =	shalt  }
0x74: {  	_ =	shalt  }
0x75: {  	_ =	shalt  }
0x76: {  	_ =	shalt  }
0x77: {  	_ =	shalt  }
0x78: {  	_ =	shalt  }
0x79: {  	_ =	shalt  }
0x7a: {  	_ =	shalt  }
0x7b: {  	_ =	shalt  }
0x7c: {  	_ =	shalt  }
0x7d: {  	_ =	shalt  }
0x7e: {  	_ =	shalt  }
0x7f: {  	_ =	shalt  }
0x80: {  	_ =	shalt  }
0x81: {  	_ =	shalt  }
0x82: {  	_ =	shalt  }
0x83: {  	_ =	shalt  }
0x84: {  	_ =	shalt  }
0x85: {  	_ =	shalt  }
0x86: {  	_ =	shalt  }
0x87: {  	_ =	shalt  }
.Lfunc_end0:
.L_simem_size_0:
called_computation.2_lowered:
.L_overlay_start_0:
0x88: {  	s2 =	sld [smem:$0x3FD9]  }
0x89: {  	s3 =	sld [smem:$0x3FFE];
	_ =	sdelay $0x1  }
0x8a: {  	s1 =	srdreg.scid  }
0x8b: {  	s0 =	sand.u32 $0x1, s1  }
0x8c: {  	s17 =	sshll.u32 s0, $0xA;
	s2 =	sadd.s32 s3, s2  }
0x8d: {  	s2 =	sadd.s32 s2, s17  }
0x8e: {  	[smem:$0x3FB6] =	sst s2  }
0x8f: {  	_ = 	snop  }
0x90: {  	s18 =	sld [smem:$0x3FD0];
	(tm) =	ssettm $0x1  }
0x91: {  	s19 =	sld [smem:$0x3FFB];
	_ =	sdelay $0x3  }
0x92: {  	_ =	strace s19  }
0x93: {  	s2 =	sld [smem:$0x3FFC];
	_ =	sdelay $0x3  }
0x94: {  	_ =	strace s2  }
0x95: {  	s2 =	sld [smem:$0x3FFD];
	_ =	sdelay $0x3  }
0x96: {  	_ =	strace s2  }
0x97: {  	_ =	strace $0x8FFFFFFF  }
0x98: {  	s20 =	sld [smem:$0x3FDB];
	_ =	sdelay $0x1  }
0x99: {  	s4 =	simm.s32 $_scs_section_size  }
0x9a: {  	s5 =	simm.s32 $_size__tile_overlayer_lowered;
	s6 =	simm.s32 $_tile_overlayer_lowered  }
0x9b: {  	s7 =	simm.s32 $0x1BFF;
	s21 =	sshll.u32 s6, $0x1;
	s4 =	sadd.s32 s4, s20  }
0x9c: {  	s22 =	simm.s32 $0x0;
	s5 =	sshll.u32 s5, $0x1;
	s6 =	sadd.s32 s21, s4  }
0x9d: {  	[timem:s22], [sflag:s7] =	dma.local [hbm:s6], s5  }
0x9e: {  	_ =	swait.ge [sflag:s7], s5  }
0x9f: {  	s5 =	ssub.s32 $0x0, s5;
	[sflag:s7] =	ssyncset.done $0x0  }
0xa0: {  	[sflag:s7] =	ssyncadd.s32 s5;
	_ =	sdelay $0x1  }
0xa1: {  	s23 =	simm.s32 $0x1B8B  }
0xa2: {  	_ =	swait.ge [sflag:s23], $0x1  }
0xa3: {  	[sflag:s23] =	ssyncset.done $0x0  }
0xa4: {  	[sflag:s23] =	ssyncadd.s32 $0xFFFFFFFF  }
0xa5: {  	s5 =	sld [smem:$0x0]  }
0xa6: {  	s6 =	sand.u32 $0xFFFFFFFE, s1  }
0xa7: {  	p0 =	sne.s32 s1, s6  }
0xa8: {  	s6 =	sshll.u32 @p0 s6, $0xE  }
0xa9: {  	s6 =	sadd.s32 @p0 $0x11B8D, s6;
	s7 =	sshll.u32 @p0 s5, $0x11  }
0xaa: {  	s6 =	sor.u32 @p0 s7, s6  }
0xab: {  	[sflag:s6] =	ssyncadd.remote.s32 @p0 $0x1;
	_ =	sdelay $0x1  }
0xac: {  	s6 =	simm.s32 @p0 $0x1B8D  }
0xad: {  	_ =	swait.eq @p0 [sflag:s6], $0x1  }
0xae: {  	[sflag:s6] =	ssyncadd.s32 @p0 $0xFFFFFFFF  }
0xaf: {  	s7 =	sshll.u32 @!p0 s1, $0xE  }
0xb0: {  	s7 =	sor.u32 @!p0 $0x4000, s7;
	s6 =	simm.s32 @!p0 $0x1B8D  }
0xb1: {  	s5 =	sshll.u32 @!p0 s5, $0x11;
	s7 =	sadd.s32 @!p0 $0x11B8D, s7;
	_ =	swait.eq @!p0 [sflag:s6], $0x1  }
0xb2: {  	s5 =	sor.u32 @!p0 s5, s7;
	[sflag:s6] =	ssyncadd.s32 @!p0 $0xFFFFFFFF  }
0xb3: {  	s25 =	simm.s32 $0x1B8E;
	s24 =	sld [smem:$0x3FFE];
	[sflag:s5] =	ssyncadd.remote.s32 @!p0 $0x1  }
0xb4: {  	s26 =	simm.s32 $execute0_lowered;
	[smem:$0x3FD2] =	sst s25  }
0xb5: {  	s6 =	sshll.u32 s26, $0x1;
	_ =	strace $0x8000004F;
	[dreg:$0x1] =	wrdreg $0xFFFFFFFF  }
0xb6: {  	s28 =	simm.s32 $_size_execute0_lowered;
	s4 =	sadd.s32 s4, s6;
	[dreg:$0x0] =	wrdreg $0x0  }
0xb7: {  	s6 =	sshll.u32 s28, $0x1;
	[dreg:$0x2] =	wrdreg s4  }
0xb8: {  	[dreg:$0x3] =	wrdreg s6  }
0xb9: {  	[dreg:$0x4] =	wrdreg $0xC0  }
0xba: {  	_ =	task [dreg:s22], $0x5FFFF  }
0xbb: {  	[dreg:$0x1] =	wrdreg $0xFFFFFFFF  }
0xbc: {  	[dreg:$0x0] =	wrdreg $0x60  }
0xbd: {  	[dreg:$0x2] =	wrdreg s18  }
0xbe: {  	[dreg:$0x3] =	wrdreg s24  }
0xbf: {  	[dreg:$0x4] =	wrdreg $0xA  }
0xc0: {  	_ =	task.clear_ibuf [dreg:s22], $0x5FFFF;
	_ =	strace $0x9000004F  }
0xc1: {  	s29 =	simm.s32 $0xA;
	_ =	strace $0x80000051  }
0xc2: {  	_ =	swait.ge [sflag:s29], $0x1  }
0xc3: {  	[sflag:s29] =	ssyncadd.s32 $0xFFFFFFFF  }
0xc4: {  	_ =	strace $0x90000051  }
0xc5: {  	_ =	sfence  }
0xc6: {  	s30 =	sld [smem:$0x0];
	_ =	sdelay $0x2  }
0xc7: {  	s31 =	sshll.u32 s1, $0xD;
	s1 =	sshrl.u32 s1, $0x2  }
0xc8: {  	s4 =	sand.u32 $0x4000, s31;
	s1 =	sadd.s32 s1, s30  }
0xc9: {  	s0 =	sor.u32 s4, s0;
	s1 =	sshll.u32 s1, $0x11  }
0xca: {  	s0 =	sor.u32 s1, s0  }
0xcb: {  	s0 =	sadd.s32 $0x8F2B, s0  }
0xcc: {  	[sflag:s0] =	ssyncadd.remote.s32 $0x1  }
0xcd: {  	_ =	sfence.sel $0xFFFF  }
0xce: {  	[dreg:$0x0] =	wrdreg $0xFFFFFFFF;
	(pc) =	sbr.abs _section_cstart, $3  }
0xcf: {  	[dreg:$0x1] =	wrdreg $0xFFFFFFFF  }
0xd0: {  	_ =	task.clear_ibuf [dreg:s22], $0x2FFFF;
	_ =	strace $0x9FFFFFFF  }
0xd1: {  	(tm) =	ssettm $0x7FFFFFFF  }
tec
execute0_lowered:
.L_overlay_start_1:
0x0: {  	(tag) =	ssettag $0x1  }
0x1: {  	s2 =	rddreg [dreg:$0x0]  }
0x2: {  	s8 =	rddreg [dreg:$0x1]  }
0x3: {  	s0 =	rddreg [dreg:$0x2];
	s1 =	stileid.u32  }
0x4: {  	s3 =	srdreg.scid;
	_ =	strace $0x80000050;
	s4 =	simm.s32 $0x1  }
0x5: {  	s7 =	simm.s32 $0x1;
	s9 =	simm.s32 $0x1;
	s10 =	simm.s32 $0x3  }
0x6: {  	s13 =	simm.s32 $0x0;
	s5 =	sand.u32 $0x1, s3;
	s6 =	sshll.u32 s1, $0x1  }
0x7: {  	s12 =	simm.s32 $0x0;
	s3 =	sadd.s32 $0x33200, s8;
	s5 =	sor.u32 s6, s5  }
.Ltmp0:
0x8: {  	[sflag:s4] =	ssyncpa.u1 $0x0;
	p0 =	slt.u32 s5, $0x9;
	(pc) =	sbr.rel .LBB2_1-.Ltmp0, $4  }
0x9: {  	s6 =	simm.s32 $0x2;
	s7 =	simm.s32 @!p0 $0x0;
	p0 =	sne.s32 s5, $0x8  }
0xa: {  	[sflag:s6] =	ssyncpa.u1 $0x0;
	s5 =	smul.u32 $0x1F40, s5;
	s9 =	simm.s32 @!p0 $0x0  }
0xb: {  	s8 =	sadd.s32 $0x15800, s8;
	[sflag:s10] =	ssyncpa.u1 $0x0;
	s7 =	sadd.s32 s9, s7  }
0xc: {  	vm0 =	vmmov $0xffff;
	s10 =	simm.s32 $0x0;
	s11 =	smov.u32 s5;
	s9 =	sadd.s32 $0x1, s7  }
.LBB2_4:
0xd: {  	v2 =	vnsel vm1, $0x0, v2  }
0xe: {  	vm1 =	vgt.s32 v0, $0x0;
	v2 =	vmin.u32 v2, $0x4E1FF  }
0xf: {  	v0 =	vnsel vm1, $0x0, v0  }
0x10: {  	v0 =	vmin.u32 v0, $0x4E1FF  }
0x11: {  	[tilespmem:s18], [sflag:$0x1] =	stream.indirect_vreg.gather [hbm4b:s2+s10], $0x1, v1, vm0, $0x4038;
	[tilespmem:$0x7D00] =	vst v63  }
0x12: {  	(ifvalue) =	ssetifvalue $0x7FFFFFFF  }
0x13: {  	[tilespmem:s15], [sflag:$0x1] =	stream.indirect_vreg.gather [hbm4b:s2+s10], $0x1, v2, vm0, $0x4038;
	[tilespmem:$0x7D00] =	vst v63  }
0x14: {  	s29 =	sadd.s32 $0x10, s15;
	(ifvalue) =	ssetifvalue $0x7FFFFFFF  }
0x15: {  	[tilespmem:s29], [sflag:$0x1] =	stream.indirect_vreg.gather [hbm4b:s2+s10], $0x1, v0, vm0, $0x4038;
	[tilespmem:$0x7D00] =	vst v63  }
0x16: {  	_ =	swait.ge [sflag:s4], $0x1F40  }
0x17: {  	s30 =	sshrl.u32 s13, $0x3;
	[sflag:s4] =	ssyncset.done $0x0  }
0x18: {  	s31 =	sand.u32 $0x7, s13;
	s15 =	sadd.s32 s8, s30;
	[sflag:s4] =	ssyncadd.s32 $0xFFFFE0C0  }
0x19: {  	[hbm4b:s15+s31] =	stream.linear.scatter [tilespmem:s14], [sflag:$0x3], $0x1F40, $0x38;
	[tilespmem:$0x7D00] =	vst v63  }
.LBB2_5:
0x1a: {  	s15 =	sadd.s32 $0x3E800, s11  }
0x1b: {  	p1 =	sgt.s32 s15, $0x4E1FF  }
0x1c: {  	s15 =	smov.u32 @p1 s5;
	p1 =	sne.s32 s12, s9  }
.Ltmp1:
0x1d: {  	p0 =	slt.u32 s12, $0x2;
	(pc) =	sbr.rel @!p1 .LBB2_6-.Ltmp1, $4  }
0x1e: {  	s14 =	simm.s32 @!p0 $0x3  }
0x1f: {  	_ =	swait.ge @!p0 [sflag:s14], $0x1F40  }
0x20: {  	s16 =	sadd.s32 $0x1, s12;
	s13 =	smov.u32 s11;
	[sflag:s14] =	ssyncset.done @!p0 $0x0  }
0x21: {  	s12 =	smov.u32 s16;
	s11 =	smov.u32 s15;
	[sflag:s14] =	ssyncadd.s32 @!p0 $0xFFFFE0C0  }
.LBB2_1:
0x22: {  	p0 =	sge.u32 s12, s7  }
0x23: {  	s14 =	sxor.u32 @!p0 $0x1, s12  }
0x24: {  	s14 =	smul.u32 @!p0 $0x7D00, s14  }
0x25: {  	s31 =	sadd.s32 $0xFFFFFFFF, s12;
	s15 =	sshrl.u32 @!p0 s11, $0x3  }
0x26: {  	s16 =	sand.u32 @!p0 $0x7, s11;
	s15 =	sadd.s32 @!p0 s3, s15;
	s14 =	sshra.s32 @!p0 s14, $0x2  }
0x27: {  	[tilespmem:s14], [sflag:$0x2] =	stream.linear.gather @!p0 [hbm4b:s15+s16], $0x1F40, $0x38;
	[tilespmem:$0x7D00] =	vst v63  }
0x28: {  	p0 =	sge.u32 s31, s7  }
.Ltmp2:
0x29: {  	_ = 	snop;
	(pc) =	sbr.rel @p0 .LBB2_5-.Ltmp2, $1  }
0x2a: {  	_ =	sdelay $0x3  }
0x2b: {  	s14 =	sand.u32 $0x1, s12  }
0x2c: {  	_ =	swait.ge [sflag:s6], $0x1F40;
	p0 =	seq.s32 s14, $0x1;
	s14 =	simm.s32 $0x1F40  }
0x2d: {  	[sflag:s6] =	ssyncset.done $0x0;
	s14 =	simm.s32 @!p0 $0x0  }
0x2e: {  	[sflag:s6] =	ssyncadd.s32 $0xFFFFE0C0;
	(ifvalue) =	ssetifvalue $0x7FFFFFFF;
	v0 =	vld.msk [tilespmem:s14+$0x0 ss:$0x1], $0xffff;
	_ =	sdelay $0x4  }
0x2f: {  	s15 =	sadd.s32 $0x10, s14;
	vm1 =	vgt.s32 v0, $0x0  }
0x30: {  	v2 =	vld.msk [tilespmem:s15+$0x0 ss:$0x1], $0xffff;
	v1 =	vnsel vm1, $0x0, v0  }
0x31: {  	v1 =	vmin.u32 v1, $0x4E1FF;
	_ =	sdelay $0x2  }
0x32: {  	s17 =	simm.s32 $0x20;
	s14 =	sadd.s32 $0x3E80, s14;
	s16 =	sadd.s32 $0x10, s15  }
0x33: {  	s15 =	sadd.s32 $0x10, s14;
	s18 =	smov.u32 s14;
	v0 =	vld.msk [tilespmem:s16+$0x0 ss:$0x1], $0xffff;
	vm1 =	vgt.s32 v2, $0x0;
	(ifvalue) =	ssetifvalue $0x7FFFFFFF  }
.LBB2_3:
0x34: {  	[tilespmem:s18], [sflag:$0x1] =	stream.indirect_vreg.gather [hbm4b:s2+s10], $0x1, v1, vm0, $0x4038;
	[tilespmem:$0x7D00] =	vst v63  }
0x35: {  	s17 =	sadd.s32 $0x10, s17  }
0x36: {  	v2 =	vnsel vm1, $0x0, v2;
	p0 =	slt.u32 s17, $0x1F30  }
.Ltmp3:
0x37: {  	s18 =	smov.u32 s15;
	v1 =	vmin.u32 v2, $0x4E1FF;
	(pc) =	sbr.rel @p0 .LBB2_3-.Ltmp3, $3  }
0x38: {  	_ =	sdelay $0x1  }
0x39: {  	s16 =	sadd.s32 $0x10, s16  }
0x3a: {  	vm1 =	vgt.s32 v0, $0x0;
	s15 =	sadd.s32 $0x10, s15;
	v2 =	vmov v0;
	(ifvalue) =	ssetifvalue $0x7FFFFFFF;
	v0 =	vld.msk [tilespmem:s16+$0x0 ss:$0x1], $0xffff  }
.Ltmp4:
0x3b: {  	_ = 	snop;
	(pc) =	sbr.rel .LBB2_4-.Ltmp4, $1  }
0x3c: {  	_ =	sdelay $0x3  }
.LBB2_6:
0x3d: {  	_ =	sfence.sel $0x180000  }
0x3e: {  	s2 =	simm.s32 $0x2;
	[bflag:$0x0] =	sbarrier.arrive $0xFFFF  }
0x3f: {  	s30 =	simm.s32 $0x3;
	[sflag:s2] =	ssyncpa.u1 $0x1  }
0x40: {  	s31 =	simm.s32 $0x1;
	[sflag:s30] =	ssyncpa.u1 $0x1  }
0x41: {  	[sflag:s31] =	ssyncpa.u1 $0x1  }
0x42: {  	p0 =	sne.s32 s1, $0x0;
	_ =	strace $0x90000050  }
0x43: {  	s0 =	sadd.s32 @!p0 $0x100000, s0;
	[bflag:$0x2] =	sbarrier.arrive $0xFFFF  }
0x44: {  	[sflag:s0] =	ssyncadd.tile.s32 @!p0 $0x1;
	_ =	shalt  }
.Lfunc_end2:
_tile_overlayer_lowered:
.L_overlay_start_2:
0x45: {  	(tag) =	ssettag $0x2  }
0x46: {  	s0 =	rddreg [dreg:$0x0];
	s2 =	stileid.u32  }
0x47: {  	s1 =	rddreg [dreg:$0x1];
	p0 =	sne.s32 s2, $0x0  }
0x48: {  	s3 =	rddreg [dreg:$0x2];
	[bflag:$0x3] =	sbarrier.arrive $0xFFFF;
	s2 =	simm.s32 @!p0 $0x1C01  }
0x49: {  	[timem:s3], [sflag:s2] =	dma.local @!p0 [hbm:s0], s1  }
0x4a: {  	s0 =	simm.s32 @!p0 $0x1  }
0x4b: {  	_ =	swait.ge @!p0 [sflag:s0], s1  }
0x4c: {  	s1 =	ssub.s32 @!p0 $0x0, s1;
	[sflag:s0] =	ssyncset.done @!p0 $0x0  }
0x4d: {  	[sflag:s0] =	ssyncadd.s32 @!p0 s1  }
0x4e: {  	[bflag:$0x3] =	sbarrier.arrive $0xFFFF  }
0x4f: {  	_ =	shalt  }

// kernel: gather_offload_async_start.3
scs
__scs_entry_jumppad:
0x0: {  	(pc) =	sbr.rel $0x88, $3  }
0x1: {  	(tag) =	ssettag $0x0;
	lr =	simm.s32 $0x1  }
0x2: {  	[smem:$0x3F8F] =	sst lr;
	_ =	strace $0xD0000000  }
0x3: {  	_ = 	snop  }
0x4: {  	_ = 	snop  }
0x5: {  	_ = 	snop  }
0x6: {  	_ = 	snop  }
0x7: {  	_ = 	snop  }
__scs_overlays_trampoline_lowered:
0x8: {  	[smem:$0x3F9E] =	sst s0  }
0x9: {  	[smem:$0x3F9F] =	sst s1  }
0xa: {  	[smem:$0x3FA0] =	sst s2  }
0xb: {  	[smem:$0x3FA1] =	sst s3  }
0xc: {  	[smem:$0x3FA2] =	sst s4  }
0xd: {  	[smem:$0x3FA3] =	sst s5  }
0xe: {  	[smem:$0x3FA4] =	sst s6  }
0xf: {  	[smem:$0x3FA5] =	sst s7  }
0x10: {  	[smem:$0x3FA6] =	sst s8  }
0x11: {  	[smem:$0x3FA7] =	sst s9;
	s0 =	simm.s32 @!p0 $0x0  }
0x12: {  	s1 =	sld [smem:$0x3F8D];
	s0 =	simm.s32 @p0 $0x1  }
0x13: {  	[smem:$0x3FA8] =	sst s0;
	s0 =	simm.s32 @!p1 $0x0  }
0x14: {  	s2 =	sld [smem:$0x3F8C];
	s0 =	simm.s32 @p1 $0x1  }
0x15: {  	[smem:$0x3FA9] =	sst s0;
	s0 =	simm.s32 @!p2 $0x0  }
0x16: {  	s3 =	sld [smem:$0x3FDB];
	s0 =	simm.s32 @p2 $0x1  }
0x17: {  	s4 =	simm.s32 $0x1BF5;
	[smem:$0x3FAB] =	sst s0  }
0x18: {  	s0 =	sld [smem:$0x3F8E];
	_ =	swait.ge [sflag:s4], $0x0  }
0x19: {  	s7 =	sld [smem:$0x3F8F]  }
0x1a: {  	s8 =	sadd.s32 $0xFFFFE003, lr  }
0x1b: {  	s9 =	sadd.s32 $0xFFFFFEF7, lr;
	s5 =	simm.s32 $0xFFFFFFFF;
	p2 =	slt.u32 s8, $0xFFFFF086  }
0x1c: {  	p1 =	slt.u32 s9, $0xF7A;
	s5 =	simm.s32 @!p2 $0x0  }
0x1d: {  	s5 =	simm.s32 @p1 $0x1;
	p0 =	seq.s32 s7, s2  }
0x1e: {  	s7 =	smul.u32 @!p0 $0xF7A, s2;
	p2 =	seq.s32 @!p0 s5, $0x0  }
0x1f: {  	s9 =	smul.u32 $0xF7A, s1;
	s8 =	simm.s32 @!p0 $0x1BF5;
	p2 =	por !p2, p0  }
0x20: {  	[sflag:s8] =	ssyncset.s32 @!p0 $0xFFFFF086;
	s6 =	sadd.s32 @!p0 s3, s7;
	s7 =	simm.s32 @!p0 $0x108  }
0x21: {  	s3 =	sadd.s32 s3, s9;
	s6 =	sadd.s32 @!p0 $0x88, s6;
	s7 =	simm.s32 @p2 $0x1082  }
0x22: {  	[simem:s7], [sflag:s8] =	dma.local @!p0 [hbm:s6], $0xF7A  }
0x23: {  	s9 =	sor.u32 $0xD0000000, s2;
	s6 =	simm.s32 $0x108;
	_ =	swait.ge @!p0 [sflag:s8], $0x0  }
0x24: {  	s3 =	sadd.s32 $0x88, s3;
	s6 =	simm.s32 @!p1 $0x1082;
	[sflag:s4] =	ssyncset.s32 $0xFFFFF086  }
0x25: {  	[simem:s6], [sflag:s4] =	dma.local [hbm:s3], $0xF7A  }
0x26: {  	[smem:$0x3F8F] =	sst s1;
	(tag) =	ssettag s2;
	_ =	strace s9  }
0x27: {  	s1 =	sld [smem:$0x3F9F]  }
0x28: {  	s2 =	sld [smem:$0x3FA0]  }
0x29: {  	s4 =	sld [smem:$0x3FA2]  }
0x2a: {  	p0 =	seq.s32 s5, $0x0;
	s5 =	sld [smem:$0x3FA3]  }
0x2b: {  	s6 =	sld [smem:$0x3FA4]  }
0x2c: {  	s7 =	sld [smem:$0x3FA5]  }
0x2d: {  	s3 =	simm.s32 $0x108;
	s8 =	sld [smem:$0x3FA6]  }
0x2e: {  	s3 =	simm.s32 @!p0 $0x1082;
	s9 =	sld [smem:$0x3FA7]  }
0x2f: {  	lr =	sadd.s32 s0, s3;
	s0 =	sld [smem:$0x3F9E]  }
0x30: {  	s3 =	sld [smem:$0x3FA1]  }
0x31: {  	[smem:$0x3FAA] =	sst s10  }
0x32: {  	s10 =	sld [smem:$0x3FA8];
	_ =	sdelay $0x3  }
0x33: {  	p0 =	seq.s32 s10, $0x1;
	s10 =	sld [smem:$0x3FAA];
	_ =	sdelay $0x3  }
0x34: {  	[smem:$0x3FAA] =	sst s10  }
0x35: {  	s10 =	sld [smem:$0x3FA9];
	_ =	sdelay $0x3  }
0x36: {  	p1 =	seq.s32 s10, $0x1;
	s10 =	sld [smem:$0x3FAA];
	_ =	sdelay $0x3  }
0x37: {  	[smem:$0x3FAA] =	sst s10  }
0x38: {  	s10 =	sld [smem:$0x3FAB]  }
0x39: {  	_ = 	snop;
	(pc) =	sbr.ind lr, $3  }
0x3a: {  	_ = 	snop  }
0x3b: {  	_ = 	snop  }
0x3c: {  	p2 =	seq.s32 s10, $0x1;
	s10 =	sld [smem:$0x3FAA]  }
0x3d: {  	_ =	shalt  }
0x3e: {  	_ =	shalt  }
0x3f: {  	_ =	shalt  }
0x40: {  	_ =	shalt  }
0x41: {  	_ =	shalt  }
0x42: {  	_ =	shalt  }
0x43: {  	_ =	shalt  }
0x44: {  	_ =	shalt  }
0x45: {  	_ =	shalt  }
0x46: {  	_ =	shalt  }
0x47: {  	_ =	shalt  }
0x48: {  	_ =	shalt  }
0x49: {  	_ =	shalt  }
0x4a: {  	_ =	shalt  }
0x4b: {  	_ =	shalt  }
0x4c: {  	_ =	shalt  }
0x4d: {  	_ =	shalt  }
0x4e: {  	_ =	shalt  }
0x4f: {  	_ =	shalt  }
0x50: {  	_ =	shalt  }
0x51: {  	_ =	shalt  }
0x52: {  	_ =	shalt  }
0x53: {  	_ =	shalt  }
0x54: {  	_ =	shalt  }
0x55: {  	_ =	shalt  }
0x56: {  	_ =	shalt  }
0x57: {  	_ =	shalt  }
0x58: {  	_ =	shalt  }
0x59: {  	_ =	shalt  }
0x5a: {  	_ =	shalt  }
0x5b: {  	_ =	shalt  }
0x5c: {  	_ =	shalt  }
0x5d: {  	_ =	shalt  }
0x5e: {  	_ =	shalt  }
0x5f: {  	_ =	shalt  }
0x60: {  	_ =	shalt  }
0x61: {  	_ =	shalt  }
0x62: {  	_ =	shalt  }
0x63: {  	_ =	shalt  }
0x64: {  	_ =	shalt  }
0x65: {  	_ =	shalt  }
0x66: {  	_ =	shalt  }
0x67: {  	_ =	shalt  }
0x68: {  	_ =	shalt  }
0x69: {  	_ =	shalt  }
0x6a: {  	_ =	shalt  }
0x6b: {  	_ =	shalt  }
0x6c: {  	_ =	shalt  }
0x6d: {  	_ =	shalt  }
0x6e: {  	_ =	shalt  }
0x6f: {  	_ =	shalt  }
0x70: {  	_ =	shalt  }
0x71: {  	_ =	shalt  }
0x72: {  	_ =	shalt  }
0x73: {  	_ =	shalt  }
0x74: {  	_ =	shalt  }
0x75: {  	_ =	shalt  }
0x76: {  	_ =	shalt  }
0x77: {  	_ =	shalt  }
0x78: {  	_ =	shalt  }
0x79: {  	_ =	shalt  }
0x7a: {  	_ =	shalt  }
0x7b: {  	_ =	shalt  }
0x7c: {  	_ =	shalt  }
0x7d: {  	_ =	shalt  }
0x7e: {  	_ =	shalt  }
0x7f: {  	_ =	shalt  }
0x80: {  	_ =	shalt  }
0x81: {  	_ =	shalt  }
0x82: {  	_ =	shalt  }
0x83: {  	_ =	shalt  }
0x84: {  	_ =	shalt  }
0x85: {  	_ =	shalt  }
0x86: {  	_ =	shalt  }
0x87: {  	_ =	shalt  }
.Lfunc_end0:
.L_simem_size_0:
called_computation.3_lowered:
.L_overlay_start_0:
0x88: {  	s2 =	sld [smem:$0x3FD9]  }
0x89: {  	s3 =	sld [smem:$0x3FFE];
	_ =	sdelay $0x1  }
0x8a: {  	s1 =	srdreg.scid  }
0x8b: {  	s0 =	sand.u32 $0x1, s1  }
0x8c: {  	s17 =	sshll.u32 s0, $0xA;
	s2 =	sadd.s32 s3, s2  }
0x8d: {  	s2 =	sadd.s32 s2, s17  }
0x8e: {  	[smem:$0x3FB6] =	sst s2  }
0x8f: {  	_ = 	snop  }
0x90: {  	(tm) =	ssettm $0x1  }
0x91: {  	s18 =	sld [smem:$0x3FFB];
	_ =	sdelay $0x3  }
0x92: {  	_ =	strace s18  }
0x93: {  	s2 =	sld [smem:$0x3FFC];
	_ =	sdelay $0x3  }
0x94: {  	_ =	strace s2  }
0x95: {  	s2 =	sld [smem:$0x3FFD];
	_ =	sdelay $0x3  }
0x96: {  	_ =	strace s2  }
0x97: {  	_ =	strace $0x8FFFFFFF  }
0x98: {  	s19 =	sld [smem:$0x3FDB];
	_ =	sdelay $0x1  }
0x99: {  	s20 =	simm.s32 $_scs_section_size  }
0x9a: {  	s4 =	simm.s32 $_size__tile_overlayer_lowered;
	s5 =	simm.s32 $_tile_overlayer_lowered  }
0x9b: {  	s6 =	simm.s32 $0x1BFF;
	s21 =	sshll.u32 s5, $0x1;
	s3 =	sadd.s32 s20, s19  }
0x9c: {  	s22 =	simm.s32 $0x0;
	s4 =	sshll.u32 s4, $0x1;
	s5 =	sadd.s32 s21, s3  }
0x9d: {  	[timem:s22], [sflag:s6] =	dma.local [hbm:s5], s4  }
0x9e: {  	_ =	swait.ge [sflag:s6], s4  }
0x9f: {  	s4 =	ssub.s32 $0x0, s4;
	[sflag:s6] =	ssyncset.done $0x0  }
0xa0: {  	[sflag:s6] =	ssyncadd.s32 s4;
	_ =	sdelay $0x1  }
0xa1: {  	s23 =	simm.s32 $0x1B8B  }
0xa2: {  	_ =	swait.ge [sflag:s23], $0x1  }
0xa3: {  	[sflag:s23] =	ssyncset.done $0x0  }
0xa4: {  	[sflag:s23] =	ssyncadd.s32 $0xFFFFFFFF  }
0xa5: {  	s4 =	sld [smem:$0x0]  }
0xa6: {  	s5 =	sand.u32 $0xFFFFFFFE, s1  }
0xa7: {  	p0 =	sne.s32 s1, s5  }
0xa8: {  	s5 =	sshll.u32 @p0 s5, $0xE  }
0xa9: {  	s5 =	sadd.s32 @p0 $0x11B8D, s5;
	s6 =	sshll.u32 @p0 s4, $0x11  }
0xaa: {  	s5 =	sor.u32 @p0 s6, s5  }
0xab: {  	[sflag:s5] =	ssyncadd.remote.s32 @p0 $0x1;
	_ =	sdelay $0x1  }
0xac: {  	s5 =	simm.s32 @p0 $0x1B8D  }
0xad: {  	_ =	swait.eq @p0 [sflag:s5], $0x1  }
0xae: {  	[sflag:s5] =	ssyncadd.s32 @p0 $0xFFFFFFFF  }
0xaf: {  	s6 =	sshll.u32 @!p0 s1, $0xE  }
0xb0: {  	s6 =	sor.u32 @!p0 $0x4000, s6;
	s5 =	simm.s32 @!p0 $0x1B8D  }
0xb1: {  	s4 =	sshll.u32 @!p0 s4, $0x11;
	s6 =	sadd.s32 @!p0 $0x11B8D, s6;
	_ =	swait.eq @!p0 [sflag:s5], $0x1  }
0xb2: {  	s4 =	sor.u32 @!p0 s4, s6;
	[sflag:s5] =	ssyncadd.s32 @!p0 $0xFFFFFFFF  }
0xb3: {  	s25 =	simm.s32 $0x1B8E;
	s24 =	sld [smem:$0x3FFE];
	[sflag:s4] =	ssyncadd.remote.s32 @!p0 $0x1  }
0xb4: {  	s26 =	simm.s32 $execute0_lowered;
	[smem:$0x3FD2] =	sst s25  }
0xb5: {  	s5 =	sshll.u32 s26, $0x1;
	_ =	strace $0x80000049;
	[dreg:$0x1] =	wrdreg $0xFFFFFFFF  }
0xb6: {  	s28 =	simm.s32 $_size_execute0_lowered;
	s3 =	sadd.s32 s3, s5;
	[dreg:$0x0] =	wrdreg $0x0  }
0xb7: {  	s5 =	sshll.u32 s28, $0x1;
	[dreg:$0x2] =	wrdreg s3  }
0xb8: {  	[dreg:$0x3] =	wrdreg s5  }
0xb9: {  	[dreg:$0x4] =	wrdreg $0xC0  }
0xba: {  	_ =	task [dreg:s22], $0x5FFFF  }
0xbb: {  	[dreg:$0x1] =	wrdreg $0xFFFFFFFF  }
0xbc: {  	[dreg:$0x0] =	wrdreg $0x60  }
0xbd: {  	[dreg:$0x2] =	wrdreg s24  }
0xbe: {  	[dreg:$0x3] =	wrdreg $0xA  }
0xbf: {  	_ =	task.clear_ibuf [dreg:s22], $0x4FFFF;
	_ =	strace $0x90000049  }
0xc0: {  	s29 =	simm.s32 $0xA;
	_ =	strace $0x8000004B  }
0xc1: {  	_ =	swait.ge [sflag:s29], $0x1  }
0xc2: {  	[sflag:s29] =	ssyncadd.s32 $0xFFFFFFFF  }
0xc3: {  	_ =	strace $0x9000004B  }
0xc4: {  	_ =	sfence  }
0xc5: {  	s30 =	sld [smem:$0x0];
	_ =	sdelay $0x2  }
0xc6: {  	s31 =	sshll.u32 s1, $0xD;
	s1 =	sshrl.u32 s1, $0x2  }
0xc7: {  	s4 =	sand.u32 $0x4000, s31;
	s1 =	sadd.s32 s1, s30  }
0xc8: {  	s0 =	sor.u32 s4, s0;
	s1 =	sshll.u32 s1, $0x11  }
0xc9: {  	s0 =	sor.u32 s1, s0  }
0xca: {  	s0 =	sadd.s32 $0x8F2B, s0  }
0xcb: {  	[sflag:s0] =	ssyncadd.remote.s32 $0x1  }
0xcc: {  	_ =	sfence.sel $0xFFFF  }
0xcd: {  	[dreg:$0x0] =	wrdreg $0xFFFFFFFF;
	(pc) =	sbr.abs _section_cstart, $3  }
0xce: {  	[dreg:$0x1] =	wrdreg $0xFFFFFFFF  }
0xcf: {  	_ =	task.clear_ibuf [dreg:s22], $0x2FFFF;
	_ =	strace $0x9FFFFFFF  }
0xd0: {  	(tm) =	ssettm $0x7FFFFFFF  }
0xd1: {  	_ =	shalt  }
tec
execute0_lowered:
.L_overlay_start_1:
0x0: {  	(tag) =	ssettag $0x1  }
0x1: {  	s8 =	rddreg [dreg:$0x0]  }
0x2: {  	s0 =	rddreg [dreg:$0x1];
	_ =	strace $0x8000004A;
	s1 =	stileid.u32  }
0x3: {  	s3 =	srdreg.scid;
	s4 =	simm.s32 $0x1;
	s7 =	simm.s32 $0x1  }
0x4: {  	s9 =	simm.s32 $0x1;
	s10 =	simm.s32 $0x3;
	s13 =	simm.s32 $0x0  }
0x5: {  	s12 =	simm.s32 $0x0;
	s5 =	sand.u32 $0x1, s3;
	s6 =	sshll.u32 s1, $0x1  }
0x6: {  	s2 =	sadd.s32 $0xBA00, s8;
	s3 =	sadd.s32 $0x1F600, s8;
	s5 =	sor.u32 s6, s5  }
.Ltmp0:
0x7: {  	[sflag:s4] =	ssyncpa.u1 $0x0;
	p0 =	slt.u32 s5, $0x9;
	(pc) =	sbr.rel .LBB2_1-.Ltmp0, $4  }
0x8: {  	s6 =	simm.s32 $0x2;
	s7 =	simm.s32 @!p0 $0x0;
	p0 =	sne.s32 s5, $0x8  }
0x9: {  	[sflag:s6] =	ssyncpa.u1 $0x0;
	s5 =	smul.u32 $0x1F40, s5;
	s9 =	simm.s32 @!p0 $0x0  }
0xa: {  	s8 =	sadd.s32 $0x15800, s8;
	[sflag:s10] =	ssyncpa.u1 $0x0;
	s7 =	sadd.s32 s9, s7  }
0xb: {  	vm0 =	vmmov $0xffff;
	s10 =	simm.s32 $0x0;
	s11 =	smov.u32 s5;
	s9 =	sadd.s32 $0x1, s7  }
.LBB2_4:
0xc: {  	v2 =	vnsel vm1, $0x0, v2  }
0xd: {  	vm1 =	vgt.s32 v0, $0x0;
	v2 =	vmin.u32 v2, $0x4E1FF  }
0xe: {  	v0 =	vnsel vm1, $0x0, v0  }
0xf: {  	v0 =	vmin.u32 v0, $0x4E1FF  }
0x10: {  	[tilespmem:s18], [sflag:$0x1] =	stream.indirect_vreg.gather [hbm4b:s2+s10], $0x1, v1, vm0, $0x4038;
	[tilespmem:$0x7D00] =	vst v63  }
0x11: {  	(ifvalue) =	ssetifvalue $0x7FFFFFFF  }
0x12: {  	[tilespmem:s15], [sflag:$0x1] =	stream.indirect_vreg.gather [hbm4b:s2+s10], $0x1, v2, vm0, $0x4038;
	[tilespmem:$0x7D00] =	vst v63  }
0x13: {  	s29 =	sadd.s32 $0x10, s15;
	(ifvalue) =	ssetifvalue $0x7FFFFFFF  }
0x14: {  	[tilespmem:s29], [sflag:$0x1] =	stream.indirect_vreg.gather [hbm4b:s2+s10], $0x1, v0, vm0, $0x4038;
	[tilespmem:$0x7D00] =	vst v63  }
0x15: {  	_ =	swait.ge [sflag:s4], $0x1F40  }
0x16: {  	s30 =	sshrl.u32 s13, $0x3;
	[sflag:s4] =	ssyncset.done $0x0  }
0x17: {  	s31 =	sand.u32 $0x7, s13;
	s15 =	sadd.s32 s8, s30;
	[sflag:s4] =	ssyncadd.s32 $0xFFFFE0C0  }
0x18: {  	[hbm4b:s15+s31] =	stream.linear.scatter [tilespmem:s14], [sflag:$0x3], $0x1F40, $0x38;
	[tilespmem:$0x7D00] =	vst v63  }
.LBB2_5:
0x19: {  	s15 =	sadd.s32 $0x3E800, s11  }
0x1a: {  	p1 =	sgt.s32 s15, $0x4E1FF  }
0x1b: {  	s15 =	smov.u32 @p1 s5;
	p1 =	sne.s32 s12, s9  }
.Ltmp1:
0x1c: {  	p0 =	slt.u32 s12, $0x2;
	(pc) =	sbr.rel @!p1 .LBB2_6-.Ltmp1, $4  }
0x1d: {  	s14 =	simm.s32 @!p0 $0x3  }
0x1e: {  	_ =	swait.ge @!p0 [sflag:s14], $0x1F40  }
0x1f: {  	s16 =	sadd.s32 $0x1, s12;
	s13 =	smov.u32 s11;
	[sflag:s14] =	ssyncset.done @!p0 $0x0  }
0x20: {  	s12 =	smov.u32 s16;
	s11 =	smov.u32 s15;
	[sflag:s14] =	ssyncadd.s32 @!p0 $0xFFFFE0C0  }
.LBB2_1:
0x21: {  	p0 =	sge.u32 s12, s7  }
0x22: {  	s14 =	sxor.u32 @!p0 $0x1, s12  }
0x23: {  	s14 =	smul.u32 @!p0 $0x7D00, s14  }
0x24: {  	s31 =	sadd.s32 $0xFFFFFFFF, s12;
	s15 =	sshrl.u32 @!p0 s11, $0x3  }
0x25: {  	s16 =	sand.u32 @!p0 $0x7, s11;
	s15 =	sadd.s32 @!p0 s3, s15;
	s14 =	sshra.s32 @!p0 s14, $0x2  }
0x26: {  	[tilespmem:s14], [sflag:$0x2] =	stream.linear.gather @!p0 [hbm4b:s15+s16], $0x1F40, $0x38;
	[tilespmem:$0x7D00] =	vst v63  }
0x27: {  	p0 =	sge.u32 s31, s7  }
.Ltmp2:
0x28: {  	_ = 	snop;
	(pc) =	sbr.rel @p0 .LBB2_5-.Ltmp2, $1  }
0x29: {  	_ =	sdelay $0x3  }
0x2a: {  	s14 =	sand.u32 $0x1, s12  }
0x2b: {  	_ =	swait.ge [sflag:s6], $0x1F40;
	p0 =	seq.s32 s14, $0x1;
	s14 =	simm.s32 $0x1F40  }
0x2c: {  	[sflag:s6] =	ssyncset.done $0x0;
	s14 =	simm.s32 @!p0 $0x0  }
0x2d: {  	[sflag:s6] =	ssyncadd.s32 $0xFFFFE0C0;
	(ifvalue) =	ssetifvalue $0x7FFFFFFF;
	v0 =	vld.msk [tilespmem:s14+$0x0 ss:$0x1], $0xffff;
	_ =	sdelay $0x4  }
0x2e: {  	s15 =	sadd.s32 $0x10, s14;
	vm1 =	vgt.s32 v0, $0x0  }
0x2f: {  	v2 =	vld.msk [tilespmem:s15+$0x0 ss:$0x1], $0xffff;
	v1 =	vnsel vm1, $0x0, v0  }
0x30: {  	v1 =	vmin.u32 v1, $0x4E1FF;
	_ =	sdelay $0x2  }
0x31: {  	s17 =	simm.s32 $0x20;
	s14 =	sadd.s32 $0x3E80, s14;
	s16 =	sadd.s32 $0x10, s15  }
0x32: {  	s15 =	sadd.s32 $0x10, s14;
	s18 =	smov.u32 s14;
	v0 =	vld.msk [tilespmem:s16+$0x0 ss:$0x1], $0xffff;
	vm1 =	vgt.s32 v2, $0x0;
	(ifvalue) =	ssetifvalue $0x7FFFFFFF  }
.LBB2_3:
0x33: {  	[tilespmem:s18], [sflag:$0x1] =	stream.indirect_vreg.gather [hbm4b:s2+s10], $0x1, v1, vm0, $0x4038;
	[tilespmem:$0x7D00] =	vst v63  }
0x34: {  	s17 =	sadd.s32 $0x10, s17  }
0x35: {  	v2 =	vnsel vm1, $0x0, v2;
	p0 =	slt.u32 s17, $0x1F30  }
.Ltmp3:
0x36: {  	s18 =	smov.u32 s15;
	v1 =	vmin.u32 v2, $0x4E1FF;
	(pc) =	sbr.rel @p0 .LBB2_3-.Ltmp3, $3  }
0x37: {  	_ =	sdelay $0x1  }
0x38: {  	s16 =	sadd.s32 $0x10, s16  }
0x39: {  	vm1 =	vgt.s32 v0, $0x0;
	s15 =	sadd.s32 $0x10, s15;
	v2 =	vmov v0;
	(ifvalue) =	ssetifvalue $0x7FFFFFFF;
	v0 =	vld.msk [tilespmem:s16+$0x0 ss:$0x1], $0xffff  }
.Ltmp4:
0x3a: {  	_ = 	snop;
	(pc) =	sbr.rel .LBB2_4-.Ltmp4, $1  }
0x3b: {  	_ =	sdelay $0x3  }
.LBB2_6:
0x3c: {  	_ =	sfence.sel $0x180000  }
0x3d: {  	s2 =	simm.s32 $0x2;
	[bflag:$0x0] =	sbarrier.arrive $0xFFFF  }
0x3e: {  	s30 =	simm.s32 $0x3;
	[sflag:s2] =	ssyncpa.u1 $0x1  }
0x3f: {  	s31 =	simm.s32 $0x1;
	[sflag:s30] =	ssyncpa.u1 $0x1  }
0x40: {  	[sflag:s31] =	ssyncpa.u1 $0x1  }
0x41: {  	p0 =	sne.s32 s1, $0x0;
	_ =	strace $0x9000004A  }
0x42: {  	s0 =	sadd.s32 @!p0 $0x100000, s0;
	[bflag:$0x2] =	sbarrier.arrive $0xFFFF  }
0x43: {  	[sflag:s0] =	ssyncadd.tile.s32 @!p0 $0x1;
	_ =	shalt  }
.Lfunc_end2:
_tile_overlayer_lowered:
.L_overlay_start_2:
0x44: {  	(tag) =	ssettag $0x2  }
0x45: {  	s0 =	rddreg [dreg:$0x0];
	s2 =	stileid.u32  }
0x46: {  	s1 =	rddreg [dreg:$0x1];
	p0 =	sne.s32 s2, $0x0  }
0x47: {  	s3 =	rddreg [dreg:$0x2];
	[bflag:$0x3] =	sbarrier.arrive $0xFFFF;
	s2 =	simm.s32 @!p0 $0x1C01  }
0x48: {  	[timem:s3], [sflag:s2] =	dma.local @!p0 [hbm:s0], s1  }
0x49: {  	s0 =	simm.s32 @!p0 $0x1  }
0x4a: {  	_ =	swait.ge @!p0 [sflag:s0], s1  }
0x4b: {  	s1 =	ssub.s32 @!p0 $0x0, s1;
	[sflag:s0] =	ssyncset.done @!p0 $0x0  }
0x4c: {  	[sflag:s0] =	ssyncadd.s32 @!p0 s1  }
0x4d: {  	[bflag:$0x3] =	sbarrier.arrive $0xFFFF  }
0x4e: {  	_ =	shalt  }

// kernel: gather_offload_async_start
scs
__scs_entry_jumppad:
0x0: {  	(pc) =	sbr.rel $0x88, $3  }
0x1: {  	(tag) =	ssettag $0x0;
	lr =	simm.s32 $0x1  }
0x2: {  	[smem:$0x3F8F] =	sst lr;
	_ =	strace $0xD0000000  }
0x3: {  	_ = 	snop  }
0x4: {  	_ = 	snop  }
0x5: {  	_ = 	snop  }
0x6: {  	_ = 	snop  }
0x7: {  	_ = 	snop  }
__scs_overlays_trampoline_lowered:
0x8: {  	[smem:$0x3F9E] =	sst s0  }
0x9: {  	[smem:$0x3F9F] =	sst s1  }
0xa: {  	[smem:$0x3FA0] =	sst s2  }
0xb: {  	[smem:$0x3FA1] =	sst s3  }
0xc: {  	[smem:$0x3FA2] =	sst s4  }
0xd: {  	[smem:$0x3FA3] =	sst s5  }
0xe: {  	[smem:$0x3FA4] =	sst s6  }
0xf: {  	[smem:$0x3FA5] =	sst s7  }
0x10: {  	[smem:$0x3FA6] =	sst s8  }
0x11: {  	[smem:$0x3FA7] =	sst s9;
	s0 =	simm.s32 @!p0 $0x0  }
0x12: {  	s1 =	sld [smem:$0x3F8D];
	s0 =	simm.s32 @p0 $0x1  }
0x13: {  	[smem:$0x3FA8] =	sst s0;
	s0 =	simm.s32 @!p1 $0x0  }
0x14: {  	s2 =	sld [smem:$0x3F8C];
	s0 =	simm.s32 @p1 $0x1  }
0x15: {  	[smem:$0x3FA9] =	sst s0;
	s0 =	simm.s32 @!p2 $0x0  }
0x16: {  	s3 =	sld [smem:$0x3FDB];
	s0 =	simm.s32 @p2 $0x1  }
0x17: {  	s4 =	simm.s32 $0x1BF5;
	[smem:$0x3FAB] =	sst s0  }
0x18: {  	s0 =	sld [smem:$0x3F8E];
	_ =	swait.ge [sflag:s4], $0x0  }
0x19: {  	s7 =	sld [smem:$0x3F8F]  }
0x1a: {  	s8 =	sadd.s32 $0xFFFFE003, lr  }
0x1b: {  	s9 =	sadd.s32 $0xFFFFFEF7, lr;
	s5 =	simm.s32 $0xFFFFFFFF;
	p2 =	slt.u32 s8, $0xFFFFF086  }
0x1c: {  	p1 =	slt.u32 s9, $0xF7A;
	s5 =	simm.s32 @!p2 $0x0  }
0x1d: {  	s5 =	simm.s32 @p1 $0x1;
	p0 =	seq.s32 s7, s2  }
0x1e: {  	s7 =	smul.u32 @!p0 $0xF7A, s2;
	p2 =	seq.s32 @!p0 s5, $0x0  }
0x1f: {  	s9 =	smul.u32 $0xF7A, s1;
	s8 =	simm.s32 @!p0 $0x1BF5;
	p2 =	por !p2, p0  }
0x20: {  	[sflag:s8] =	ssyncset.s32 @!p0 $0xFFFFF086;
	s6 =	sadd.s32 @!p0 s3, s7;
	s7 =	simm.s32 @!p0 $0x108  }
0x21: {  	s3 =	sadd.s32 s3, s9;
	s6 =	sadd.s32 @!p0 $0x88, s6;
	s7 =	simm.s32 @p2 $0x1082  }
0x22: {  	[simem:s7], [sflag:s8] =	dma.local @!p0 [hbm:s6], $0xF7A  }
0x23: {  	s9 =	sor.u32 $0xD0000000, s2;
	s6 =	simm.s32 $0x108;
	_ =	swait.ge @!p0 [sflag:s8], $0x0  }
0x24: {  	s3 =	sadd.s32 $0x88, s3;
	s6 =	simm.s32 @!p1 $0x1082;
	[sflag:s4] =	ssyncset.s32 $0xFFFFF086  }
0x25: {  	[simem:s6], [sflag:s4] =	dma.local [hbm:s3], $0xF7A  }
0x26: {  	[smem:$0x3F8F] =	sst s1;
	(tag) =	ssettag s2;
	_ =	strace s9  }
0x27: {  	s1 =	sld [smem:$0x3F9F]  }
0x28: {  	s2 =	sld [smem:$0x3FA0]  }
0x29: {  	s4 =	sld [smem:$0x3FA2]  }
0x2a: {  	p0 =	seq.s32 s5, $0x0;
	s5 =	sld [smem:$0x3FA3]  }
0x2b: {  	s6 =	sld [smem:$0x3FA4]  }
0x2c: {  	s7 =	sld [smem:$0x3FA5]  }
0x2d: {  	s3 =	simm.s32 $0x108;
	s8 =	sld [smem:$0x3FA6]  }
0x2e: {  	s3 =	simm.s32 @!p0 $0x1082;
	s9 =	sld [smem:$0x3FA7]  }
0x2f: {  	lr =	sadd.s32 s0, s3;
	s0 =	sld [smem:$0x3F9E]  }
0x30: {  	s3 =	sld [smem:$0x3FA1]  }
0x31: {  	[smem:$0x3FAA] =	sst s10  }
0x32: {  	s10 =	sld [smem:$0x3FA8];
	_ =	sdelay $0x3  }
0x33: {  	p0 =	seq.s32 s10, $0x1;
	s10 =	sld [smem:$0x3FAA];
	_ =	sdelay $0x3  }
0x34: {  	[smem:$0x3FAA] =	sst s10  }
0x35: {  	s10 =	sld [smem:$0x3FA9];
	_ =	sdelay $0x3  }
0x36: {  	p1 =	seq.s32 s10, $0x1;
	s10 =	sld [smem:$0x3FAA];
	_ =	sdelay $0x3  }
0x37: {  	[smem:$0x3FAA] =	sst s10  }
0x38: {  	s10 =	sld [smem:$0x3FAB]  }
0x39: {  	_ = 	snop;
	(pc) =	sbr.ind lr, $3  }
0x3a: {  	_ = 	snop  }
0x3b: {  	_ = 	snop  }
0x3c: {  	p2 =	seq.s32 s10, $0x1;
	s10 =	sld [smem:$0x3FAA]  }
0x3d: {  	_ =	shalt  }
0x3e: {  	_ =	shalt  }
0x3f: {  	_ =	shalt  }
0x40: {  	_ =	shalt  }
0x41: {  	_ =	shalt  }
0x42: {  	_ =	shalt  }
0x43: {  	_ =	shalt  }
0x44: {  	_ =	shalt  }
0x45: {  	_ =	shalt  }
0x46: {  	_ =	shalt  }
0x47: {  	_ =	shalt  }
0x48: {  	_ =	shalt  }
0x49: {  	_ =	shalt  }
0x4a: {  	_ =	shalt  }
0x4b: {  	_ =	shalt  }
0x4c: {  	_ =	shalt  }
0x4d: {  	_ =	shalt  }
0x4e: {  	_ =	shalt  }
0x4f: {  	_ =	shalt  }
0x50: {  	_ =	shalt  }
0x51: {  	_ =	shalt  }
0x52: {  	_ =	shalt  }
0x53: {  	_ =	shalt  }
0x54: {  	_ =	shalt  }
0x55: {  	_ =	shalt  }
0x56: {  	_ =	shalt  }
0x57: {  	_ =	shalt  }
0x58: {  	_ =	shalt  }
0x59: {  	_ =	shalt  }
0x5a: {  	_ =	shalt  }
0x5b: {  	_ =	shalt  }
0x5c: {  	_ =	shalt  }
0x5d: {  	_ =	shalt  }
0x5e: {  	_ =	shalt  }
0x5f: {  	_ =	shalt  }
0x60: {  	_ =	shalt  }
0x61: {  	_ =	shalt  }
0x62: {  	_ =	shalt  }
0x63: {  	_ =	shalt  }
0x64: {  	_ =	shalt  }
0x65: {  	_ =	shalt  }
0x66: {  	_ =	shalt  }
0x67: {  	_ =	shalt  }
0x68: {  	_ =	shalt  }
0x69: {  	_ =	shalt  }
0x6a: {  	_ =	shalt  }
0x6b: {  	_ =	shalt  }
0x6c: {  	_ =	shalt  }
0x6d: {  	_ =	shalt  }
0x6e: {  	_ =	shalt  }
0x6f: {  	_ =	shalt  }
0x70: {  	_ =	shalt  }
0x71: {  	_ =	shalt  }
0x72: {  	_ =	shalt  }
0x73: {  	_ =	shalt  }
0x74: {  	_ =	shalt  }
0x75: {  	_ =	shalt  }
0x76: {  	_ =	shalt  }
0x77: {  	_ =	shalt  }
0x78: {  	_ =	shalt  }
0x79: {  	_ =	shalt  }
0x7a: {  	_ =	shalt  }
0x7b: {  	_ =	shalt  }
0x7c: {  	_ =	shalt  }
0x7d: {  	_ =	shalt  }
0x7e: {  	_ =	shalt  }
0x7f: {  	_ =	shalt  }
0x80: {  	_ =	shalt  }
0x81: {  	_ =	shalt  }
0x82: {  	_ =	shalt  }
0x83: {  	_ =	shalt  }
0x84: {  	_ =	shalt  }
0x85: {  	_ =	shalt  }
0x86: {  	_ =	shalt  }
0x87: {  	_ =	shalt  }
.Lfunc_end0:
.L_simem_size_0:
called_computation_lowered:
.L_overlay_start_0:
0x88: {  	s2 =	sld [smem:$0x3FD9]  }
0x89: {  	s3 =	sld [smem:$0x3FFE];
	_ =	sdelay $0x1  }
0x8a: {  	s1 =	srdreg.scid  }
0x8b: {  	s0 =	sand.u32 $0x1, s1  }
0x8c: {  	s17 =	sshll.u32 s0, $0xA;
	s2 =	sadd.s32 s3, s2  }
0x8d: {  	s2 =	sadd.s32 s2, s17  }
0x8e: {  	[smem:$0x3FB6] =	sst s2  }
0x8f: {  	_ = 	snop  }
0x90: {  	(tm) =	ssettm $0x1  }
0x91: {  	s18 =	sld [smem:$0x3FFB];
	_ =	sdelay $0x3  }
0x92: {  	_ =	strace s18  }
0x93: {  	s2 =	sld [smem:$0x3FFC];
	_ =	sdelay $0x3  }
0x94: {  	_ =	strace s2  }
0x95: {  	s2 =	sld [smem:$0x3FFD];
	_ =	sdelay $0x3  }
0x96: {  	_ =	strace s2  }
0x97: {  	_ =	strace $0x8FFFFFFF  }
0x98: {  	s19 =	sld [smem:$0x3FDB];
	_ =	sdelay $0x1  }
0x99: {  	s20 =	simm.s32 $_scs_section_size  }
0x9a: {  	s4 =	simm.s32 $_size__tile_overlayer_lowered;
	s5 =	simm.s32 $_tile_overlayer_lowered  }
0x9b: {  	s6 =	simm.s32 $0x1BFF;
	s21 =	sshll.u32 s5, $0x1;
	s3 =	sadd.s32 s20, s19  }
0x9c: {  	s22 =	simm.s32 $0x0;
	s4 =	sshll.u32 s4, $0x1;
	s5 =	sadd.s32 s21, s3  }
0x9d: {  	[timem:s22], [sflag:s6] =	dma.local [hbm:s5], s4  }
0x9e: {  	_ =	swait.ge [sflag:s6], s4  }
0x9f: {  	s4 =	ssub.s32 $0x0, s4;
	[sflag:s6] =	ssyncset.done $0x0  }
0xa0: {  	[sflag:s6] =	ssyncadd.s32 s4;
	_ =	sdelay $0x1  }
0xa1: {  	s23 =	simm.s32 $0x1B8B  }
0xa2: {  	_ =	swait.ge [sflag:s23], $0x1  }
0xa3: {  	[sflag:s23] =	ssyncset.done $0x0  }
0xa4: {  	[sflag:s23] =	ssyncadd.s32 $0xFFFFFFFF  }
0xa5: {  	s4 =	sld [smem:$0x0]  }
0xa6: {  	s5 =	sand.u32 $0xFFFFFFFE, s1  }
0xa7: {  	p0 =	sne.s32 s1, s5  }
0xa8: {  	s5 =	sshll.u32 @p0 s5, $0xE  }
0xa9: {  	s5 =	sadd.s32 @p0 $0x11B8D, s5;
	s6 =	sshll.u32 @p0 s4, $0x11  }
0xaa: {  	s5 =	sor.u32 @p0 s6, s5  }
0xab: {  	[sflag:s5] =	ssyncadd.remote.s32 @p0 $0x1;
	_ =	sdelay $0x1  }
0xac: {  	s5 =	simm.s32 @p0 $0x1B8D  }
0xad: {  	_ =	swait.eq @p0 [sflag:s5], $0x1  }
0xae: {  	[sflag:s5] =	ssyncadd.s32 @p0 $0xFFFFFFFF  }
0xaf: {  	s6 =	sshll.u32 @!p0 s1, $0xE  }
0xb0: {  	s6 =	sor.u32 @!p0 $0x4000, s6;
	s5 =	simm.s32 @!p0 $0x1B8D  }
0xb1: {  	s4 =	sshll.u32 @!p0 s4, $0x11;
	s6 =	sadd.s32 @!p0 $0x11B8D, s6;
	_ =	swait.eq @!p0 [sflag:s5], $0x1  }
0xb2: {  	s4 =	sor.u32 @!p0 s4, s6;
	[sflag:s5] =	ssyncadd.s32 @!p0 $0xFFFFFFFF  }
0xb3: {  	s25 =	simm.s32 $0x1B8E;
	s24 =	sld [smem:$0x3FFE];
	[sflag:s4] =	ssyncadd.remote.s32 @!p0 $0x1  }
0xb4: {  	s26 =	simm.s32 $execute0_lowered;
	[smem:$0x3FD2] =	sst s25  }
0xb5: {  	s5 =	sshll.u32 s26, $0x1;
	_ =	strace $0x8000004C;
	[dreg:$0x1] =	wrdreg $0xFFFFFFFF  }
0xb6: {  	s28 =	simm.s32 $_size_execute0_lowered;
	s3 =	sadd.s32 s3, s5;
	[dreg:$0x0] =	wrdreg $0x0  }
0xb7: {  	s5 =	sshll.u32 s28, $0x1;
	[dreg:$0x2] =	wrdreg s3  }
0xb8: {  	[dreg:$0x3] =	wrdreg s5  }
0xb9: {  	[dreg:$0x4] =	wrdreg $0xC0  }
0xba: {  	_ =	task [dreg:s22], $0x5FFFF  }
0xbb: {  	[dreg:$0x1] =	wrdreg $0xFFFFFFFF  }
0xbc: {  	[dreg:$0x0] =	wrdreg $0x60  }
0xbd: {  	[dreg:$0x2] =	wrdreg s24  }
0xbe: {  	[dreg:$0x3] =	wrdreg $0x9  }
0xbf: {  	_ =	task.clear_ibuf [dreg:s22], $0x4FFFF;
	_ =	strace $0x9000004C  }
0xc0: {  	s29 =	simm.s32 $0x9;
	_ =	strace $0x8000004E  }
0xc1: {  	_ =	swait.ge [sflag:s29], $0x1  }
0xc2: {  	[sflag:s29] =	ssyncadd.s32 $0xFFFFFFFF  }
0xc3: {  	_ =	strace $0x9000004E  }
0xc4: {  	_ =	sfence  }
0xc5: {  	s30 =	sld [smem:$0x0];
	_ =	sdelay $0x2  }
0xc6: {  	s31 =	sshll.u32 s1, $0xD;
	s1 =	sshrl.u32 s1, $0x2  }
0xc7: {  	s4 =	sand.u32 $0x4000, s31;
	s1 =	sadd.s32 s1, s30  }
0xc8: {  	s0 =	sor.u32 s4, s0;
	s1 =	sshll.u32 s1, $0x11  }
0xc9: {  	s0 =	sor.u32 s1, s0  }
0xca: {  	s0 =	sadd.s32 $0x8F2B, s0  }
0xcb: {  	[sflag:s0] =	ssyncadd.remote.s32 $0x1  }
0xcc: {  	_ =	sfence.sel $0xFFFF  }
0xcd: {  	[dreg:$0x0] =	wrdreg $0xFFFFFFFF;
	(pc) =	sbr.abs _section_cstart, $3  }
0xce: {  	[dreg:$0x1] =	wrdreg $0xFFFFFFFF  }
0xcf: {  	_ =	task.clear_ibuf [dreg:s22], $0x2FFFF;
	_ =	strace $0x9FFFFFFF  }
0xd0: {  	(tm) =	ssettm $0x7FFFFFFF  }
0xd1: {  	_ =	shalt  }
tec
execute0_lowered:
.L_overlay_start_1:
0x0: {  	(tag) =	ssettag $0x1  }
0x1: {  	s8 =	rddreg [dreg:$0x0]  }
0x2: {  	s0 =	rddreg [dreg:$0x1];
	_ =	strace $0x8000004D;
	s1 =	stileid.u32  }
0x3: {  	s3 =	srdreg.scid;
	s4 =	simm.s32 $0x1;
	s7 =	simm.s32 $0x1  }
0x4: {  	s9 =	simm.s32 $0x1;
	s10 =	simm.s32 $0x3;
	s13 =	simm.s32 $0x0  }
0x5: {  	s12 =	simm.s32 $0x0;
	s5 =	sand.u32 $0x1, s3;
	s6 =	sshll.u32 s1, $0x1  }
0x6: {  	s2 =	sadd.s32 $0xBA00, s8;
	s3 =	sadd.s32 $0x33200, s8;
	s5 =	sor.u32 s6, s5  }
.Ltmp0:
0x7: {  	[sflag:s4] =	ssyncpa.u1 $0x0;
	p0 =	slt.u32 s5, $0x9;
	(pc) =	sbr.rel .LBB2_1-.Ltmp0, $4  }
0x8: {  	s6 =	simm.s32 $0x2;
	s7 =	simm.s32 @!p0 $0x0;
	p0 =	sne.s32 s5, $0x8  }
0x9: {  	[sflag:s6] =	ssyncpa.u1 $0x0;
	s5 =	smul.u32 $0x1F40, s5;
	s9 =	simm.s32 @!p0 $0x0  }
0xa: {  	s8 =	sadd.s32 $0x5A800, s8;
	[sflag:s10] =	ssyncpa.u1 $0x0;
	s7 =	sadd.s32 s9, s7  }
0xb: {  	vm0 =	vmmov $0xffff;
	s10 =	simm.s32 $0x0;
	s11 =	smov.u32 s5;
	s9 =	sadd.s32 $0x1, s7  }
.LBB2_4:
0xc: {  	v2 =	vnsel vm1, $0x0, v2  }
0xd: {  	vm1 =	vgt.s32 v0, $0x0;
	v2 =	vmin.u32 v2, $0x4E1FF  }
0xe: {  	v0 =	vnsel vm1, $0x0, v0  }
0xf: {  	v0 =	vmin.u32 v0, $0x4E1FF  }
0x10: {  	[tilespmem:s18], [sflag:$0x1] =	stream.indirect_vreg.gather [hbm4b:s2+s10], $0x1, v1, vm0, $0x4038;
	[tilespmem:$0x7D00] =	vst v63  }
0x11: {  	(ifvalue) =	ssetifvalue $0x7FFFFFFF  }
0x12: {  	[tilespmem:s15], [sflag:$0x1] =	stream.indirect_vreg.gather [hbm4b:s2+s10], $0x1, v2, vm0, $0x4038;
	[tilespmem:$0x7D00] =	vst v63  }
0x13: {  	s29 =	sadd.s32 $0x10, s15;
	(ifvalue) =	ssetifvalue $0x7FFFFFFF  }
0x14: {  	[tilespmem:s29], [sflag:$0x1] =	stream.indirect_vreg.gather [hbm4b:s2+s10], $0x1, v0, vm0, $0x4038;
	[tilespmem:$0x7D00] =	vst v63  }
0x15: {  	_ =	swait.ge [sflag:s4], $0x1F40  }
0x16: {  	s30 =	sshrl.u32 s13, $0x3;
	[sflag:s4] =	ssyncset.done $0x0  }
0x17: {  	s31 =	sand.u32 $0x7, s13;
	s15 =	sadd.s32 s8, s30;
	[sflag:s4] =	ssyncadd.s32 $0xFFFFE0C0  }
0x18: {  	[hbm4b:s15+s31] =	stream.linear.scatter [tilespmem:s14], [sflag:$0x3], $0x1F40, $0x38;
	[tilespmem:$0x7D00] =	vst v63  }
.LBB2_5:
0x19: {  	s15 =	sadd.s32 $0x3E800, s11  }
0x1a: {  	p1 =	sgt.s32 s15, $0x4E1FF  }
0x1b: {  	s15 =	smov.u32 @p1 s5;
	p1 =	sne.s32 s12, s9  }
.Ltmp1:
0x1c: {  	p0 =	slt.u32 s12, $0x2;
	(pc) =	sbr.rel @!p1 .LBB2_6-.Ltmp1, $4  }
0x1d: {  	s14 =	simm.s32 @!p0 $0x3  }
0x1e: {  	_ =	swait.ge @!p0 [sflag:s14], $0x1F40  }
0x1f: {  	s16 =	sadd.s32 $0x1, s12;
	s13 =	smov.u32 s11;
	[sflag:s14] =	ssyncset.done @!p0 $0x0  }
0x20: {  	s12 =	smov.u32 s16;
	s11 =	smov.u32 s15;
	[sflag:s14] =	ssyncadd.s32 @!p0 $0xFFFFE0C0  }
.LBB2_1:
0x21: {  	p0 =	sge.u32 s12, s7  }
0x22: {  	s14 =	sxor.u32 @!p0 $0x1, s12  }
0x23: {  	s14 =	smul.u32 @!p0 $0x7D00, s14  }
0x24: {  	s31 =	sadd.s32 $0xFFFFFFFF, s12;
	s15 =	sshrl.u32 @!p0 s11, $0x3  }
0x25: {  	s16 =	sand.u32 @!p0 $0x7, s11;
	s15 =	sadd.s32 @!p0 s3, s15;
	s14 =	sshra.s32 @!p0 s14, $0x2  }
0x26: {  	[tilespmem:s14], [sflag:$0x2] =	stream.linear.gather @!p0 [hbm4b:s15+s16], $0x1F40, $0x38;
	[tilespmem:$0x7D00] =	vst v63  }
0x27: {  	p0 =	sge.u32 s31, s7  }
.Ltmp2:
0x28: {  	_ = 	snop;
	(pc) =	sbr.rel @p0 .LBB2_5-.Ltmp2, $1  }
0x29: {  	_ =	sdelay $0x3  }
0x2a: {  	s14 =	sand.u32 $0x1, s12  }
0x2b: {  	_ =	swait.ge [sflag:s6], $0x1F40;
	p0 =	seq.s32 s14, $0x1;
	s14 =	simm.s32 $0x1F40  }
0x2c: {  	[sflag:s6] =	ssyncset.done $0x0;
	s14 =	simm.s32 @!p0 $0x0  }
0x2d: {  	[sflag:s6] =	ssyncadd.s32 $0xFFFFE0C0;
	(ifvalue) =	ssetifvalue $0x7FFFFFFF;
	v0 =	vld.msk [tilespmem:s14+$0x0 ss:$0x1], $0xffff;
	_ =	sdelay $0x4  }
0x2e: {  	s15 =	sadd.s32 $0x10, s14;
	vm1 =	vgt.s32 v0, $0x0  }
0x2f: {  	v2 =	vld.msk [tilespmem:s15+$0x0 ss:$0x1], $0xffff;
	v1 =	vnsel vm1, $0x0, v0  }
0x30: {  	v1 =	vmin.u32 v1, $0x4E1FF;
	_ =	sdelay $0x2  }
0x31: {  	s17 =	simm.s32 $0x20;
	s14 =	sadd.s32 $0x3E80, s14;
	s16 =	sadd.s32 $0x10, s15  }
0x32: {  	s15 =	sadd.s32 $0x10, s14;
	s18 =	smov.u32 s14;
	v0 =	vld.msk [tilespmem:s16+$0x0 ss:$0x1], $0xffff;
	vm1 =	vgt.s32 v2, $0x0;
	(ifvalue) =	ssetifvalue $0x7FFFFFFF  }
.LBB2_3:
0x33: {  	[tilespmem:s18], [sflag:$0x1] =	stream.indirect_vreg.gather [hbm4b:s2+s10], $0x1, v1, vm0, $0x4038;
	[tilespmem:$0x7D00] =	vst v63  }
0x34: {  	s17 =	sadd.s32 $0x10, s17  }
0x35: {  	v2 =	vnsel vm1, $0x0, v2;
	p0 =	slt.u32 s17, $0x1F30  }
.Ltmp3:
0x36: {  	s18 =	smov.u32 s15;
	v1 =	vmin.u32 v2, $0x4E1FF;
	(pc) =	sbr.rel @p0 .LBB2_3-.Ltmp3, $3  }
0x37: {  	_ =	sdelay $0x1  }
0x38: {  	s16 =	sadd.s32 $0x10, s16  }
0x39: {  	vm1 =	vgt.s32 v0, $0x0;
	s15 =	sadd.s32 $0x10, s15;
	v2 =	vmov v0;
	(ifvalue) =	ssetifvalue $0x7FFFFFFF;
	v0 =	vld.msk [tilespmem:s16+$0x0 ss:$0x1], $0xffff  }
.Ltmp4:
0x3a: {  	_ = 	snop;
	(pc) =	sbr.rel .LBB2_4-.Ltmp4, $1  }
0x3b: {  	_ =	sdelay $0x3  }
.LBB2_6:
0x3c: {  	_ =	sfence.sel $0x180000  }
0x3d: {  	s2 =	simm.s32 $0x2;
	[bflag:$0x0] =	sbarrier.arrive $0xFFFF  }
0x3e: {  	s30 =	simm.s32 $0x3;
	[sflag:s2] =	ssyncpa.u1 $0x1  }
0x3f: {  	s31 =	simm.s32 $0x1;
	[sflag:s30] =	ssyncpa.u1 $0x1  }
0x40: {  	[sflag:s31] =	ssyncpa.u1 $0x1  }
0x41: {  	p0 =	sne.s32 s1, $0x0;
	_ =	strace $0x9000004D  }
0x42: {  	s0 =	sadd.s32 @!p0 $0x100000, s0;
	[bflag:$0x2] =	sbarrier.arrive $0xFFFF  }
0x43: {  	[sflag:s0] =	ssyncadd.tile.s32 @!p0 $0x1;
	_ =	shalt  }
.Lfunc_end2:
_tile_overlayer_lowered:
.L_overlay_start_2:
0x44: {  	(tag) =	ssettag $0x2  }
0x45: {  	s0 =	rddreg [dreg:$0x0];
	s2 =	stileid.u32  }
0x46: {  	s1 =	rddreg [dreg:$0x1];
	p0 =	sne.s32 s2, $0x0  }
0x47: {  	s3 =	rddreg [dreg:$0x2];
	[bflag:$0x3] =	sbarrier.arrive $0xFFFF;
	s2 =	simm.s32 @!p0 $0x1C01  }
0x48: {  	[timem:s3], [sflag:s2] =	dma.local @!p0 [hbm:s0], s1  }
0x49: {  	s0 =	simm.s32 @!p0 $0x1  }
0x4a: {  	_ =	swait.ge @!p0 [sflag:s0], s1  }
0x4b: {  	s1 =	ssub.s32 @!p0 $0x0, s1;
	[sflag:s0] =	ssyncset.done @!p0 $0x0  }
0x4c: {  	[sflag:s0] =	ssyncadd.s32 @!p0 s1  }
0x4d: {  	[bflag:$0x3] =	sbarrier.arrive $0xFFFF  }
0x4e: {  	_ =	shalt  }

// kernel: kernel.11.cloned.1.call-start
scs
__scs_entry_jumppad:
0x0: {  	(pc) =	sbr.rel $0x88, $3  }
0x1: {  	(tag) =	ssettag $0x0;
	lr =	simm.s32 $0x1  }
0x2: {  	[smem:$0x3F8F] =	sst lr;
	_ =	strace $0xD0000000  }
0x3: {  	_ = 	snop  }
0x4: {  	_ = 	snop  }
0x5: {  	_ = 	snop  }
0x6: {  	_ = 	snop  }
0x7: {  	_ = 	snop  }
__scs_overlays_trampoline_lowered:
0x8: {  	[smem:$0x3F9E] =	sst s0  }
0x9: {  	[smem:$0x3F9F] =	sst s1  }
0xa: {  	[smem:$0x3FA0] =	sst s2  }
0xb: {  	[smem:$0x3FA1] =	sst s3  }
0xc: {  	[smem:$0x3FA2] =	sst s4  }
0xd: {  	[smem:$0x3FA3] =	sst s5  }
0xe: {  	[smem:$0x3FA4] =	sst s6  }
0xf: {  	[smem:$0x3FA5] =	sst s7  }
0x10: {  	[smem:$0x3FA6] =	sst s8  }
0x11: {  	[smem:$0x3FA7] =	sst s9;
	s0 =	simm.s32 @!p0 $0x0  }
0x12: {  	s1 =	sld [smem:$0x3F8D];
	s0 =	simm.s32 @p0 $0x1  }
0x13: {  	[smem:$0x3FA8] =	sst s0;
	s0 =	simm.s32 @!p1 $0x0  }
0x14: {  	s2 =	sld [smem:$0x3F8C];
	s0 =	simm.s32 @p1 $0x1  }
0x15: {  	[smem:$0x3FA9] =	sst s0;
	s0 =	simm.s32 @!p2 $0x0  }
0x16: {  	s3 =	sld [smem:$0x3FDB];
	s0 =	simm.s32 @p2 $0x1  }
0x17: {  	s4 =	simm.s32 $0x1BF5;
	[smem:$0x3FAB] =	sst s0  }
0x18: {  	s0 =	sld [smem:$0x3F8E];
	_ =	swait.ge [sflag:s4], $0x0  }
0x19: {  	s7 =	sld [smem:$0x3F8F]  }
0x1a: {  	s8 =	sadd.s32 $0xFFFFE003, lr  }
0x1b: {  	s9 =	sadd.s32 $0xFFFFFEF7, lr;
	s5 =	simm.s32 $0xFFFFFFFF;
	p2 =	slt.u32 s8, $0xFFFFF086  }
0x1c: {  	p1 =	slt.u32 s9, $0xF7A;
	s5 =	simm.s32 @!p2 $0x0  }
0x1d: {  	s5 =	simm.s32 @p1 $0x1;
	p0 =	seq.s32 s7, s2  }
0x1e: {  	s7 =	smul.u32 @!p0 $0xF7A, s2;
	p2 =	seq.s32 @!p0 s5, $0x0  }
0x1f: {  	s9 =	smul.u32 $0xF7A, s1;
	s8 =	simm.s32 @!p0 $0x1BF5;
	p2 =	por !p2, p0  }
0x20: {  	[sflag:s8] =	ssyncset.s32 @!p0 $0xFFFFF086;
	s6 =	sadd.s32 @!p0 s3, s7;
	s7 =	simm.s32 @!p0 $0x108  }
0x21: {  	s3 =	sadd.s32 s3, s9;
	s6 =	sadd.s32 @!p0 $0x88, s6;
	s7 =	simm.s32 @p2 $0x1082  }
0x22: {  	[simem:s7], [sflag:s8] =	dma.local @!p0 [hbm:s6], $0xF7A  }
0x23: {  	s9 =	sor.u32 $0xD0000000, s2;
	s6 =	simm.s32 $0x108;
	_ =	swait.ge @!p0 [sflag:s8], $0x0  }
0x24: {  	s3 =	sadd.s32 $0x88, s3;
	s6 =	simm.s32 @!p1 $0x1082;
	[sflag:s4] =	ssyncset.s32 $0xFFFFF086  }
0x25: {  	[simem:s6], [sflag:s4] =	dma.local [hbm:s3], $0xF7A  }
0x26: {  	[smem:$0x3F8F] =	sst s1;
	(tag) =	ssettag s2;
	_ =	strace s9  }
0x27: {  	s1 =	sld [smem:$0x3F9F]  }
0x28: {  	s2 =	sld [smem:$0x3FA0]  }
0x29: {  	s4 =	sld [smem:$0x3FA2]  }
0x2a: {  	p0 =	seq.s32 s5, $0x0;
	s5 =	sld [smem:$0x3FA3]  }
0x2b: {  	s6 =	sld [smem:$0x3FA4]  }
0x2c: {  	s7 =	sld [smem:$0x3FA5]  }
0x2d: {  	s3 =	simm.s32 $0x108;
	s8 =	sld [smem:$0x3FA6]  }
0x2e: {  	s3 =	simm.s32 @!p0 $0x1082;
	s9 =	sld [smem:$0x3FA7]  }
0x2f: {  	lr =	sadd.s32 s0, s3;
	s0 =	sld [smem:$0x3F9E]  }
0x30: {  	s3 =	sld [smem:$0x3FA1]  }
0x31: {  	[smem:$0x3FAA] =	sst s10  }
0x32: {  	s10 =	sld [smem:$0x3FA8];
	_ =	sdelay $0x3  }
0x33: {  	p0 =	seq.s32 s10, $0x1;
	s10 =	sld [smem:$0x3FAA];
	_ =	sdelay $0x3  }
0x34: {  	[smem:$0x3FAA] =	sst s10  }
0x35: {  	s10 =	sld [smem:$0x3FA9];
	_ =	sdelay $0x3  }
0x36: {  	p1 =	seq.s32 s10, $0x1;
	s10 =	sld [smem:$0x3FAA];
	_ =	sdelay $0x3  }
0x37: {  	[smem:$0x3FAA] =	sst s10  }
0x38: {  	s10 =	sld [smem:$0x3FAB]  }
0x39: {  	_ = 	snop;
	(pc) =	sbr.ind lr, $3  }
0x3a: {  	_ = 	snop  }
0x3b: {  	_ = 	snop  }
0x3c: {  	p2 =	seq.s32 s10, $0x1;
	s10 =	sld [smem:$0x3FAA]  }
0x3d: {  	_ =	shalt  }
0x3e: {  	_ =	shalt  }
0x3f: {  	_ =	shalt  }
0x40: {  	_ =	shalt  }
0x41: {  	_ =	shalt  }
0x42: {  	_ =	shalt  }
0x43: {  	_ =	shalt  }
0x44: {  	_ =	shalt  }
0x45: {  	_ =	shalt  }
0x46: {  	_ =	shalt  }
0x47: {  	_ =	shalt  }
0x48: {  	_ =	shalt  }
0x49: {  	_ =	shalt  }
0x4a: {  	_ =	shalt  }
0x4b: {  	_ =	shalt  }
0x4c: {  	_ =	shalt  }
0x4d: {  	_ =	shalt  }
0x4e: {  	_ =	shalt  }
0x4f: {  	_ =	shalt  }
0x50: {  	_ =	shalt  }
0x51: {  	_ =	shalt  }
0x52: {  	_ =	shalt  }
0x53: {  	_ =	shalt  }
0x54: {  	_ =	shalt  }
0x55: {  	_ =	shalt  }
0x56: {  	_ =	shalt  }
0x57: {  	_ =	shalt  }
0x58: {  	_ =	shalt  }
0x59: {  	_ =	shalt  }
0x5a: {  	_ =	shalt  }
0x5b: {  	_ =	shalt  }
0x5c: {  	_ =	shalt  }
0x5d: {  	_ =	shalt  }
0x5e: {  	_ =	shalt  }
0x5f: {  	_ =	shalt  }
0x60: {  	_ =	shalt  }
0x61: {  	_ =	shalt  }
0x62: {  	_ =	shalt  }
0x63: {  	_ =	shalt  }
0x64: {  	_ =	shalt  }
0x65: {  	_ =	shalt  }
0x66: {  	_ =	shalt  }
0x67: {  	_ =	shalt  }
0x68: {  	_ =	shalt  }
0x69: {  	_ =	shalt  }
0x6a: {  	_ =	shalt  }
0x6b: {  	_ =	shalt  }
0x6c: {  	_ =	shalt  }
0x6d: {  	_ =	shalt  }
0x6e: {  	_ =	shalt  }
0x6f: {  	_ =	shalt  }
0x70: {  	_ =	shalt  }
0x71: {  	_ =	shalt  }
0x72: {  	_ =	shalt  }
0x73: {  	_ =	shalt  }
0x74: {  	_ =	shalt  }
0x75: {  	_ =	shalt  }
0x76: {  	_ =	shalt  }
0x77: {  	_ =	shalt  }
0x78: {  	_ =	shalt  }
0x79: {  	_ =	shalt  }
0x7a: {  	_ =	shalt  }
0x7b: {  	_ =	shalt  }
0x7c: {  	_ =	shalt  }
0x7d: {  	_ =	shalt  }
0x7e: {  	_ =	shalt  }
0x7f: {  	_ =	shalt  }
0x80: {  	_ =	shalt  }
0x81: {  	_ =	shalt  }
0x82: {  	_ =	shalt  }
0x83: {  	_ =	shalt  }
0x84: {  	_ =	shalt  }
0x85: {  	_ =	shalt  }
0x86: {  	_ =	shalt  }
0x87: {  	_ =	shalt  }
.Lfunc_end0:
.L_simem_size_0:
called_computation.4_lowered:
.L_overlay_start_0:
0x88: {  	s2 =	sld [smem:$0x3FD9]  }
0x89: {  	s3 =	sld [smem:$0x3FFE];
	_ =	sdelay $0x1  }
0x8a: {  	s1 =	srdreg.scid  }
0x8b: {  	s0 =	sand.u32 $0x1, s1  }
0x8c: {  	s16 =	sshll.u32 s0, $0xA;
	s2 =	sadd.s32 s3, s2  }
0x8d: {  	s2 =	sadd.s32 s2, s16  }
0x8e: {  	[smem:$0x3FB6] =	sst s2  }
0x8f: {  	_ = 	snop  }
0x90: {  	(tm) =	ssettm $0x1  }
0x91: {  	s17 =	sld [smem:$0x3FFB];
	_ =	sdelay $0x3  }
0x92: {  	_ =	strace s17  }
0x93: {  	s2 =	sld [smem:$0x3FFC];
	_ =	sdelay $0x3  }
0x94: {  	_ =	strace s2  }
0x95: {  	s2 =	sld [smem:$0x3FFD];
	_ =	sdelay $0x3  }
0x96: {  	_ =	strace s2  }
0x97: {  	_ =	strace $0x8FFFFFFF  }
0x98: {  	s18 =	sld [smem:$0x3FDB];
	_ =	sdelay $0x1  }
0x99: {  	s19 =	simm.s32 $_scs_section_size  }
0x9a: {  	s4 =	simm.s32 $_size__tile_overlayer_lowered;
	s5 =	simm.s32 $_tile_overlayer_lowered  }
0x9b: {  	s22 =	simm.s32 $0x1BFF;
	s21 =	sshll.u32 s5, $0x1;
	s2 =	sadd.s32 s19, s18  }
0x9c: {  	s6 =	simm.s32 $0x0;
	s20 =	sshll.u32 s4, $0x1;
	s4 =	sadd.s32 s21, s2  }
0x9d: {  	[timem:s6], [sflag:s22] =	dma.local [hbm:s4], s20  }
0x9e: {  	_ =	swait.ge [sflag:s22], s20  }
0x9f: {  	s3 =	ssub.s32 $0x0, s20;
	[sflag:s22] =	ssyncset.done $0x0  }
0xa0: {  	[sflag:s22] =	ssyncadd.s32 s3;
	_ =	sdelay $0x1  }
0xa1: {  	s23 =	simm.s32 $0x1B8B  }
0xa2: {  	_ =	swait.ge [sflag:s23], $0x1  }
0xa3: {  	[sflag:s23] =	ssyncset.done $0x0  }
0xa4: {  	s25 =	simm.s32 $0x1B8E;
	s24 =	sld [smem:$0x3FFE];
	[sflag:s23] =	ssyncadd.s32 $0xFFFFFFFF  }
0xa5: {  	s26 =	simm.s32 $execute0_lowered;
	[smem:$0x3FD2] =	sst s25  }
0xa6: {  	s4 =	sshll.u32 s26, $0x1;
	_ =	strace $0x80000052;
	[dreg:$0x1] =	wrdreg $0xFFFFFFFF  }
0xa7: {  	s28 =	simm.s32 $_size_execute0_lowered;
	s2 =	sadd.s32 s2, s4;
	[dreg:$0x0] =	wrdreg $0x0  }
0xa8: {  	s4 =	sshll.u32 s28, $0x1;
	[dreg:$0x2] =	wrdreg s2  }
0xa9: {  	[dreg:$0x3] =	wrdreg s4  }
0xaa: {  	[dreg:$0x4] =	wrdreg $0xC0  }
0xab: {  	_ =	task [dreg:s6], $0x5FFFF  }
0xac: {  	[dreg:$0x1] =	wrdreg $0xFFFFFFFF  }
0xad: {  	[dreg:$0x0] =	wrdreg $0x60  }
0xae: {  	[dreg:$0x2] =	wrdreg s24  }
0xaf: {  	[dreg:$0x3] =	wrdreg $0x9  }
0xb0: {  	_ =	task.clear_ibuf [dreg:s6], $0x4FFFF;
	_ =	strace $0x90000052  }
0xb1: {  	s29 =	simm.s32 $0x9;
	_ =	strace $0x80000054  }
0xb2: {  	_ =	swait.ge [sflag:s29], $0x1  }
0xb3: {  	[sflag:s29] =	ssyncadd.s32 $0xFFFFFFFF  }
0xb4: {  	_ =	strace $0x90000054  }
0xb5: {  	_ =	sfence  }
0xb6: {  	s30 =	sld [smem:$0x0];
	_ =	sdelay $0x2  }
0xb7: {  	s31 =	sshll.u32 s1, $0xD;
	s1 =	sshrl.u32 s1, $0x2  }
0xb8: {  	s3 =	sand.u32 $0x4000, s31;
	s1 =	sadd.s32 s1, s30  }
0xb9: {  	s0 =	sor.u32 s3, s0;
	s1 =	sshll.u32 s1, $0x11  }
0xba: {  	s0 =	sor.u32 s1, s0  }
0xbb: {  	s0 =	sadd.s32 $0x8F2B, s0  }
0xbc: {  	[sflag:s0] =	ssyncadd.remote.s32 $0x1  }
0xbd: {  	_ =	sfence.sel $0xFFFF  }
0xbe: {  	[dreg:$0x0] =	wrdreg $0xFFFFFFFF;
	(pc) =	sbr.abs _section_cstart, $3  }
0xbf: {  	[dreg:$0x1] =	wrdreg $0xFFFFFFFF  }
0xc0: {  	_ =	task.clear_ibuf [dreg:s6], $0x2FFFF;
	_ =	strace $0x9FFFFFFF  }
0xc1: {  	(tm) =	ssettm $0x7FFFFFFF  }
tec
execute0_lowered:
.L_overlay_start_1:
0x0: {  	(tag) =	ssettag $0x1  }
0x1: {  	s9 =	rddreg [dreg:$0x0]  }
0x2: {  	s0 =	rddreg [dreg:$0x1];
	s1 =	simm.s32 $0x0  }
0x3: {  	s2 =	srdreg.scid;
	s14 =	simm.s32 $0x100;
	s15 =	simm.s32 $0x50  }
0x4: {  	s16 =	simm.s32 $0x180;
	s17 =	simm.s32 $0x2980;
	s18 =	simm.s32 $0x5180  }
0x5: {  	s19 =	simm.s32 $0x1;
	s20 =	simm.s32 $0x2;
	s21 =	simm.s32 $0x3  }
0x6: {  	s22 =	simm.s32 $0x0;
	[smem:$0x7FF] =	sst s1;
	s3 =	sadd.s32 $0x1F600, s9  }
0x7: {  	s4 =	sadd.s32 $0x64600, s9;
	s7 =	sand.u32 $0x1, s2;
	s5 =	sadd.s32 $0x46E00, s9  }
0x8: {  	s2 =	stileid.u32;
	s6 =	sadd.s32 $0x127600, s9;
	s10 =	smul.u32 $0x4E200, s7  }
0x9: {  	s8 =	sadd.s32 $0x1393A00, s9;
	s11 =	ssub.s32 $0x2, s7;
	s12 =	smul.u32 $0x4E20, s2  }
0xa: {  	_ =	strace $0x80000053;
	s7 =	sadd.s32 $0xD9400, s9;
	s13 =	sshrl.u32 s11, $0x1  }
0xb: {  	s9 =	sadd.s32 $0x175800, s9;
	s11 =	ssub.s32 s11, s13;
	s10 =	sadd.s32 s12, s10  }
0xc: {  	s12 =	simm.s32 $0x4;
	s13 =	simm.s32 $0x80;
	s11 =	smax.u32 s11, $0x1  }
.LBB2_1:
0xd: {  	s23 =	simm.s32 $0x0  }
.LBB2_2:
0xe: {  	s24 =	smul.u32 $0x50, s23;
	_ =	sdelay $0x1  }
0xf: {  	s24 =	sadd.s32 s24, s10  }
0x10: {  	s25 =	sshrl.u32 s24, $0x3  }
0x11: {  	s28 =	simm.s32 $0x0;
	s26 =	sadd.s32 s3, s25  }
0x12: {  	[tilespmem:s28], [sflag:$0x4] =	stream.linear.gather [hbm4b:s26+s28], $0x50, $0x38;
	[tilespmem:$0x7980] =	vst v63  }
0x13: {  	_ =	swait.ge [sflag:s12], $0x50  }
0x14: {  	[sflag:s12] =	ssyncset.done $0x0  }
0x15: {  	s31 =	sadd.s32 s4, s25;
	[sflag:s12] =	ssyncadd.s32 $0xFFFFFFB0  }
0x16: {  	[tilespmem:s13], [sflag:$0x4] =	stream.linear.gather [hbm4b:s31+s28], $0x50, $0x38;
	[tilespmem:$0x7980] =	vst v63  }
0x17: {  	_ =	swait.ge [sflag:s12], $0x50  }
0x18: {  	[sflag:s12] =	ssyncset.done $0x0  }
0x19: {  	s25 =	sadd.s32 s5, s25;
	[sflag:s12] =	ssyncadd.s32 $0xFFFFFFB0  }
0x1a: {  	[tilespmem:s14], [sflag:$0x4] =	stream.linear.gather [hbm4b:s25+s28], $0x50, $0x38;
	[tilespmem:$0x7980] =	vst v63  }
0x1b: {  	_ =	swait.ge [sflag:s12], $0x50  }
0x1c: {  	[sflag:s12] =	ssyncset.done $0x0  }
0x1d: {  	[sflag:s12] =	ssyncadd.s32 $0xFFFFFFB0  }
0x1e: {  	[tilespmem:s16], [sflag:$0x1] =	stream.indirect.gather [hbm4b:s6+s15], $0x80, s28, s15, $0xb8;
	[tilespmem:$0x7980] =	vst v63  }
0x1f: {  	_ = 	snop  }
0x20: {  	[tilespmem:s17], [sflag:$0x2] =	stream.indirect.gather [hbm4b:s7+s15], $0x80, s13, s15, $0xb8;
	[tilespmem:$0x7980] =	vst v63  }
0x21: {  	_ = 	snop  }
0x22: {  	[tilespmem:s18], [sflag:$0x3] =	stream.indirect.gather [hbm4b:s8+s15], $0x80, s14, s15, $0xb8;
	[tilespmem:$0x7980] =	vst v63  }
0x23: {  	_ =	swait.ge [sflag:s19], $0x2800  }
0x24: {  	[sflag:s19] =	ssyncset.done $0x0  }
0x25: {  	[sflag:s19] =	ssyncadd.s32 $0xFFFFD800  }
0x26: {  	_ =	swait.ge [sflag:s20], $0x2800  }
0x27: {  	[sflag:s20] =	ssyncset.done $0x0  }
0x28: {  	[sflag:s20] =	ssyncadd.s32 $0xFFFFD800  }
0x29: {  	_ =	swait.ge [sflag:s21], $0x2800  }
0x2a: {  	[sflag:s21] =	ssyncset.done $0x0  }
0x2b: {  	s25 =	simm.s32 $0x0;
	[sflag:s21] =	ssyncadd.s32 $0xFFFFD800  }
0x2c: {  	v5 =	vld [tilespmem:s25+$0x5180]  }
0x2d: {  	v4 =	vld [tilespmem:s25+$0x5190]  }
0x2e: {  	v3 =	vld [tilespmem:s25+$0x51A0]  }
0x2f: {  	v2 =	vld [tilespmem:s25+$0x51B0]  }
0x30: {  	v1 =	vld [tilespmem:s25+$0x51C0]  }
0x31: {  	v0 =	vld [tilespmem:s25+$0x51D0]  }
0x32: {  	v12 =	vld [tilespmem:s25+$0x2980]  }
0x33: {  	v17 =	vld [tilespmem:s25+$0x2990]  }
0x34: {  	v11 =	vld [tilespmem:s25+$0x29A0]  }
0x35: {  	v10 =	vld [tilespmem:s25+$0x29B0]  }
0x36: {  	v9 =	vld [tilespmem:s25+$0x29C0]  }
0x37: {  	v8 =	vld [tilespmem:s25+$0x29D0]  }
0x38: {  	v7 =	vld [tilespmem:s25+$0x29E0]  }
0x39: {  	v6 =	vld [tilespmem:s25+$0x29F0]  }
0x3a: {  	v18 =	vld [tilespmem:s25+$0x180]  }
0x3b: {  	v19 =	vld [tilespmem:s25+$0x190]  }
0x3c: {  	v16 =	vld [tilespmem:s25+$0x1A0]  }
0x3d: {  	v15 =	vld [tilespmem:s25+$0x1B0]  }
0x3e: {  	v14 =	vld [tilespmem:s25+$0x1C0]  }
0x3f: {  	v13 =	vld [tilespmem:s25+$0x1D0];
	v18 =	vadd.f32 v12, v18  }
0x40: {  	s26 =	simm.s32 $0x200;
	v17 =	vadd.f32 v17, v19;
	v12 =	vld [tilespmem:s25+$0x1E0]  }
.LBB2_3:
0x41: {  	p0 =	sne.s32 s26, $0x9E00;
	v5 =	vadd.f32 v5, v18;
	v11 =	vadd.f32 v11, v16;
	v16 =	vld [tilespmem:s25+$0x1F0]  }
0x42: {  	v4 =	vadd.f32 v4, v17;
	v10 =	vadd.f32 v10, v15;
	v15 =	vld [tilespmem:s25+$0x51E0]  }
0x43: {  	s28 =	sshra.s32 s26, $0x2;
	[tilespmem:s25+$0x180] =	vst v5;
	v3 =	vadd.f32 v3, v11;
	v9 =	vadd.f32 v9, v14;
	v11 =	vld [tilespmem:s25+$0x51F0]  }
0x44: {  	v5 =	vld [tilespmem:s28+$0x5180];
	[tilespmem:s25+$0x190] =	vst v4;
	v2 =	vadd.f32 v2, v10;
	v8 =	vadd.f32 v8, v13  }
0x45: {  	v4 =	vld [tilespmem:s28+$0x5190];
	[tilespmem:s25+$0x1A0] =	vst v3;
	v1 =	vadd.f32 v1, v9;
	v7 =	vadd.f32 v7, v12  }
0x46: {  	v3 =	vld [tilespmem:s28+$0x51A0];
	[tilespmem:s25+$0x1B0] =	vst v2;
	v0 =	vadd.f32 v0, v8;
	v6 =	vadd.f32 v6, v16  }
0x47: {  	v2 =	vld [tilespmem:s28+$0x51B0];
	[tilespmem:s25+$0x1C0] =	vst v1;
	v7 =	vadd.f32 v15, v7  }
0x48: {  	v1 =	vld [tilespmem:s28+$0x51C0];
	[tilespmem:s25+$0x1D0] =	vst v0;
	v6 =	vadd.f32 v11, v6  }
0x49: {  	v0 =	vld [tilespmem:s28+$0x51D0];
	[tilespmem:s25+$0x1E0] =	vst v7  }
0x4a: {  	v12 =	vld [tilespmem:s28+$0x2980];
	[tilespmem:s25+$0x1F0] =	vst v6;
	s25 =	smov.u32 s28  }
0x4b: {  	v17 =	vld [tilespmem:s25+$0x2990]  }
0x4c: {  	v11 =	vld [tilespmem:s25+$0x29A0]  }
0x4d: {  	v10 =	vld [tilespmem:s25+$0x29B0]  }
0x4e: {  	v9 =	vld [tilespmem:s25+$0x29C0]  }
0x4f: {  	v8 =	vld [tilespmem:s25+$0x29D0]  }
0x50: {  	v7 =	vld [tilespmem:s25+$0x29E0]  }
0x51: {  	v6 =	vld [tilespmem:s25+$0x29F0]  }
0x52: {  	v13 =	vld [tilespmem:s25+$0x180]  }
0x53: {  	v19 =	vld [tilespmem:s25+$0x190]  }
.Ltmp0:
0x54: {  	v16 =	vld [tilespmem:s25+$0x1A0];
	(pc) =	sbr.rel @p0 .LBB2_3-.Ltmp0, $4  }
0x55: {  	v15 =	vld [tilespmem:s25+$0x1B0]  }
0x56: {  	v14 =	vld [tilespmem:s25+$0x1C0]  }
0x57: {  	v18 =	vadd.f32 v12, v13;
	v13 =	vld [tilespmem:s25+$0x1D0]  }
0x58: {  	s26 =	sadd.s32 $0x200, s26;
	v17 =	vadd.f32 v17, v19;
	v12 =	vld [tilespmem:s25+$0x1E0]  }
0x59: {  	v5 =	vadd.f32 v5, v18;
	v55 =	vld [tilespmem:s25+$0x1F0];
	v11 =	vadd.f32 v11, v16  }
0x5a: {  	v56 =	vld [tilespmem:s25+$0x51E0];
	v4 =	vadd.f32 v4, v17;
	v10 =	vadd.f32 v10, v15  }
0x5b: {  	v58 =	vld [tilespmem:s25+$0x51F0];
	[tilespmem:s25+$0x180] =	vst v5;
	v3 =	vadd.f32 v3, v11;
	v57 =	vadd.f32 v9, v14  }
0x5c: {  	[tilespmem:s25+$0x190] =	vst v4;
	v2 =	vadd.f32 v2, v10;
	v59 =	vadd.f32 v8, v13  }
0x5d: {  	[tilespmem:s25+$0x1A0] =	vst v3;
	v1 =	vadd.f32 v1, v57;
	v60 =	vadd.f32 v7, v12  }
0x5e: {  	[tilespmem:s25+$0x1B0] =	vst v2;
	v0 =	vadd.f32 v0, v59;
	v61 =	vadd.f32 v6, v55  }
0x5f: {  	[tilespmem:s25+$0x1C0] =	vst v1;
	v62 =	vadd.f32 v56, v60  }
0x60: {  	s23 =	sadd.s32 $0x1, s23;
	[tilespmem:s25+$0x1D0] =	vst v0;
	v63 =	vadd.f32 v58, v61  }
0x61: {  	s24 =	sshll.u32 s24, $0x4;
	p0 =	sne.s32 s23, $0xFA;
	[tilespmem:s25+$0x1E0] =	vst v62  }
.Ltmp1:
0x62: {  	s24 =	sadd.s32 s9, s24;
	[tilespmem:s25+$0x1F0] =	vst v63;
	(pc) =	sbr.rel @p0 .LBB2_2-.Ltmp1, $4  }
0x63: {  	[hbm4b:s24+s1] =	stream.linear.scatter [tilespmem:s16], [sflag:$0x4], $0x2800, $0x38;
	[tilespmem:$0x7980] =	vst v63  }
0x64: {  	_ =	swait.ge [sflag:s12], $0x2800  }
0x65: {  	[sflag:s12] =	ssyncset.done $0x0  }
0x66: {  	[sflag:s12] =	ssyncadd.s32 $0xFFFFD800  }
0x67: {  	s22 =	sadd.s32 $0x1, s22  }
0x68: {  	p0 =	sne.s32 s22, s11  }
.Ltmp2:
0x69: {  	_ = 	snop;
	(pc) =	sbr.rel @p0 .LBB2_1-.Ltmp2, $1  }
0x6a: {  	_ =	sdelay $0x3  }
0x6b: {  	_ =	sfence.sel $0x180000  }
0x6c: {  	[bflag:$0x0] =	sbarrier.arrive $0xFFFF  }
0x6d: {  	p0 =	sne.s32 s2, $0x0;
	_ =	strace $0x90000053  }
0x6e: {  	s0 =	sadd.s32 @!p0 $0x100000, s0;
	[bflag:$0x2] =	sbarrier.arrive $0xFFFF  }
0x6f: {  	[sflag:s0] =	ssyncadd.tile.s32 @!p0 $0x1;
	_ =	shalt  }
.Lfunc_end2:
_tile_overlayer_lowered:
.L_overlay_start_2:
0x70: {  	(tag) =	ssettag $0x2  }
0x71: {  	s0 =	rddreg [dreg:$0x0];
	s2 =	stileid.u32  }
0x72: {  	s1 =	rddreg [dreg:$0x1];
	p0 =	sne.s32 s2, $0x0  }
0x73: {  	s3 =	rddreg [dreg:$0x2];
	[bflag:$0x3] =	sbarrier.arrive $0xFFFF;
	s2 =	simm.s32 @!p0 $0x1C04  }
0x74: {  	[timem:s3], [sflag:s2] =	dma.local @!p0 [hbm:s0], s1  }
0x75: {  	s0 =	simm.s32 @!p0 $0x4  }
0x76: {  	_ =	swait.ge @!p0 [sflag:s0], s1  }
0x77: {  	s1 =	ssub.s32 @!p0 $0x0, s1;
	[sflag:s0] =	ssyncset.done @!p0 $0x0  }
0x78: {  	[sflag:s0] =	ssyncadd.s32 @!p0 s1  }
0x79: {  	[bflag:$0x3] =	sbarrier.arrive $0xFFFF  }
0x7a: {  	_ =	shalt  }

// kernel: kernel.14.cloned.1.call-start
scs
__scs_entry_jumppad:
0x0: {  	(pc) =	sbr.rel $0x88, $3  }
0x1: {  	(tag) =	ssettag $0x0;
	lr =	simm.s32 $0x1  }
0x2: {  	[smem:$0x3F8F] =	sst lr;
	_ =	strace $0xD0000000  }
0x3: {  	_ = 	snop  }
0x4: {  	_ = 	snop  }
0x5: {  	_ = 	snop  }
0x6: {  	_ = 	snop  }
0x7: {  	_ = 	snop  }
__scs_overlays_trampoline_lowered:
0x8: {  	[smem:$0x3F9E] =	sst s0  }
0x9: {  	[smem:$0x3F9F] =	sst s1  }
0xa: {  	[smem:$0x3FA0] =	sst s2  }
0xb: {  	[smem:$0x3FA1] =	sst s3  }
0xc: {  	[smem:$0x3FA2] =	sst s4  }
0xd: {  	[smem:$0x3FA3] =	sst s5  }
0xe: {  	[smem:$0x3FA4] =	sst s6  }
0xf: {  	[smem:$0x3FA5] =	sst s7  }
0x10: {  	[smem:$0x3FA6] =	sst s8  }
0x11: {  	[smem:$0x3FA7] =	sst s9;
	s0 =	simm.s32 @!p0 $0x0  }
0x12: {  	s1 =	sld [smem:$0x3F8D];
	s0 =	simm.s32 @p0 $0x1  }
0x13: {  	[smem:$0x3FA8] =	sst s0;
	s0 =	simm.s32 @!p1 $0x0  }
0x14: {  	s2 =	sld [smem:$0x3F8C];
	s0 =	simm.s32 @p1 $0x1  }
0x15: {  	[smem:$0x3FA9] =	sst s0;
	s0 =	simm.s32 @!p2 $0x0  }
0x16: {  	s3 =	sld [smem:$0x3FDB];
	s0 =	simm.s32 @p2 $0x1  }
0x17: {  	s4 =	simm.s32 $0x1BF5;
	[smem:$0x3FAB] =	sst s0  }
0x18: {  	s0 =	sld [smem:$0x3F8E];
	_ =	swait.ge [sflag:s4], $0x0  }
0x19: {  	s7 =	sld [smem:$0x3F8F]  }
0x1a: {  	s8 =	sadd.s32 $0xFFFFE003, lr  }
0x1b: {  	s9 =	sadd.s32 $0xFFFFFEF7, lr;
	s5 =	simm.s32 $0xFFFFFFFF;
	p2 =	slt.u32 s8, $0xFFFFF086  }
0x1c: {  	p1 =	slt.u32 s9, $0xF7A;
	s5 =	simm.s32 @!p2 $0x0  }
0x1d: {  	s5 =	simm.s32 @p1 $0x1;
	p0 =	seq.s32 s7, s2  }
0x1e: {  	s7 =	smul.u32 @!p0 $0xF7A, s2;
	p2 =	seq.s32 @!p0 s5, $0x0  }
0x1f: {  	s9 =	smul.u32 $0xF7A, s1;
	s8 =	simm.s32 @!p0 $0x1BF5;
	p2 =	por !p2, p0  }
0x20: {  	[sflag:s8] =	ssyncset.s32 @!p0 $0xFFFFF086;
	s6 =	sadd.s32 @!p0 s3, s7;
	s7 =	simm.s32 @!p0 $0x108  }
0x21: {  	s3 =	sadd.s32 s3, s9;
	s6 =	sadd.s32 @!p0 $0x88, s6;
	s7 =	simm.s32 @p2 $0x1082  }
0x22: {  	[simem:s7], [sflag:s8] =	dma.local @!p0 [hbm:s6], $0xF7A  }
0x23: {  	s9 =	sor.u32 $0xD0000000, s2;
	s6 =	simm.s32 $0x108;
	_ =	swait.ge @!p0 [sflag:s8], $0x0  }
0x24: {  	s3 =	sadd.s32 $0x88, s3;
	s6 =	simm.s32 @!p1 $0x1082;
	[sflag:s4] =	ssyncset.s32 $0xFFFFF086  }
0x25: {  	[simem:s6], [sflag:s4] =	dma.local [hbm:s3], $0xF7A  }
0x26: {  	[smem:$0x3F8F] =	sst s1;
	(tag) =	ssettag s2;
	_ =	strace s9  }
0x27: {  	s1 =	sld [smem:$0x3F9F]  }
0x28: {  	s2 =	sld [smem:$0x3FA0]  }
0x29: {  	s4 =	sld [smem:$0x3FA2]  }
0x2a: {  	p0 =	seq.s32 s5, $0x0;
	s5 =	sld [smem:$0x3FA3]  }
0x2b: {  	s6 =	sld [smem:$0x3FA4]  }
0x2c: {  	s7 =	sld [smem:$0x3FA5]  }
0x2d: {  	s3 =	simm.s32 $0x108;
	s8 =	sld [smem:$0x3FA6]  }
0x2e: {  	s3 =	simm.s32 @!p0 $0x1082;
	s9 =	sld [smem:$0x3FA7]  }
0x2f: {  	lr =	sadd.s32 s0, s3;
	s0 =	sld [smem:$0x3F9E]  }
0x30: {  	s3 =	sld [smem:$0x3FA1]  }
0x31: {  	[smem:$0x3FAA] =	sst s10  }
0x32: {  	s10 =	sld [smem:$0x3FA8];
	_ =	sdelay $0x3  }
0x33: {  	p0 =	seq.s32 s10, $0x1;
	s10 =	sld [smem:$0x3FAA];
	_ =	sdelay $0x3  }
0x34: {  	[smem:$0x3FAA] =	sst s10  }
0x35: {  	s10 =	sld [smem:$0x3FA9];
	_ =	sdelay $0x3  }
0x36: {  	p1 =	seq.s32 s10, $0x1;
	s10 =	sld [smem:$0x3FAA];
	_ =	sdelay $0x3  }
0x37: {  	[smem:$0x3FAA] =	sst s10  }
0x38: {  	s10 =	sld [smem:$0x3FAB]  }
0x39: {  	_ = 	snop;
	(pc) =	sbr.ind lr, $3  }
0x3a: {  	_ = 	snop  }
0x3b: {  	_ = 	snop  }
0x3c: {  	p2 =	seq.s32 s10, $0x1;
	s10 =	sld [smem:$0x3FAA]  }
0x3d: {  	_ =	shalt  }
0x3e: {  	_ =	shalt  }
0x3f: {  	_ =	shalt  }
0x40: {  	_ =	shalt  }
0x41: {  	_ =	shalt  }
0x42: {  	_ =	shalt  }
0x43: {  	_ =	shalt  }
0x44: {  	_ =	shalt  }
0x45: {  	_ =	shalt  }
0x46: {  	_ =	shalt  }
0x47: {  	_ =	shalt  }
0x48: {  	_ =	shalt  }
0x49: {  	_ =	shalt  }
0x4a: {  	_ =	shalt  }
0x4b: {  	_ =	shalt  }
0x4c: {  	_ =	shalt  }
0x4d: {  	_ =	shalt  }
0x4e: {  	_ =	shalt  }
0x4f: {  	_ =	shalt  }
0x50: {  	_ =	shalt  }
0x51: {  	_ =	shalt  }
0x52: {  	_ =	shalt  }
0x53: {  	_ =	shalt  }
0x54: {  	_ =	shalt  }
0x55: {  	_ =	shalt  }
0x56: {  	_ =	shalt  }
0x57: {  	_ =	shalt  }
0x58: {  	_ =	shalt  }
0x59: {  	_ =	shalt  }
0x5a: {  	_ =	shalt  }
0x5b: {  	_ =	shalt  }
0x5c: {  	_ =	shalt  }
0x5d: {  	_ =	shalt  }
0x5e: {  	_ =	shalt  }
0x5f: {  	_ =	shalt  }
0x60: {  	_ =	shalt  }
0x61: {  	_ =	shalt  }
0x62: {  	_ =	shalt  }
0x63: {  	_ =	shalt  }
0x64: {  	_ =	shalt  }
0x65: {  	_ =	shalt  }
0x66: {  	_ =	shalt  }
0x67: {  	_ =	shalt  }
0x68: {  	_ =	shalt  }
0x69: {  	_ =	shalt  }
0x6a: {  	_ =	shalt  }
0x6b: {  	_ =	shalt  }
0x6c: {  	_ =	shalt  }
0x6d: {  	_ =	shalt  }
0x6e: {  	_ =	shalt  }
0x6f: {  	_ =	shalt  }
0x70: {  	_ =	shalt  }
0x71: {  	_ =	shalt  }
0x72: {  	_ =	shalt  }
0x73: {  	_ =	shalt  }
0x74: {  	_ =	shalt  }
0x75: {  	_ =	shalt  }
0x76: {  	_ =	shalt  }
0x77: {  	_ =	shalt  }
0x78: {  	_ =	shalt  }
0x79: {  	_ =	shalt  }
0x7a: {  	_ =	shalt  }
0x7b: {  	_ =	shalt  }
0x7c: {  	_ =	shalt  }
0x7d: {  	_ =	shalt  }
0x7e: {  	_ =	shalt  }
0x7f: {  	_ =	shalt  }
0x80: {  	_ =	shalt  }
0x81: {  	_ =	shalt  }
0x82: {  	_ =	shalt  }
0x83: {  	_ =	shalt  }
0x84: {  	_ =	shalt  }
0x85: {  	_ =	shalt  }
0x86: {  	_ =	shalt  }
0x87: {  	_ =	shalt  }
.Lfunc_end0:
.L_simem_size_0:
called_computation.5_lowered:
.L_overlay_start_0:
0x88: {  	s2 =	sld [smem:$0x3FD9]  }
0x89: {  	s3 =	sld [smem:$0x3FFE];
	_ =	sdelay $0x1  }
0x8a: {  	s1 =	srdreg.scid  }
0x8b: {  	s0 =	sand.u32 $0x1, s1  }
0x8c: {  	s16 =	sshll.u32 s0, $0xA;
	s2 =	sadd.s32 s3, s2  }
0x8d: {  	s2 =	sadd.s32 s2, s16  }
0x8e: {  	[smem:$0x3FB6] =	sst s2  }
0x8f: {  	_ = 	snop  }
0x90: {  	(tm) =	ssettm $0x1  }
0x91: {  	s17 =	sld [smem:$0x3FFB];
	_ =	sdelay $0x3  }
0x92: {  	_ =	strace s17  }
0x93: {  	s2 =	sld [smem:$0x3FFC];
	_ =	sdelay $0x3  }
0x94: {  	_ =	strace s2  }
0x95: {  	s2 =	sld [smem:$0x3FFD];
	_ =	sdelay $0x3  }
0x96: {  	_ =	strace s2  }
0x97: {  	_ =	strace $0x8FFFFFFF  }
0x98: {  	s18 =	sld [smem:$0x3FDB];
	_ =	sdelay $0x1  }
0x99: {  	s19 =	simm.s32 $_scs_section_size  }
0x9a: {  	s4 =	simm.s32 $_size__tile_overlayer_lowered;
	s5 =	simm.s32 $_tile_overlayer_lowered  }
0x9b: {  	s22 =	simm.s32 $0x1BFF;
	s21 =	sshll.u32 s5, $0x1;
	s2 =	sadd.s32 s19, s18  }
0x9c: {  	s6 =	simm.s32 $0x0;
	s20 =	sshll.u32 s4, $0x1;
	s4 =	sadd.s32 s21, s2  }
0x9d: {  	[timem:s6], [sflag:s22] =	dma.local [hbm:s4], s20  }
0x9e: {  	_ =	swait.ge [sflag:s22], s20  }
0x9f: {  	s3 =	ssub.s32 $0x0, s20;
	[sflag:s22] =	ssyncset.done $0x0  }
0xa0: {  	[sflag:s22] =	ssyncadd.s32 s3;
	_ =	sdelay $0x1  }
0xa1: {  	s23 =	simm.s32 $0x1B8B  }
0xa2: {  	_ =	swait.ge [sflag:s23], $0x1  }
0xa3: {  	[sflag:s23] =	ssyncset.done $0x0  }
0xa4: {  	s25 =	simm.s32 $0x1B8E;
	s24 =	sld [smem:$0x3FFE];
	[sflag:s23] =	ssyncadd.s32 $0xFFFFFFFF  }
0xa5: {  	s26 =	simm.s32 $execute0_lowered;
	[smem:$0x3FD2] =	sst s25  }
0xa6: {  	s4 =	sshll.u32 s26, $0x1;
	_ =	strace $0x80000055;
	[dreg:$0x1] =	wrdreg $0xFFFFFFFF  }
0xa7: {  	s28 =	simm.s32 $_size_execute0_lowered;
	s2 =	sadd.s32 s2, s4;
	[dreg:$0x0] =	wrdreg $0x0  }
0xa8: {  	s4 =	sshll.u32 s28, $0x1;
	[dreg:$0x2] =	wrdreg s2  }
0xa9: {  	[dreg:$0x3] =	wrdreg s4  }
0xaa: {  	[dreg:$0x4] =	wrdreg $0xC0  }
0xab: {  	_ =	task [dreg:s6], $0x5FFFF  }
0xac: {  	[dreg:$0x1] =	wrdreg $0xFFFFFFFF  }
0xad: {  	[dreg:$0x0] =	wrdreg $0x60  }
0xae: {  	[dreg:$0x2] =	wrdreg s24  }
0xaf: {  	[dreg:$0x3] =	wrdreg $0x9  }
0xb0: {  	_ =	task.clear_ibuf [dreg:s6], $0x4FFFF;
	_ =	strace $0x90000055  }
0xb1: {  	s29 =	simm.s32 $0x9;
	_ =	strace $0x80000057  }
0xb2: {  	_ =	swait.ge [sflag:s29], $0x1  }
0xb3: {  	[sflag:s29] =	ssyncadd.s32 $0xFFFFFFFF  }
0xb4: {  	_ =	strace $0x90000057  }
0xb5: {  	_ =	sfence  }
0xb6: {  	s30 =	sld [smem:$0x0];
	_ =	sdelay $0x2  }
0xb7: {  	s31 =	sshll.u32 s1, $0xD;
	s1 =	sshrl.u32 s1, $0x2  }
0xb8: {  	s3 =	sand.u32 $0x4000, s31;
	s1 =	sadd.s32 s1, s30  }
0xb9: {  	s0 =	sor.u32 s3, s0;
	s1 =	sshll.u32 s1, $0x11  }
0xba: {  	s0 =	sor.u32 s1, s0  }
0xbb: {  	s0 =	sadd.s32 $0x8F2B, s0  }
0xbc: {  	[sflag:s0] =	ssyncadd.remote.s32 $0x1  }
0xbd: {  	_ =	sfence.sel $0xFFFF  }
0xbe: {  	[dreg:$0x0] =	wrdreg $0xFFFFFFFF;
	(pc) =	sbr.abs _section_cstart, $3  }
0xbf: {  	[dreg:$0x1] =	wrdreg $0xFFFFFFFF  }
0xc0: {  	_ =	task.clear_ibuf [dreg:s6], $0x2FFFF;
	_ =	strace $0x9FFFFFFF  }
0xc1: {  	(tm) =	ssettm $0x7FFFFFFF  }
tec
execute0_lowered:
.L_overlay_start_1:
0x0: {  	(tag) =	ssettag $0x1  }
0x1: {  	s9 =	rddreg [dreg:$0x0]  }
0x2: {  	s0 =	rddreg [dreg:$0x1];
	s1 =	simm.s32 $0x0  }
0x3: {  	s2 =	srdreg.scid;
	s14 =	simm.s32 $0x100;
	s15 =	simm.s32 $0x50  }
0x4: {  	s16 =	simm.s32 $0x180;
	s17 =	simm.s32 $0x2980;
	s18 =	simm.s32 $0x5180  }
0x5: {  	s19 =	simm.s32 $0x1;
	s20 =	simm.s32 $0x2;
	s21 =	simm.s32 $0x3  }
0x6: {  	s22 =	simm.s32 $0x0;
	[smem:$0x7FF] =	sst s1;
	s3 =	sadd.s32 $0x1F600, s9  }
0x7: {  	s4 =	sadd.s32 $0x64600, s9;
	s7 =	sand.u32 $0x1, s2;
	s5 =	sadd.s32 $0x46E00, s9  }
0x8: {  	s2 =	stileid.u32;
	s6 =	sadd.s32 $0x1687000, s9;
	s10 =	smul.u32 $0x4E200, s7  }
0x9: {  	s8 =	sadd.s32 $0x1D57A00, s9;
	s11 =	ssub.s32 $0x2, s7;
	s12 =	smul.u32 $0x4E20, s2  }
0xa: {  	_ =	strace $0x80000056;
	s7 =	sadd.s32 $0x1638E00, s9;
	s13 =	sshrl.u32 s11, $0x1  }
0xb: {  	s9 =	sadd.s32 $0x78000, s9;
	s11 =	ssub.s32 s11, s13;
	s10 =	sadd.s32 s12, s10  }
0xc: {  	s12 =	simm.s32 $0x4;
	s13 =	simm.s32 $0x80;
	s11 =	smax.u32 s11, $0x1  }
.LBB2_1:
0xd: {  	s23 =	simm.s32 $0x0  }
.LBB2_2:
0xe: {  	s24 =	smul.u32 $0x50, s23;
	_ =	sdelay $0x1  }
0xf: {  	s24 =	sadd.s32 s24, s10  }
0x10: {  	s25 =	sshrl.u32 s24, $0x3  }
0x11: {  	s28 =	simm.s32 $0x0;
	s26 =	sadd.s32 s3, s25  }
0x12: {  	[tilespmem:s28], [sflag:$0x4] =	stream.linear.gather [hbm4b:s26+s28], $0x50, $0x38;
	[tilespmem:$0x7980] =	vst v63  }
0x13: {  	_ =	swait.ge [sflag:s12], $0x50  }
0x14: {  	[sflag:s12] =	ssyncset.done $0x0  }
0x15: {  	s31 =	sadd.s32 s4, s25;
	[sflag:s12] =	ssyncadd.s32 $0xFFFFFFB0  }
0x16: {  	[tilespmem:s13], [sflag:$0x4] =	stream.linear.gather [hbm4b:s31+s28], $0x50, $0x38;
	[tilespmem:$0x7980] =	vst v63  }
0x17: {  	_ =	swait.ge [sflag:s12], $0x50  }
0x18: {  	[sflag:s12] =	ssyncset.done $0x0  }
0x19: {  	s25 =	sadd.s32 s5, s25;
	[sflag:s12] =	ssyncadd.s32 $0xFFFFFFB0  }
0x1a: {  	[tilespmem:s14], [sflag:$0x4] =	stream.linear.gather [hbm4b:s25+s28], $0x50, $0x38;
	[tilespmem:$0x7980] =	vst v63  }
0x1b: {  	_ =	swait.ge [sflag:s12], $0x50  }
0x1c: {  	[sflag:s12] =	ssyncset.done $0x0  }
0x1d: {  	[sflag:s12] =	ssyncadd.s32 $0xFFFFFFB0  }
0x1e: {  	[tilespmem:s16], [sflag:$0x1] =	stream.indirect.gather [hbm4b:s6+s15], $0x80, s28, s15, $0xb8;
	[tilespmem:$0x7980] =	vst v63  }
0x1f: {  	_ = 	snop  }
0x20: {  	[tilespmem:s17], [sflag:$0x2] =	stream.indirect.gather [hbm4b:s7+s15], $0x80, s13, s15, $0xb8;
	[tilespmem:$0x7980] =	vst v63  }
0x21: {  	_ = 	snop  }
0x22: {  	[tilespmem:s18], [sflag:$0x3] =	stream.indirect.gather [hbm4b:s8+s15], $0x80, s14, s15, $0xb8;
	[tilespmem:$0x7980] =	vst v63  }
0x23: {  	_ =	swait.ge [sflag:s19], $0x2800  }
0x24: {  	[sflag:s19] =	ssyncset.done $0x0  }
0x25: {  	[sflag:s19] =	ssyncadd.s32 $0xFFFFD800  }
0x26: {  	_ =	swait.ge [sflag:s20], $0x2800  }
0x27: {  	[sflag:s20] =	ssyncset.done $0x0  }
0x28: {  	[sflag:s20] =	ssyncadd.s32 $0xFFFFD800  }
0x29: {  	_ =	swait.ge [sflag:s21], $0x2800  }
0x2a: {  	[sflag:s21] =	ssyncset.done $0x0  }
0x2b: {  	s25 =	simm.s32 $0x0;
	[sflag:s21] =	ssyncadd.s32 $0xFFFFD800  }
0x2c: {  	v5 =	vld [tilespmem:s25+$0x5180]  }
0x2d: {  	v4 =	vld [tilespmem:s25+$0x5190]  }
0x2e: {  	v3 =	vld [tilespmem:s25+$0x51A0]  }
0x2f: {  	v2 =	vld [tilespmem:s25+$0x51B0]  }
0x30: {  	v1 =	vld [tilespmem:s25+$0x51C0]  }
0x31: {  	v0 =	vld [tilespmem:s25+$0x51D0]  }
0x32: {  	v12 =	vld [tilespmem:s25+$0x2980]  }
0x33: {  	v17 =	vld [tilespmem:s25+$0x2990]  }
0x34: {  	v11 =	vld [tilespmem:s25+$0x29A0]  }
0x35: {  	v10 =	vld [tilespmem:s25+$0x29B0]  }
0x36: {  	v9 =	vld [tilespmem:s25+$0x29C0]  }
0x37: {  	v8 =	vld [tilespmem:s25+$0x29D0]  }
0x38: {  	v7 =	vld [tilespmem:s25+$0x29E0]  }
0x39: {  	v6 =	vld [tilespmem:s25+$0x29F0]  }
0x3a: {  	v18 =	vld [tilespmem:s25+$0x180]  }
0x3b: {  	v19 =	vld [tilespmem:s25+$0x190]  }
0x3c: {  	v16 =	vld [tilespmem:s25+$0x1A0]  }
0x3d: {  	v15 =	vld [tilespmem:s25+$0x1B0]  }
0x3e: {  	v14 =	vld [tilespmem:s25+$0x1C0]  }
0x3f: {  	v13 =	vld [tilespmem:s25+$0x1D0];
	v18 =	vadd.f32 v12, v18  }
0x40: {  	s26 =	simm.s32 $0x200;
	v17 =	vadd.f32 v17, v19;
	v12 =	vld [tilespmem:s25+$0x1E0]  }
.LBB2_3:
0x41: {  	p0 =	sne.s32 s26, $0x9E00;
	v5 =	vadd.f32 v5, v18;
	v11 =	vadd.f32 v11, v16;
	v16 =	vld [tilespmem:s25+$0x1F0]  }
0x42: {  	v4 =	vadd.f32 v4, v17;
	v10 =	vadd.f32 v10, v15;
	v15 =	vld [tilespmem:s25+$0x51E0]  }
0x43: {  	s28 =	sshra.s32 s26, $0x2;
	[tilespmem:s25+$0x180] =	vst v5;
	v3 =	vadd.f32 v3, v11;
	v9 =	vadd.f32 v9, v14;
	v11 =	vld [tilespmem:s25+$0x51F0]  }
0x44: {  	v5 =	vld [tilespmem:s28+$0x5180];
	[tilespmem:s25+$0x190] =	vst v4;
	v2 =	vadd.f32 v2, v10;
	v8 =	vadd.f32 v8, v13  }
0x45: {  	v4 =	vld [tilespmem:s28+$0x5190];
	[tilespmem:s25+$0x1A0] =	vst v3;
	v1 =	vadd.f32 v1, v9;
	v7 =	vadd.f32 v7, v12  }
0x46: {  	v3 =	vld [tilespmem:s28+$0x51A0];
	[tilespmem:s25+$0x1B0] =	vst v2;
	v0 =	vadd.f32 v0, v8;
	v6 =	vadd.f32 v6, v16  }
0x47: {  	v2 =	vld [tilespmem:s28+$0x51B0];
	[tilespmem:s25+$0x1C0] =	vst v1;
	v7 =	vadd.f32 v15, v7  }
0x48: {  	v1 =	vld [tilespmem:s28+$0x51C0];
	[tilespmem:s25+$0x1D0] =	vst v0;
	v6 =	vadd.f32 v11, v6  }
0x49: {  	v0 =	vld [tilespmem:s28+$0x51D0];
	[tilespmem:s25+$0x1E0] =	vst v7  }
0x4a: {  	v12 =	vld [tilespmem:s28+$0x2980];
	[tilespmem:s25+$0x1F0] =	vst v6;
	s25 =	smov.u32 s28  }
0x4b: {  	v17 =	vld [tilespmem:s25+$0x2990]  }
0x4c: {  	v11 =	vld [tilespmem:s25+$0x29A0]  }
0x4d: {  	v10 =	vld [tilespmem:s25+$0x29B0]  }
0x4e: {  	v9 =	vld [tilespmem:s25+$0x29C0]  }
0x4f: {  	v8 =	vld [tilespmem:s25+$0x29D0]  }
0x50: {  	v7 =	vld [tilespmem:s25+$0x29E0]  }
0x51: {  	v6 =	vld [tilespmem:s25+$0x29F0]  }
0x52: {  	v13 =	vld [tilespmem:s25+$0x180]  }
0x53: {  	v19 =	vld [tilespmem:s25+$0x190]  }
.Ltmp0:
0x54: {  	v16 =	vld [tilespmem:s25+$0x1A0];
	(pc) =	sbr.rel @p0 .LBB2_3-.Ltmp0, $4  }
0x55: {  	v15 =	vld [tilespmem:s25+$0x1B0]  }
0x56: {  	v14 =	vld [tilespmem:s25+$0x1C0]  }
0x57: {  	v18 =	vadd.f32 v12, v13;
	v13 =	vld [tilespmem:s25+$0x1D0]  }
0x58: {  	s26 =	sadd.s32 $0x200, s26;
	v17 =	vadd.f32 v17, v19;
	v12 =	vld [tilespmem:s25+$0x1E0]  }
0x59: {  	v5 =	vadd.f32 v5, v18;
	v55 =	vld [tilespmem:s25+$0x1F0];
	v11 =	vadd.f32 v11, v16  }
0x5a: {  	v56 =	vld [tilespmem:s25+$0x51E0];
	v4 =	vadd.f32 v4, v17;
	v10 =	vadd.f32 v10, v15  }
0x5b: {  	v58 =	vld [tilespmem:s25+$0x51F0];
	[tilespmem:s25+$0x180] =	vst v5;
	v3 =	vadd.f32 v3, v11;
	v57 =	vadd.f32 v9, v14  }
0x5c: {  	[tilespmem:s25+$0x190] =	vst v4;
	v2 =	vadd.f32 v2, v10;
	v59 =	vadd.f32 v8, v13  }
0x5d: {  	[tilespmem:s25+$0x1A0] =	vst v3;
	v1 =	vadd.f32 v1, v57;
	v60 =	vadd.f32 v7, v12  }
0x5e: {  	[tilespmem:s25+$0x1B0] =	vst v2;
	v0 =	vadd.f32 v0, v59;
	v61 =	vadd.f32 v6, v55  }
0x5f: {  	[tilespmem:s25+$0x1C0] =	vst v1;
	v62 =	vadd.f32 v56, v60  }
0x60: {  	s23 =	sadd.s32 $0x1, s23;
	[tilespmem:s25+$0x1D0] =	vst v0;
	v63 =	vadd.f32 v58, v61  }
0x61: {  	s24 =	sshll.u32 s24, $0x4;
	p0 =	sne.s32 s23, $0xFA;
	[tilespmem:s25+$0x1E0] =	vst v62  }
.Ltmp1:
0x62: {  	s24 =	sadd.s32 s9, s24;
	[tilespmem:s25+$0x1F0] =	vst v63;
	(pc) =	sbr.rel @p0 .LBB2_2-.Ltmp1, $4  }
0x63: {  	[hbm4b:s24+s1] =	stream.linear.scatter [tilespmem:s16], [sflag:$0x4], $0x2800, $0x38;
	[tilespmem:$0x7980] =	vst v63  }
0x64: {  	_ =	swait.ge [sflag:s12], $0x2800  }
0x65: {  	[sflag:s12] =	ssyncset.done $0x0  }
0x66: {  	[sflag:s12] =	ssyncadd.s32 $0xFFFFD800  }
0x67: {  	s22 =	sadd.s32 $0x1, s22  }
0x68: {  	p0 =	sne.s32 s22, s11  }
.Ltmp2:
0x69: {  	_ = 	snop;
	(pc) =	sbr.rel @p0 .LBB2_1-.Ltmp2, $1  }
0x6a: {  	_ =	sdelay $0x3  }
0x6b: {  	_ =	sfence.sel $0x180000  }
0x6c: {  	[bflag:$0x0] =	sbarrier.arrive $0xFFFF  }
0x6d: {  	p0 =	sne.s32 s2, $0x0;
	_ =	strace $0x90000056  }
0x6e: {  	s0 =	sadd.s32 @!p0 $0x100000, s0;
	[bflag:$0x2] =	sbarrier.arrive $0xFFFF  }
0x6f: {  	[sflag:s0] =	ssyncadd.tile.s32 @!p0 $0x1;
	_ =	shalt  }
.Lfunc_end2:
_tile_overlayer_lowered:
.L_overlay_start_2:
0x70: {  	(tag) =	ssettag $0x2  }
0x71: {  	s0 =	rddreg [dreg:$0x0];
	s2 =	stileid.u32  }
0x72: {  	s1 =	rddreg [dreg:$0x1];
	p0 =	sne.s32 s2, $0x0  }
0x73: {  	s3 =	rddreg [dreg:$0x2];
	[bflag:$0x3] =	sbarrier.arrive $0xFFFF;
	s2 =	simm.s32 @!p0 $0x1C04  }
0x74: {  	[timem:s3], [sflag:s2] =	dma.local @!p0 [hbm:s0], s1  }
0x75: {  	s0 =	simm.s32 @!p0 $0x4  }
0x76: {  	_ =	swait.ge @!p0 [sflag:s0], s1  }
0x77: {  	s1 =	ssub.s32 @!p0 $0x0, s1;
	[sflag:s0] =	ssyncset.done @!p0 $0x0  }
0x78: {  	[sflag:s0] =	ssyncadd.s32 @!p0 s1  }
0x79: {  	[bflag:$0x3] =	sbarrier.arrive $0xFFFF  }
0x7a: {  	_ =	shalt  }

</sc_bundles>
